<compile_context>
chip_gen: v7x
topology: tpu7x:2x2x1
jax: 0.10.2.dev20260603
libtpu: 0.0.44.dev20260713+nightly
codegen_flags: <defaults>
</compile_context>

<pallas_src>
import jax
import jax.numpy as jnp
from jax import lax
from jax.experimental import pallas as pl
from jax.experimental.pallas import tpu as pltpu
from jax.experimental.pallas import tpu_sc as plsc

N = 10000
H = 16
NC = 2
NS = 16
NW = NC * NS
CHUNK = 128
NPAD = 10112
TRASH = 10000
ROWS_PER_SUB = NPAD // NS

def _mesh():
    return plsc.VectorSubcoreMesh(
        core_axis_name="c", subcore_axis_name="s",
        num_cores=NC, num_subcores=NS,
    )


_sc_params = pltpu.CompilerParams(use_tc_tiling_on_sc=False)


def _deg_body(srcm_hbm, dstm_hbm, ones_hbm, zeros_hbm,
              ds_hbm, dd_hbm,
              sidx_all, didx_all, ones_v, acc_s, acc_d,
              isem, ssem):
    halves = srcm_hbm.shape[0] // NW
    c = lax.axis_index("c")
    s = lax.axis_index("s")
    wid = s * NC + c
    r0 = s * ROWS_PER_SUB
    rows = pl.ds(r0, ROWS_PER_SUB)
    tile_rows = pl.ds(wid * halves, halves)
    i1 = pltpu.async_copy(srcm_hbm.at[tile_rows], sidx_all, isem)
    i2 = pltpu.async_copy(dstm_hbm.at[tile_rows], didx_all, isem)
    pltpu.sync_copy(zeros_hbm.at[rows], acc_s.at[rows])
    pltpu.sync_copy(zeros_hbm.at[rows], acc_d.at[rows])
    pltpu.sync_copy(ones_hbm, ones_v)
    i1.wait()
    i2.wait()
    plsc.subcore_barrier()

    for j in range(halves):
        c1 = pltpu.async_copy(ones_v, acc_s.at[sidx_all.at[j]], ssem,
                              add=True)
        c2 = pltpu.async_copy(ones_v, acc_d.at[didx_all.at[j]], isem,
                              add=True)
        c1.wait()
        c2.wait()

    plsc.subcore_barrier()
    pltpu.sync_copy(acc_s.at[rows], ds_hbm.at[c, rows])
    pltpu.sync_copy(acc_d.at[rows], dd_hbm.at[c, rows])


def _msg_body(h_hbm, src_hbm, dstm_hbm, zeros_hbm, out_hbm,
              sidx_all, didx_all, gbuf, acc, h_spm, isem, gsem, ssem):
    halves = src_hbm.shape[0] // NW
    c = lax.axis_index("c")
    s = lax.axis_index("s")
    wid = s * NC + c
    r0 = s * ROWS_PER_SUB
    rows = pl.ds(r0, ROWS_PER_SUB)
    tile_rows = pl.ds(wid * halves, halves)
    i1 = pltpu.async_copy(src_hbm.at[tile_rows], sidx_all, isem)
    i2 = pltpu.async_copy(dstm_hbm.at[tile_rows], didx_all, isem)
    pltpu.sync_copy(zeros_hbm.at[rows], acc.at[rows])
    hrows = pl.ds(s * 624, 624)
    pltpu.sync_copy(h_hbm.at[hrows], h_spm.at[hrows])

    @pl.when(s == 0)
    def _():
        tail = pl.ds(16 * 624, N - 16 * 624)
        pltpu.sync_copy(h_hbm.at[tail], h_spm.at[tail])

    i1.wait()
    i2.wait()
    plsc.subcore_barrier()

    gcp = pltpu.async_copy(h_spm.at[sidx_all.at[0]], gbuf.at[0], gsem)
    scp = None
    for j in range(halves):
        gcp.wait()
        if scp is not None:
            scp.wait()
        scp = pltpu.async_copy(gbuf.at[j % 2], acc.at[didx_all.at[j]],
                               ssem, add=True)
        if j + 1 < halves:
            gcp = pltpu.async_copy(h_spm.at[sidx_all.at[j + 1]],
                                   gbuf.at[(j + 1) % 2], gsem)
    scp.wait()

    plsc.subcore_barrier()
    pltpu.sync_copy(acc.at[rows], out_hbm.at[c, rows])


def _deg_call(srcm_s, dstm_s, ones, zeros):
    f32 = jnp.float32
    slab = srcm_s.shape[1]
    k = pl.kernel(
        _deg_body,
        out_type=[
            jax.ShapeDtypeStruct((NC, NPAD, H), f32),
            jax.ShapeDtypeStruct((NC, NPAD, H), f32),
        ],
        mesh=_mesh(),
        compiler_params=_sc_params,
        scratch_types=[
            pltpu.VMEM((srcm_s.shape[0] // NW, slab), jnp.int32),
            pltpu.VMEM((srcm_s.shape[0] // NW, slab), jnp.int32),
            pltpu.VMEM((slab, H), f32),
            pltpu.VMEM_SHARED((NPAD, H), f32),
            pltpu.VMEM_SHARED((NPAD, H), f32),
            pltpu.SemaphoreType.DMA,
            pltpu.SemaphoreType.DMA,
        ],
    )
    return k(srcm_s, dstm_s, ones, zeros)


def _msg_call(h, src_s, dstm_s, zeros):
    f32 = jnp.float32
    slab = src_s.shape[1]
    k = pl.kernel(
        _msg_body,
        out_type=jax.ShapeDtypeStruct((NC, NPAD, H), f32),
        mesh=_mesh(),
        compiler_params=_sc_params,
        scratch_types=[
            pltpu.VMEM((src_s.shape[0] // NW, slab), jnp.int32),
            pltpu.VMEM((src_s.shape[0] // NW, slab), jnp.int32),
            pltpu.VMEM((2, slab, H), f32),
            pltpu.VMEM_SHARED((NPAD, H), f32),
            pltpu.VMEM_SHARED((N, H), f32),
            pltpu.SemaphoreType.DMA,
            pltpu.SemaphoreType.DMA,
            pltpu.SemaphoreType.DMA,
        ],
    )
    return k(h, src_s, dstm_s, zeros)



def _mask_body(src_ref, dst_ref, sm_ref, dm_ref):
    s = src_ref[...]
    d = dst_ref[...]
    eq = s == d
    sm_ref[...] = jnp.where(eq, TRASH, s)
    dm_ref[...] = jnp.where(eq, TRASH, d)


def _mask(src_c, dst_c):
    return pl.pallas_call(
        _mask_body,
        out_shape=[jax.ShapeDtypeStruct(src_c.shape, jnp.int32)] * 2,
    )(src_c, dst_c)


def _mm0s_body(x_ref, w_ref, ds_ref, dd_ref, hs_ref, osc_ref, isc_ref):
    osc = lax.rsqrt(ds_ref[0] + ds_ref[1] + 1.0)
    isc = lax.rsqrt(dd_ref[0] + dd_ref[1] + 1.0)
    h = jnp.dot(x_ref[...], w_ref[...], preferred_element_type=jnp.float32)
    hs_ref[...] = h * osc
    osc_ref[...] = osc
    isc_ref[...] = isc


def _mm0s(x, W0, ds, dd):
    blk = 2000
    f32 = jnp.float32
    return pl.pallas_call(
        _mm0s_body,
        grid=(N // blk,),
        in_specs=[
            pl.BlockSpec((blk, x.shape[1]), lambda i: (i, 0)),
            pl.BlockSpec((x.shape[1], H), lambda i: (0, 0)),
            pl.BlockSpec((NC, blk, H), lambda i: (0, i, 0)),
            pl.BlockSpec((NC, blk, H), lambda i: (0, i, 0)),
        ],
        out_specs=[
            pl.BlockSpec((blk, H), lambda i: (i, 0)),
            pl.BlockSpec((blk, H), lambda i: (i, 0)),
            pl.BlockSpec((blk, H), lambda i: (i, 0)),
        ],
        out_shape=[jax.ShapeDtypeStruct((N, H), f32)] * 3,
    )(x, W0, ds, dd)


def _mid_body(p_ref, hs_ref, isc_ref, osc_ref, w_ref, b_ref, o_ref):
    agg = (p_ref[0] + p_ref[1] + hs_ref[...]) * isc_ref[...] + b_ref[...]
    a = jnp.maximum(agg, 0.0)
    o_ref[...] = jnp.dot(a, w_ref[...],
                         preferred_element_type=jnp.float32) * osc_ref[...]


def _mid(p, hs, isc, osc, Wn, b):
    return pl.pallas_call(
        _mid_body,
        out_shape=jax.ShapeDtypeStruct((N, H), jnp.float32),
    )(p, hs, isc, osc, Wn, b.reshape(1, H))


def _final_body(p_ref, hs_ref, isc_ref, b_ref, o_ref):
    o_ref[...] = (p_ref[0] + p_ref[1] + hs_ref[...]) * isc_ref[...] + b_ref[...]


def _final(p, hs, isc, b):
    return pl.pallas_call(
        _final_body,
        out_shape=jax.ShapeDtypeStruct((N, H), jnp.float32),
    )(p, hs, isc, b.reshape(1, H))


def kernel(x, edge_index, W0, b0, W1, b1, W2, b2):
    src = edge_index[0]
    dst = edge_index[1]
    e = src.shape[0]
    pad = (-e) % (NW * CHUNK)
    if pad:
        z = jnp.zeros((pad,), jnp.int32)
        src = jnp.concatenate([src, z])
        dst = jnp.concatenate([dst, z])
    nchunks = src.shape[0] // CHUNK
    slab = src.shape[0] // (NW * 2)
    src_c = src.reshape(nchunks, CHUNK)
    dst_c = dst.reshape(nchunks, CHUNK)
    ones = jnp.ones((slab, H), jnp.float32)
    zeros = jnp.zeros((NPAD, H), jnp.float32)

    srcm_c, dstm_c = _mask(src_c, dst_c)
    srcm_s = srcm_c.reshape(NW * 2, slab)
    dstm_s = dstm_c.reshape(NW * 2, slab)
    ds_part, dd_part = _deg_call(srcm_s, dstm_s, ones, zeros)
    mslab = src.shape[0] // (NW * 4)
    src_s = src.reshape(NW * 4, mslab)
    dstm_m = dstm_c.reshape(NW * 4, mslab)
    h0s, osc, isc = _mm0s(x, W0, ds_part[:, :N], dd_part[:, :N])
    p0 = _msg_call(h0s, src_s, dstm_m, zeros)[:, :N]
    h1s = _mid(p0, h0s, isc, osc, W1, b0)
    p1 = _msg_call(h1s, src_s, dstm_m, zeros)[:, :N]
    h2s = _mid(p1, h1s, isc, osc, W2, b1)
    p2 = _msg_call(h2s, src_s, dstm_m, zeros)[:, :N]
    return _final(p2, h2s, isc, b2)

# --- scband reference (transcript-rebuilt; emitter-appended) ---
"""Pipeline reference for scband-gcn-33500744909168 (READ-ONLY COPY).

The authoritative reference and input builder live on the scoring server;
editing this copy changes nothing except your own understanding.
"""

import jax, jax.numpy as jnp
import numpy as np

N_NODES = 10000
N_EDGES = 320000
D_FEAT = 128
H_DIM = 16

def _gconv(x, src, dst, mask, W, b, n):
    # DGL GraphConv with norm='both', after remove_self_loop + add_self_loop.
    # mask zeros out pre-existing self-loops; exactly one self-loop per node is
    # accounted for analytically (the '+ 1.0' in degrees and '+ h' in aggregation).
    out_deg = jnp.zeros((n,), x.dtype).at[src].add(mask) + 1.0
    in_deg = jnp.zeros((n,), x.dtype).at[dst].add(mask) + 1.0
    h = x @ W
    h = h * (out_deg ** -0.5)[:, None]
    msg = h[src] * mask[:, None]
    agg = jnp.zeros((n, h.shape[1]), x.dtype).at[dst].add(msg) + h
    agg = agg * (in_deg ** -0.5)[:, None]
    return agg + b

def setup_inputs(seed: int = 0) -> dict:
    key = jax.random.key(seed)
    ks = jax.random.split(key, 8)
    x = jax.random.normal(ks[0], (N_NODES, D_FEAT), dtype=jnp.float32)
    edge_index = jax.random.randint(ks[1], (2, N_EDGES), 0, N_NODES, dtype=jnp.int32)
    W0 = jax.random.normal(ks[2], (D_FEAT, H_DIM), dtype=jnp.float32) * (1.0 / np.sqrt(D_FEAT))
    b0 = jnp.zeros((H_DIM,), dtype=jnp.float32)
    W1 = jax.random.normal(ks[3], (H_DIM, H_DIM), dtype=jnp.float32) * (1.0 / np.sqrt(H_DIM))
    b1 = jnp.zeros((H_DIM,), dtype=jnp.float32)
    W2 = jax.random.normal(ks[4], (H_DIM, H_DIM), dtype=jnp.float32) * (1.0 / np.sqrt(H_DIM))
    b2 = jnp.zeros((H_DIM,), dtype=jnp.float32)
    return {"x": x, "edge_index": edge_index, "W0": W0, "b0": b0, "W1": W1, "b1": b1, "W2": W2, "b2": b2}

def reference(x, edge_index, W0, b0, W1, b1, W2, b2):
    n = x.shape[0]
    src = edge_index[0]
    dst = edge_index[1]
    mask = (src != dst).astype(x.dtype)
    # layer 0 + relu (dropout is identity in eval mode)
    h = jax.nn.relu(_gconv(x, src, dst, mask, W0, b0, n))
    # layer 1 + relu
    h = jax.nn.relu(_gconv(h, src, dst, mask, W1, b1, n))
    # layer 2 (no relu)
    h = _gconv(h, src, dst, mask, W2, b2, n)
    return h

if __name__ == "__main__":
    import jax
    _d = setup_inputs()
    print(jax.jit(kernel)(*tuple(_d.values())))

</pallas_src>

<mosaic_0001>
#map = affine_map<(d0, d1) -> (0, 0)>
#map1 = affine_map<(d0, d1) -> (0, 0, 0)>
module attributes {stable_mosaic.version = 14 : i64} {
  func.func @_msg_body(%arg0: i32, %arg1: i32, %arg2: memref<10000x16xf32, #tpu.memory_space<hbm>>, %arg3: memref<128x2528xi32, #tpu.memory_space<hbm>>, %arg4: memref<128x2528xi32, #tpu.memory_space<hbm>>, %arg5: memref<10112x16xf32, #tpu.memory_space<hbm>>, %arg6: memref<2x10112x16xf32, #tpu.memory_space<hbm>>, %arg7: memref<4x2528xi32, #tpu.memory_space<vmem>>, %arg8: memref<4x2528xi32, #tpu.memory_space<vmem>>, %arg9: memref<2x2528x16xf32, #tpu.memory_space<vmem>>, %arg10: memref<10112x16xf32, #tpu.memory_space<vmem_shared>>, %arg11: memref<10000x16xf32, #tpu.memory_space<vmem_shared>>, %arg12: memref<!tpu.dma_semaphore, #tpu.memory_space<semaphore_mem>>, %arg13: memref<!tpu.dma_semaphore, #tpu.memory_space<semaphore_mem>>, %arg14: memref<!tpu.dma_semaphore, #tpu.memory_space<semaphore_mem>>) attributes {dimension_semantics = [#tpu.dimension_semantics<core_parallel>, #tpu.dimension_semantics<subcore_parallel>], iteration_bounds = array<i64: 2, 16>, scalar_prefetch = 0 : i64, scratch_operands = 8 : i64, tpu.core_type = #tpu.core_type<sc_vector_subcore>, window_params = [{transform_indices = #map}, {transform_indices = #map}, {transform_indices = #map}, {transform_indices = #map}, {transform_indices = #map1}]} {
    %mul3A = arith.constant 2 : i32
    %mul3A_0 = arith.muli %arg1, %mul3A : i32
    %add3A = arith.addi %mul3A_0, %arg0 : i32
    %mul3A_1 = arith.constant 632 : i32
    %mul3A_2 = arith.muli %arg1, %mul3A_1 : i32
    %mul3A_3 = arith.constant 4 : i32
    %mul3A_4 = arith.muli %add3A, %mul3A_3 : i32
    %dma_start3A = arith.constant 0 : i32
    %dma_start3A_5 = tpu.memref_slice %arg3[%mul3A_4, %dma_start3A] : memref<128x2528xi32, #tpu.memory_space<hbm>> -> memref<4x2528xi32, #tpu.memory_space<hbm>>
    %dma_start3A_6 = arith.constant 0 : i32
    %dma_start3A_7 = tpu.memref_slice %arg3[%mul3A_4, %dma_start3A_6] : memref<128x2528xi32, #tpu.memory_space<hbm>> -> memref<4x2528xi32, #tpu.memory_space<hbm>>
    tpu.enqueue_dma source(%dma_start3A_7 : memref<4x2528xi32, #tpu.memory_space<hbm>>) target(%arg7 : memref<4x2528xi32, #tpu.memory_space<vmem>>) target_semaphore(%arg12 : memref<!tpu.dma_semaphore, #tpu.memory_space<semaphore_mem>>)
    %dma_start3A_8 = arith.constant 0 : i32
    %dma_start3A_9 = tpu.memref_slice %arg4[%mul3A_4, %dma_start3A_8] : memref<128x2528xi32, #tpu.memory_space<hbm>> -> memref<4x2528xi32, #tpu.memory_space<hbm>>
    %dma_start3A_10 = arith.constant 0 : i32
    %dma_start3A_11 = tpu.memref_slice %arg4[%mul3A_4, %dma_start3A_10] : memref<128x2528xi32, #tpu.memory_space<hbm>> -> memref<4x2528xi32, #tpu.memory_space<hbm>>
    tpu.enqueue_dma source(%dma_start3A_11 : memref<4x2528xi32, #tpu.memory_space<hbm>>) target(%arg8 : memref<4x2528xi32, #tpu.memory_space<vmem>>) target_semaphore(%arg12 : memref<!tpu.dma_semaphore, #tpu.memory_space<semaphore_mem>>)
    "tpu.region"() ({
      %run_scoped3A = tpu.sem_alloc : memref<!tpu.dma_semaphore, #tpu.memory_space<semaphore_mem>>
      %dma_start3A_216 = arith.constant 0 : i32
      %dma_start3A_217 = tpu.memref_slice %arg10[%mul3A_2, %dma_start3A_216] : memref<10112x16xf32, #tpu.memory_space<vmem_shared>> -> memref<632x16xf32, #tpu.memory_space<vmem_shared>>
      %dma_start3A_218 = arith.constant 0 : i32
      %dma_start3A_219 = tpu.memref_slice %arg5[%mul3A_2, %dma_start3A_218] : memref<10112x16xf32, #tpu.memory_space<hbm>> -> memref<632x16xf32, #tpu.memory_space<hbm>>
      tpu.enqueue_dma source(%dma_start3A_219 : memref<632x16xf32, #tpu.memory_space<hbm>>) target(%dma_start3A_217 : memref<632x16xf32, #tpu.memory_space<vmem_shared>>) target_semaphore(%run_scoped3A : memref<!tpu.dma_semaphore, #tpu.memory_space<semaphore_mem>>)
      %dma_wait3A_220 = arith.constant 0 : i32
      %dma_wait3A_221 = tpu.memref_slice %arg10[%mul3A_2, %dma_wait3A_220] : memref<10112x16xf32, #tpu.memory_space<vmem_shared>> -> memref<632x16xf32, #tpu.memory_space<vmem_shared>>
      %dma_wait3A_222 = arith.constant 0 : i32
      %dma_wait3A_223 = tpu.memref_slice %arg5[%mul3A_2, %dma_wait3A_222] : memref<10112x16xf32, #tpu.memory_space<hbm>> -> memref<632x16xf32, #tpu.memory_space<hbm>>
      tpu.wait_dma2 semaphore(%run_scoped3A : memref<!tpu.dma_semaphore, #tpu.memory_space<semaphore_mem>>) src(%dma_wait3A_223 : memref<632x16xf32, #tpu.memory_space<hbm>>) dst(%dma_wait3A_221 : memref<632x16xf32, #tpu.memory_space<vmem_shared>>)
      tpu.yield
    }) : () -> ()
    %mul3A_12 = arith.constant 624 : i32
    %mul3A_13 = arith.muli %arg1, %mul3A_12 : i32
    "tpu.region"() ({
      %run_scoped3A = tpu.sem_alloc : memref<!tpu.dma_semaphore, #tpu.memory_space<semaphore_mem>>
      %dma_start3A_216 = arith.constant 0 : i32
      %dma_start3A_217 = tpu.memref_slice %arg11[%mul3A_13, %dma_start3A_216] : memref<10000x16xf32, #tpu.memory_space<vmem_shared>> -> memref<624x16xf32, #tpu.memory_space<vmem_shared>>
      %dma_start3A_218 = arith.constant 0 : i32
      %dma_start3A_219 = tpu.memref_slice %arg2[%mul3A_13, %dma_start3A_218] : memref<10000x16xf32, #tpu.memory_space<hbm>> -> memref<624x16xf32, #tpu.memory_space<hbm>>
      tpu.enqueue_dma source(%dma_start3A_219 : memref<624x16xf32, #tpu.memory_space<hbm>>) target(%dma_start3A_217 : memref<624x16xf32, #tpu.memory_space<vmem_shared>>) target_semaphore(%run_scoped3A : memref<!tpu.dma_semaphore, #tpu.memory_space<semaphore_mem>>)
      %dma_wait3A_220 = arith.constant 0 : i32
      %dma_wait3A_221 = tpu.memref_slice %arg11[%mul3A_13, %dma_wait3A_220] : memref<10000x16xf32, #tpu.memory_space<vmem_shared>> -> memref<624x16xf32, #tpu.memory_space<vmem_shared>>
      %dma_wait3A_222 = arith.constant 0 : i32
      %dma_wait3A_223 = tpu.memref_slice %arg2[%mul3A_13, %dma_wait3A_222] : memref<10000x16xf32, #tpu.memory_space<hbm>> -> memref<624x16xf32, #tpu.memory_space<hbm>>
      tpu.wait_dma2 semaphore(%run_scoped3A : memref<!tpu.dma_semaphore, #tpu.memory_space<semaphore_mem>>) src(%dma_wait3A_223 : memref<624x16xf32, #tpu.memory_space<hbm>>) dst(%dma_wait3A_221 : memref<624x16xf32, #tpu.memory_space<vmem_shared>>)
      tpu.yield
    }) : () -> ()
    %eq3A = arith.constant 0 : i32
    %eq3A_14 = arith.cmpi eq, %arg1, %eq3A : i32
    %convert_element_type3A = arith.extui %eq3A_14 : i1 to i32
    %cond3A = arith.constant 0 : i32
    %cond3A_15 = arith.cmpi ne, %convert_element_type3A, %cond3A : i32
    scf.if %cond3A_15 {
      "tpu.region"() ({
        %run_scoped3A = tpu.sem_alloc : memref<!tpu.dma_semaphore, #tpu.memory_space<semaphore_mem>>
        %dma_start3A_216 = arith.constant 9984 : i32
        %dma_start3A_217 = arith.constant 0 : i32
        %dma_start3A_218 = tpu.memref_slice %arg11[%dma_start3A_216, %dma_start3A_217] : memref<10000x16xf32, #tpu.memory_space<vmem_shared>> -> memref<16x16xf32, #tpu.memory_space<vmem_shared>>
        %dma_start3A_219 = arith.constant 9984 : i32
        %dma_start3A_220 = arith.constant 0 : i32
        %dma_start3A_221 = tpu.memref_slice %arg2[%dma_start3A_219, %dma_start3A_220] : memref<10000x16xf32, #tpu.memory_space<hbm>> -> memref<16x16xf32, #tpu.memory_space<hbm>>
        tpu.enqueue_dma source(%dma_start3A_221 : memref<16x16xf32, #tpu.memory_space<hbm>>) target(%dma_start3A_218 : memref<16x16xf32, #tpu.memory_space<vmem_shared>>) target_semaphore(%run_scoped3A : memref<!tpu.dma_semaphore, #tpu.memory_space<semaphore_mem>>)
        %dma_wait3A_222 = arith.constant 9984 : i32
        %dma_wait3A_223 = arith.constant 0 : i32
        %dma_wait3A_224 = tpu.memref_slice %arg11[%dma_wait3A_222, %dma_wait3A_223] : memref<10000x16xf32, #tpu.memory_space<vmem_shared>> -> memref<16x16xf32, #tpu.memory_space<vmem_shared>>
        %dma_wait3A_225 = arith.constant 9984 : i32
        %dma_wait3A_226 = arith.constant 0 : i32
        %dma_wait3A_227 = tpu.memref_slice %arg2[%dma_wait3A_225, %dma_wait3A_226] : memref<10000x16xf32, #tpu.memory_space<hbm>> -> memref<16x16xf32, #tpu.memory_space<hbm>>
        tpu.wait_dma2 semaphore(%run_scoped3A : memref<!tpu.dma_semaphore, #tpu.memory_space<semaphore_mem>>) src(%dma_wait3A_227 : memref<16x16xf32, #tpu.memory_space<hbm>>) dst(%dma_wait3A_224 : memref<16x16xf32, #tpu.memory_space<vmem_shared>>)
        tpu.yield
      }) : () -> ()
    } else {
    }
    %dma_wait3A = arith.constant 0 : i32
    %dma_wait3A_16 = tpu.memref_slice %arg3[%mul3A_4, %dma_wait3A] : memref<128x2528xi32, #tpu.memory_space<hbm>> -> memref<4x2528xi32, #tpu.memory_space<hbm>>
    %dma_wait3A_17 = arith.constant 0 : i32
    %dma_wait3A_18 = tpu.memref_slice %arg3[%mul3A_4, %dma_wait3A_17] : memref<128x2528xi32, #tpu.memory_space<hbm>> -> memref<4x2528xi32, #tpu.memory_space<hbm>>
    tpu.wait_dma2 semaphore(%arg12 : memref<!tpu.dma_semaphore, #tpu.memory_space<semaphore_mem>>) src(%dma_wait3A_18 : memref<4x2528xi32, #tpu.memory_space<hbm>>) dst(%arg7 : memref<4x2528xi32, #tpu.memory_space<vmem>>)
    %dma_wait3A_19 = arith.constant 0 : i32
    %dma_wait3A_20 = tpu.memref_slice %arg4[%mul3A_4, %dma_wait3A_19] : memref<128x2528xi32, #tpu.memory_space<hbm>> -> memref<4x2528xi32, #tpu.memory_space<hbm>>
    %dma_wait3A_21 = arith.constant 0 : i32
    %dma_wait3A_22 = tpu.memref_slice %arg4[%mul3A_4, %dma_wait3A_21] : memref<128x2528xi32, #tpu.memory_space<hbm>> -> memref<4x2528xi32, #tpu.memory_space<hbm>>
    tpu.wait_dma2 semaphore(%arg12 : memref<!tpu.dma_semaphore, #tpu.memory_space<semaphore_mem>>) src(%dma_wait3A_22 : memref<4x2528xi32, #tpu.memory_space<hbm>>) dst(%arg8 : memref<4x2528xi32, #tpu.memory_space<vmem>>)
    %barrier3A = arith.constant 0 : index
    tpu.barrier barrier_id(%barrier3A)
    %dma_start3A_23 = arith.constant 0 : i32
    %dma_start3A_24 = arith.constant 0 : i32
    %dma_start3A_25 = arith.constant 0 : i32
    %dma_start3A_26 = arith.constant 0 : i32
    %dma_start3A_27 = tpu.memref_slice %arg9[%dma_start3A_24, %dma_start3A_25, %dma_start3A_26] : memref<2x2528x16xf32, #tpu.memory_space<vmem>> -> memref<1x2528x16xf32, #tpu.memory_space<vmem>>
    %dma_start3A_28 = tpu.memref_squeeze %dma_start3A_27 : memref<1x2528x16xf32, #tpu.memory_space<vmem>> -> memref<2528x16xf32, #tpu.memory_space<vmem>>
    %dma_start3A_29 = arith.constant 0 : i32
    %dma_start3A_30 = tpu.memref_slice %arg7[%dma_start3A_23, %dma_start3A_29] : memref<4x2528xi32, #tpu.memory_space<vmem>> -> memref<1x2528xi32, #tpu.memory_space<vmem>>
    %dma_start3A_31 = tpu.memref_squeeze %dma_start3A_30 : memref<1x2528xi32, #tpu.memory_space<vmem>> -> memref<2528xi32, #tpu.memory_space<vmem>>
    %dma_start3A_32 = arith.constant 0 : i32
    %dma_start3A_33 = arith.constant 0 : i32
    %dma_start3A_34 = tpu.memref_slice %arg11[%dma_start3A_32, %dma_start3A_33] : memref<10000x16xf32, #tpu.memory_space<vmem_shared>> -> memref<10000x16xf32, #tpu.memory_space<vmem_shared>>
    tpu.enqueue_indirect_dma source(%dma_start3A_34 : memref<10000x16xf32, #tpu.memory_space<vmem_shared>>) target(%dma_start3A_28 : memref<2528x16xf32, #tpu.memory_space<vmem>>) offsets(%dma_start3A_31 : memref<2528xi32, #tpu.memory_space<vmem>>) semaphore(%arg13 : memref<!tpu.dma_semaphore, #tpu.memory_space<semaphore_mem>>)
    %dma_wait3A_35 = arith.constant 0 : i32
    %dma_wait3A_36 = arith.constant 0 : i32
    %dma_wait3A_37 = arith.constant 0 : i32
    %dma_wait3A_38 = arith.constant 0 : i32
    %dma_wait3A_39 = tpu.memref_slice %arg9[%dma_wait3A_36, %dma_wait3A_37, %dma_wait3A_38] : memref<2x2528x16xf32, #tpu.memory_space<vmem>> -> memref<1x2528x16xf32, #tpu.memory_space<vmem>>
    %dma_wait3A_40 = tpu.memref_squeeze %dma_wait3A_39 : memref<1x2528x16xf32, #tpu.memory_space<vmem>> -> memref<2528x16xf32, #tpu.memory_space<vmem>>
    %dma_wait3A_41 = arith.constant 0 : i32
    %dma_wait3A_42 = tpu.memref_slice %arg7[%dma_wait3A_35, %dma_wait3A_41] : memref<4x2528xi32, #tpu.memory_space<vmem>> -> memref<1x2528xi32, #tpu.memory_space<vmem>>
    %dma_wait3A_43 = tpu.memref_squeeze %dma_wait3A_42 : memref<1x2528xi32, #tpu.memory_space<vmem>> -> memref<2528xi32, #tpu.memory_space<vmem>>
    %dma_wait3A_44 = arith.constant 0 : i32
    %dma_wait3A_45 = arith.constant 0 : i32
    %dma_wait3A_46 = tpu.memref_slice %arg11[%dma_wait3A_44, %dma_wait3A_45] : memref<10000x16xf32, #tpu.memory_space<vmem_shared>> -> memref<10000x16xf32, #tpu.memory_space<vmem_shared>>
    tpu.wait_indirect_dma semaphore(%arg13 : memref<!tpu.dma_semaphore, #tpu.memory_space<semaphore_mem>>) src(%dma_wait3A_46 : memref<10000x16xf32, #tpu.memory_space<vmem_shared>>) dst(%dma_wait3A_40 : memref<2528x16xf32, #tpu.memory_space<vmem>>)
    %dma_start3A_47 = arith.constant 0 : i32
    %dma_start3A_48 = arith.constant 0 : i32
    %dma_start3A_49 = arith.constant 0 : i32
    %dma_start3A_50 = arith.constant 0 : i32
    %dma_start3A_51 = tpu.memref_slice %arg9[%dma_start3A_47, %dma_start3A_49, %dma_start3A_50] : memref<2x2528x16xf32, #tpu.memory_space<vmem>> -> memref<1x2528x16xf32, #tpu.memory_space<vmem>>
    %dma_start3A_52 = tpu.memref_squeeze %dma_start3A_51 : memref<1x2528x16xf32, #tpu.memory_space<vmem>> -> memref<2528x16xf32, #tpu.memory_space<vmem>>
    %dma_start3A_53 = arith.constant 0 : i32
    %dma_start3A_54 = tpu.memref_slice %arg8[%dma_start3A_48, %dma_start3A_53] : memref<4x2528xi32, #tpu.memory_space<vmem>> -> memref<1x2528xi32, #tpu.memory_space<vmem>>
    %dma_start3A_55 = tpu.memref_squeeze %dma_start3A_54 : memref<1x2528xi32, #tpu.memory_space<vmem>> -> memref<2528xi32, #tpu.memory_space<vmem>>
    %dma_start3A_56 = arith.constant 0 : i32
    %dma_start3A_57 = arith.constant 0 : i32
    %dma_start3A_58 = tpu.memref_slice %arg10[%dma_start3A_56, %dma_start3A_57] : memref<10112x16xf32, #tpu.memory_space<vmem_shared>> -> memref<10112x16xf32, #tpu.memory_space<vmem_shared>>
    tpu.enqueue_indirect_dma source(%dma_start3A_52 : memref<2528x16xf32, #tpu.memory_space<vmem>>) target(%dma_start3A_58 : memref<10112x16xf32, #tpu.memory_space<vmem_shared>>) offsets(%dma_start3A_55 : memref<2528xi32, #tpu.memory_space<vmem>>) semaphore(%arg14 : memref<!tpu.dma_semaphore, #tpu.memory_space<semaphore_mem>>) {add = true}
    %dma_start3A_59 = arith.constant 1 : i32
    %dma_start3A_60 = arith.constant 1 : i32
    %dma_start3A_61 = arith.constant 0 : i32
    %dma_start3A_62 = arith.constant 0 : i32
    %dma_start3A_63 = tpu.memref_slice %arg9[%dma_start3A_60, %dma_start3A_61, %dma_start3A_62] : memref<2x2528x16xf32, #tpu.memory_space<vmem>> -> memref<1x2528x16xf32, #tpu.memory_space<vmem>>
    %dma_start3A_64 = tpu.memref_squeeze %dma_start3A_63 : memref<1x2528x16xf32, #tpu.memory_space<vmem>> -> memref<2528x16xf32, #tpu.memory_space<vmem>>
    %dma_start3A_65 = arith.constant 0 : i32
    %dma_start3A_66 = tpu.memref_slice %arg7[%dma_start3A_59, %dma_start3A_65] : memref<4x2528xi32, #tpu.memory_space<vmem>> -> memref<1x2528xi32, #tpu.memory_space<vmem>>
    %dma_start3A_67 = tpu.memref_squeeze %dma_start3A_66 : memref<1x2528xi32, #tpu.memory_space<vmem>> -> memref<2528xi32, #tpu.memory_space<vmem>>
    %dma_start3A_68 = arith.constant 0 : i32
    %dma_start3A_69 = arith.constant 0 : i32
    %dma_start3A_70 = tpu.memref_slice %arg11[%dma_start3A_68, %dma_start3A_69] : memref<10000x16xf32, #tpu.memory_space<vmem_shared>> -> memref<10000x16xf32, #tpu.memory_space<vmem_shared>>
    tpu.enqueue_indirect_dma source(%dma_start3A_70 : memref<10000x16xf32, #tpu.memory_space<vmem_shared>>) target(%dma_start3A_64 : memref<2528x16xf32, #tpu.memory_space<vmem>>) offsets(%dma_start3A_67 : memref<2528xi32, #tpu.memory_space<vmem>>) semaphore(%arg13 : memref<!tpu.dma_semaphore, #tpu.memory_space<semaphore_mem>>)
    %dma_wait3A_71 = arith.constant 1 : i32
    %dma_wait3A_72 = arith.constant 1 : i32
    %dma_wait3A_73 = arith.constant 0 : i32
    %dma_wait3A_74 = arith.constant 0 : i32
    %dma_wait3A_75 = tpu.memref_slice %arg9[%dma_wait3A_72, %dma_wait3A_73, %dma_wait3A_74] : memref<2x2528x16xf32, #tpu.memory_space<vmem>> -> memref<1x2528x16xf32, #tpu.memory_space<vmem>>
    %dma_wait3A_76 = tpu.memref_squeeze %dma_wait3A_75 : memref<1x2528x16xf32, #tpu.memory_space<vmem>> -> memref<2528x16xf32, #tpu.memory_space<vmem>>
    %dma_wait3A_77 = arith.constant 0 : i32
    %dma_wait3A_78 = tpu.memref_slice %arg7[%dma_wait3A_71, %dma_wait3A_77] : memref<4x2528xi32, #tpu.memory_space<vmem>> -> memref<1x2528xi32, #tpu.memory_space<vmem>>
    %dma_wait3A_79 = tpu.memref_squeeze %dma_wait3A_78 : memref<1x2528xi32, #tpu.memory_space<vmem>> -> memref<2528xi32, #tpu.memory_space<vmem>>
    %dma_wait3A_80 = arith.constant 0 : i32
    %dma_wait3A_81 = arith.constant 0 : i32
    %dma_wait3A_82 = tpu.memref_slice %arg11[%dma_wait3A_80, %dma_wait3A_81] : memref<10000x16xf32, #tpu.memory_space<vmem_shared>> -> memref<10000x16xf32, #tpu.memory_space<vmem_shared>>
    tpu.wait_indirect_dma semaphore(%arg13 : memref<!tpu.dma_semaphore, #tpu.memory_space<semaphore_mem>>) src(%dma_wait3A_82 : memref<10000x16xf32, #tpu.memory_space<vmem_shared>>) dst(%dma_wait3A_76 : memref<2528x16xf32, #tpu.memory_space<vmem>>)
    %dma_wait3A_83 = arith.constant 0 : i32
    %dma_wait3A_84 = arith.constant 0 : i32
    %dma_wait3A_85 = arith.constant 0 : i32
    %dma_wait3A_86 = arith.constant 0 : i32
    %dma_wait3A_87 = tpu.memref_slice %arg9[%dma_wait3A_83, %dma_wait3A_85, %dma_wait3A_86] : memref<2x2528x16xf32, #tpu.memory_space<vmem>> -> memref<1x2528x16xf32, #tpu.memory_space<vmem>>
    %dma_wait3A_88 = tpu.memref_squeeze %dma_wait3A_87 : memref<1x2528x16xf32, #tpu.memory_space<vmem>> -> memref<2528x16xf32, #tpu.memory_space<vmem>>
    %dma_wait3A_89 = arith.constant 0 : i32
    %dma_wait3A_90 = tpu.memref_slice %arg8[%dma_wait3A_84, %dma_wait3A_89] : memref<4x2528xi32, #tpu.memory_space<vmem>> -> memref<1x2528xi32, #tpu.memory_space<vmem>>
    %dma_wait3A_91 = tpu.memref_squeeze %dma_wait3A_90 : memref<1x2528xi32, #tpu.memory_space<vmem>> -> memref<2528xi32, #tpu.memory_space<vmem>>
    %dma_wait3A_92 = arith.constant 0 : i32
    %dma_wait3A_93 = arith.constant 0 : i32
    %dma_wait3A_94 = tpu.memref_slice %arg10[%dma_wait3A_92, %dma_wait3A_93] : memref<10112x16xf32, #tpu.memory_space<vmem_shared>> -> memref<10112x16xf32, #tpu.memory_space<vmem_shared>>
    tpu.wait_indirect_dma semaphore(%arg14 : memref<!tpu.dma_semaphore, #tpu.memory_space<semaphore_mem>>) src(%dma_wait3A_88 : memref<2528x16xf32, #tpu.memory_space<vmem>>) dst(%dma_wait3A_94 : memref<10112x16xf32, #tpu.memory_space<vmem_shared>>)
    %dma_start3A_95 = arith.constant 1 : i32
    %dma_start3A_96 = arith.constant 1 : i32
    %dma_start3A_97 = arith.constant 0 : i32
    %dma_start3A_98 = arith.constant 0 : i32
    %dma_start3A_99 = tpu.memref_slice %arg9[%dma_start3A_95, %dma_start3A_97, %dma_start3A_98] : memref<2x2528x16xf32, #tpu.memory_space<vmem>> -> memref<1x2528x16xf32, #tpu.memory_space<vmem>>
    %dma_start3A_100 = tpu.memref_squeeze %dma_start3A_99 : memref<1x2528x16xf32, #tpu.memory_space<vmem>> -> memref<2528x16xf32, #tpu.memory_space<vmem>>
    %dma_start3A_101 = arith.constant 0 : i32
    %dma_start3A_102 = tpu.memref_slice %arg8[%dma_start3A_96, %dma_start3A_101] : memref<4x2528xi32, #tpu.memory_space<vmem>> -> memref<1x2528xi32, #tpu.memory_space<vmem>>
    %dma_start3A_103 = tpu.memref_squeeze %dma_start3A_102 : memref<1x2528xi32, #tpu.memory_space<vmem>> -> memref<2528xi32, #tpu.memory_space<vmem>>
    %dma_start3A_104 = arith.constant 0 : i32
    %dma_start3A_105 = arith.constant 0 : i32
    %dma_start3A_106 = tpu.memref_slice %arg10[%dma_start3A_104, %dma_start3A_105] : memref<10112x16xf32, #tpu.memory_space<vmem_shared>> -> memref<10112x16xf32, #tpu.memory_space<vmem_shared>>
    tpu.enqueue_indirect_dma source(%dma_start3A_100 : memref<2528x16xf32, #tpu.memory_space<vmem>>) target(%dma_start3A_106 : memref<10112x16xf32, #tpu.memory_space<vmem_shared>>) offsets(%dma_start3A_103 : memref<2528xi32, #tpu.memory_space<vmem>>) semaphore(%arg14 : memref<!tpu.dma_semaphore, #tpu.memory_space<semaphore_mem>>) {add = true}
    %dma_start3A_107 = arith.constant 2 : i32
    %dma_start3A_108 = arith.constant 0 : i32
    %dma_start3A_109 = arith.constant 0 : i32
    %dma_start3A_110 = arith.constant 0 : i32
    %dma_start3A_111 = tpu.memref_slice %arg9[%dma_start3A_108, %dma_start3A_109, %dma_start3A_110] : memref<2x2528x16xf32, #tpu.memory_space<vmem>> -> memref<1x2528x16xf32, #tpu.memory_space<vmem>>
    %dma_start3A_112 = tpu.memref_squeeze %dma_start3A_111 : memref<1x2528x16xf32, #tpu.memory_space<vmem>> -> memref<2528x16xf32, #tpu.memory_space<vmem>>
    %dma_start3A_113 = arith.constant 0 : i32
    %dma_start3A_114 = tpu.memref_slice %arg7[%dma_start3A_107, %dma_start3A_113] : memref<4x2528xi32, #tpu.memory_space<vmem>> -> memref<1x2528xi32, #tpu.memory_space<vmem>>
    %dma_start3A_115 = tpu.memref_squeeze %dma_start3A_114 : memref<1x2528xi32, #tpu.memory_space<vmem>> -> memref<2528xi32, #tpu.memory_space<vmem>>
    %dma_start3A_116 = arith.constant 0 : i32
    %dma_start3A_117 = arith.constant 0 : i32
    %dma_start3A_118 = tpu.memref_slice %arg11[%dma_start3A_116, %dma_start3A_117] : memref<10000x16xf32, #tpu.memory_space<vmem_shared>> -> memref<10000x16xf32, #tpu.memory_space<vmem_shared>>
    tpu.enqueue_indirect_dma source(%dma_start3A_118 : memref<10000x16xf32, #tpu.memory_space<vmem_shared>>) target(%dma_start3A_112 : memref<2528x16xf32, #tpu.memory_space<vmem>>) offsets(%dma_start3A_115 : memref<2528xi32, #tpu.memory_space<vmem>>) semaphore(%arg13 : memref<!tpu.dma_semaphore, #tpu.memory_space<semaphore_mem>>)
    %dma_wait3A_119 = arith.constant 2 : i32
    %dma_wait3A_120 = arith.constant 0 : i32
    %dma_wait3A_121 = arith.constant 0 : i32
    %dma_wait3A_122 = arith.constant 0 : i32
    %dma_wait3A_123 = tpu.memref_slice %arg9[%dma_wait3A_120, %dma_wait3A_121, %dma_wait3A_122] : memref<2x2528x16xf32, #tpu.memory_space<vmem>> -> memref<1x2528x16xf32, #tpu.memory_space<vmem>>
    %dma_wait3A_124 = tpu.memref_squeeze %dma_wait3A_123 : memref<1x2528x16xf32, #tpu.memory_space<vmem>> -> memref<2528x16xf32, #tpu.memory_space<vmem>>
    %dma_wait3A_125 = arith.constant 0 : i32
    %dma_wait3A_126 = tpu.memref_slice %arg7[%dma_wait3A_119, %dma_wait3A_125] : memref<4x2528xi32, #tpu.memory_space<vmem>> -> memref<1x2528xi32, #tpu.memory_space<vmem>>
    %dma_wait3A_127 = tpu.memref_squeeze %dma_wait3A_126 : memref<1x2528xi32, #tpu.memory_space<vmem>> -> memref<2528xi32, #tpu.memory_space<vmem>>
    %dma_wait3A_128 = arith.constant 0 : i32
    %dma_wait3A_129 = arith.constant 0 : i32
    %dma_wait3A_130 = tpu.memref_slice %arg11[%dma_wait3A_128, %dma_wait3A_129] : memref<10000x16xf32, #tpu.memory_space<vmem_shared>> -> memref<10000x16xf32, #tpu.memory_space<vmem_shared>>
    tpu.wait_indirect_dma semaphore(%arg13 : memref<!tpu.dma_semaphore, #tpu.memory_space<semaphore_mem>>) src(%dma_wait3A_130 : memref<10000x16xf32, #tpu.memory_space<vmem_shared>>) dst(%dma_wait3A_124 : memref<2528x16xf32, #tpu.memory_space<vmem>>)
    %dma_wait3A_131 = arith.constant 1 : i32
    %dma_wait3A_132 = arith.constant 1 : i32
    %dma_wait3A_133 = arith.constant 0 : i32
    %dma_wait3A_134 = arith.constant 0 : i32
    %dma_wait3A_135 = tpu.memref_slice %arg9[%dma_wait3A_131, %dma_wait3A_133, %dma_wait3A_134] : memref<2x2528x16xf32, #tpu.memory_space<vmem>> -> memref<1x2528x16xf32, #tpu.memory_space<vmem>>
    %dma_wait3A_136 = tpu.memref_squeeze %dma_wait3A_135 : memref<1x2528x16xf32, #tpu.memory_space<vmem>> -> memref<2528x16xf32, #tpu.memory_space<vmem>>
    %dma_wait3A_137 = arith.constant 0 : i32
    %dma_wait3A_138 = tpu.memref_slice %arg8[%dma_wait3A_132, %dma_wait3A_137] : memref<4x2528xi32, #tpu.memory_space<vmem>> -> memref<1x2528xi32, #tpu.memory_space<vmem>>
    %dma_wait3A_139 = tpu.memref_squeeze %dma_wait3A_138 : memref<1x2528xi32, #tpu.memory_space<vmem>> -> memref<2528xi32, #tpu.memory_space<vmem>>
    %dma_wait3A_140 = arith.constant 0 : i32
    %dma_wait3A_141 = arith.constant 0 : i32
    %dma_wait3A_142 = tpu.memref_slice %arg10[%dma_wait3A_140, %dma_wait3A_141] : memref<10112x16xf32, #tpu.memory_space<vmem_shared>> -> memref<10112x16xf32, #tpu.memory_space<vmem_shared>>
    tpu.wait_indirect_dma semaphore(%arg14 : memref<!tpu.dma_semaphore, #tpu.memory_space<semaphore_mem>>) src(%dma_wait3A_136 : memref<2528x16xf32, #tpu.memory_space<vmem>>) dst(%dma_wait3A_142 : memref<10112x16xf32, #tpu.memory_space<vmem_shared>>)
    %dma_start3A_143 = arith.constant 0 : i32
    %dma_start3A_144 = arith.constant 2 : i32
    %dma_start3A_145 = arith.constant 0 : i32
    %dma_start3A_146 = arith.constant 0 : i32
    %dma_start3A_147 = tpu.memref_slice %arg9[%dma_start3A_143, %dma_start3A_145, %dma_start3A_146] : memref<2x2528x16xf32, #tpu.memory_space<vmem>> -> memref<1x2528x16xf32, #tpu.memory_space<vmem>>
    %dma_start3A_148 = tpu.memref_squeeze %dma_start3A_147 : memref<1x2528x16xf32, #tpu.memory_space<vmem>> -> memref<2528x16xf32, #tpu.memory_space<vmem>>
    %dma_start3A_149 = arith.constant 0 : i32
    %dma_start3A_150 = tpu.memref_slice %arg8[%dma_start3A_144, %dma_start3A_149] : memref<4x2528xi32, #tpu.memory_space<vmem>> -> memref<1x2528xi32, #tpu.memory_space<vmem>>
    %dma_start3A_151 = tpu.memref_squeeze %dma_start3A_150 : memref<1x2528xi32, #tpu.memory_space<vmem>> -> memref<2528xi32, #tpu.memory_space<vmem>>
    %dma_start3A_152 = arith.constant 0 : i32
    %dma_start3A_153 = arith.constant 0 : i32
    %dma_start3A_154 = tpu.memref_slice %arg10[%dma_start3A_152, %dma_start3A_153] : memref<10112x16xf32, #tpu.memory_space<vmem_shared>> -> memref<10112x16xf32, #tpu.memory_space<vmem_shared>>
    tpu.enqueue_indirect_dma source(%dma_start3A_148 : memref<2528x16xf32, #tpu.memory_space<vmem>>) target(%dma_start3A_154 : memref<10112x16xf32, #tpu.memory_space<vmem_shared>>) offsets(%dma_start3A_151 : memref<2528xi32, #tpu.memory_space<vmem>>) semaphore(%arg14 : memref<!tpu.dma_semaphore, #tpu.memory_space<semaphore_mem>>) {add = true}
    %dma_start3A_155 = arith.constant 3 : i32
    %dma_start3A_156 = arith.constant 1 : i32
    %dma_start3A_157 = arith.constant 0 : i32
    %dma_start3A_158 = arith.constant 0 : i32
    %dma_start3A_159 = tpu.memref_slice %arg9[%dma_start3A_156, %dma_start3A_157, %dma_start3A_158] : memref<2x2528x16xf32, #tpu.memory_space<vmem>> -> memref<1x2528x16xf32, #tpu.memory_space<vmem>>
    %dma_start3A_160 = tpu.memref_squeeze %dma_start3A_159 : memref<1x2528x16xf32, #tpu.memory_space<vmem>> -> memref<2528x16xf32, #tpu.memory_space<vmem>>
    %dma_start3A_161 = arith.constant 0 : i32
    %dma_start3A_162 = tpu.memref_slice %arg7[%dma_start3A_155, %dma_start3A_161] : memref<4x2528xi32, #tpu.memory_space<vmem>> -> memref<1x2528xi32, #tpu.memory_space<vmem>>
    %dma_start3A_163 = tpu.memref_squeeze %dma_start3A_162 : memref<1x2528xi32, #tpu.memory_space<vmem>> -> memref<2528xi32, #tpu.memory_space<vmem>>
    %dma_start3A_164 = arith.constant 0 : i32
    %dma_start3A_165 = arith.constant 0 : i32
    %dma_start3A_166 = tpu.memref_slice %arg11[%dma_start3A_164, %dma_start3A_165] : memref<10000x16xf32, #tpu.memory_space<vmem_shared>> -> memref<10000x16xf32, #tpu.memory_space<vmem_shared>>
    tpu.enqueue_indirect_dma source(%dma_start3A_166 : memref<10000x16xf32, #tpu.memory_space<vmem_shared>>) target(%dma_start3A_160 : memref<2528x16xf32, #tpu.memory_space<vmem>>) offsets(%dma_start3A_163 : memref<2528xi32, #tpu.memory_space<vmem>>) semaphore(%arg13 : memref<!tpu.dma_semaphore, #tpu.memory_space<semaphore_mem>>)
    %dma_wait3A_167 = arith.constant 3 : i32
    %dma_wait3A_168 = arith.constant 1 : i32
    %dma_wait3A_169 = arith.constant 0 : i32
    %dma_wait3A_170 = arith.constant 0 : i32
    %dma_wait3A_171 = tpu.memref_slice %arg9[%dma_wait3A_168, %dma_wait3A_169, %dma_wait3A_170] : memref<2x2528x16xf32, #tpu.memory_space<vmem>> -> memref<1x2528x16xf32, #tpu.memory_space<vmem>>
    %dma_wait3A_172 = tpu.memref_squeeze %dma_wait3A_171 : memref<1x2528x16xf32, #tpu.memory_space<vmem>> -> memref<2528x16xf32, #tpu.memory_space<vmem>>
    %dma_wait3A_173 = arith.constant 0 : i32
    %dma_wait3A_174 = tpu.memref_slice %arg7[%dma_wait3A_167, %dma_wait3A_173] : memref<4x2528xi32, #tpu.memory_space<vmem>> -> memref<1x2528xi32, #tpu.memory_space<vmem>>
    %dma_wait3A_175 = tpu.memref_squeeze %dma_wait3A_174 : memref<1x2528xi32, #tpu.memory_space<vmem>> -> memref<2528xi32, #tpu.memory_space<vmem>>
    %dma_wait3A_176 = arith.constant 0 : i32
    %dma_wait3A_177 = arith.constant 0 : i32
    %dma_wait3A_178 = tpu.memref_slice %arg11[%dma_wait3A_176, %dma_wait3A_177] : memref<10000x16xf32, #tpu.memory_space<vmem_shared>> -> memref<10000x16xf32, #tpu.memory_space<vmem_shared>>
    tpu.wait_indirect_dma semaphore(%arg13 : memref<!tpu.dma_semaphore, #tpu.memory_space<semaphore_mem>>) src(%dma_wait3A_178 : memref<10000x16xf32, #tpu.memory_space<vmem_shared>>) dst(%dma_wait3A_172 : memref<2528x16xf32, #tpu.memory_space<vmem>>)
    %dma_wait3A_179 = arith.constant 0 : i32
    %dma_wait3A_180 = arith.constant 2 : i32
    %dma_wait3A_181 = arith.constant 0 : i32
    %dma_wait3A_182 = arith.constant 0 : i32
    %dma_wait3A_183 = tpu.memref_slice %arg9[%dma_wait3A_179, %dma_wait3A_181, %dma_wait3A_182] : memref<2x2528x16xf32, #tpu.memory_space<vmem>> -> memref<1x2528x16xf32, #tpu.memory_space<vmem>>
    %dma_wait3A_184 = tpu.memref_squeeze %dma_wait3A_183 : memref<1x2528x16xf32, #tpu.memory_space<vmem>> -> memref<2528x16xf32, #tpu.memory_space<vmem>>
    %dma_wait3A_185 = arith.constant 0 : i32
    %dma_wait3A_186 = tpu.memref_slice %arg8[%dma_wait3A_180, %dma_wait3A_185] : memref<4x2528xi32, #tpu.memory_space<vmem>> -> memref<1x2528xi32, #tpu.memory_space<vmem>>
    %dma_wait3A_187 = tpu.memref_squeeze %dma_wait3A_186 : memref<1x2528xi32, #tpu.memory_space<vmem>> -> memref<2528xi32, #tpu.memory_space<vmem>>
    %dma_wait3A_188 = arith.constant 0 : i32
    %dma_wait3A_189 = arith.constant 0 : i32
    %dma_wait3A_190 = tpu.memref_slice %arg10[%dma_wait3A_188, %dma_wait3A_189] : memref<10112x16xf32, #tpu.memory_space<vmem_shared>> -> memref<10112x16xf32, #tpu.memory_space<vmem_shared>>
    tpu.wait_indirect_dma semaphore(%arg14 : memref<!tpu.dma_semaphore, #tpu.memory_space<semaphore_mem>>) src(%dma_wait3A_184 : memref<2528x16xf32, #tpu.memory_space<vmem>>) dst(%dma_wait3A_190 : memref<10112x16xf32, #tpu.memory_space<vmem_shared>>)
    %dma_start3A_191 = arith.constant 1 : i32
    %dma_start3A_192 = arith.constant 3 : i32
    %dma_start3A_193 = arith.constant 0 : i32
    %dma_start3A_194 = arith.constant 0 : i32
    %dma_start3A_195 = tpu.memref_slice %arg9[%dma_start3A_191, %dma_start3A_193, %dma_start3A_194] : memref<2x2528x16xf32, #tpu.memory_space<vmem>> -> memref<1x2528x16xf32, #tpu.memory_space<vmem>>
    %dma_start3A_196 = tpu.memref_squeeze %dma_start3A_195 : memref<1x2528x16xf32, #tpu.memory_space<vmem>> -> memref<2528x16xf32, #tpu.memory_space<vmem>>
    %dma_start3A_197 = arith.constant 0 : i32
    %dma_start3A_198 = tpu.memref_slice %arg8[%dma_start3A_192, %dma_start3A_197] : memref<4x2528xi32, #tpu.memory_space<vmem>> -> memref<1x2528xi32, #tpu.memory_space<vmem>>
    %dma_start3A_199 = tpu.memref_squeeze %dma_start3A_198 : memref<1x2528xi32, #tpu.memory_space<vmem>> -> memref<2528xi32, #tpu.memory_space<vmem>>
    %dma_start3A_200 = arith.constant 0 : i32
    %dma_start3A_201 = arith.constant 0 : i32
    %dma_start3A_202 = tpu.memref_slice %arg10[%dma_start3A_200, %dma_start3A_201] : memref<10112x16xf32, #tpu.memory_space<vmem_shared>> -> memref<10112x16xf32, #tpu.memory_space<vmem_shared>>
    tpu.enqueue_indirect_dma source(%dma_start3A_196 : memref<2528x16xf32, #tpu.memory_space<vmem>>) target(%dma_start3A_202 : memref<10112x16xf32, #tpu.memory_space<vmem_shared>>) offsets(%dma_start3A_199 : memref<2528xi32, #tpu.memory_space<vmem>>) semaphore(%arg14 : memref<!tpu.dma_semaphore, #tpu.memory_space<semaphore_mem>>) {add = true}
    %dma_wait3A_203 = arith.constant 1 : i32
    %dma_wait3A_204 = arith.constant 3 : i32
    %dma_wait3A_205 = arith.constant 0 : i32
    %dma_wait3A_206 = arith.constant 0 : i32
    %dma_wait3A_207 = tpu.memref_slice %arg9[%dma_wait3A_203, %dma_wait3A_205, %dma_wait3A_206] : memref<2x2528x16xf32, #tpu.memory_space<vmem>> -> memref<1x2528x16xf32, #tpu.memory_space<vmem>>
    %dma_wait3A_208 = tpu.memref_squeeze %dma_wait3A_207 : memref<1x2528x16xf32, #tpu.memory_space<vmem>> -> memref<2528x16xf32, #tpu.memory_space<vmem>>
    %dma_wait3A_209 = arith.constant 0 : i32
    %dma_wait3A_210 = tpu.memref_slice %arg8[%dma_wait3A_204, %dma_wait3A_209] : memref<4x2528xi32, #tpu.memory_space<vmem>> -> memref<1x2528xi32, #tpu.memory_space<vmem>>
    %dma_wait3A_211 = tpu.memref_squeeze %dma_wait3A_210 : memref<1x2528xi32, #tpu.memory_space<vmem>> -> memref<2528xi32, #tpu.memory_space<vmem>>
    %dma_wait3A_212 = arith.constant 0 : i32
    %dma_wait3A_213 = arith.constant 0 : i32
    %dma_wait3A_214 = tpu.memref_slice %arg10[%dma_wait3A_212, %dma_wait3A_213] : memref<10112x16xf32, #tpu.memory_space<vmem_shared>> -> memref<10112x16xf32, #tpu.memory_space<vmem_shared>>
    tpu.wait_indirect_dma semaphore(%arg14 : memref<!tpu.dma_semaphore, #tpu.memory_space<semaphore_mem>>) src(%dma_wait3A_208 : memref<2528x16xf32, #tpu.memory_space<vmem>>) dst(%dma_wait3A_214 : memref<10112x16xf32, #tpu.memory_space<vmem_shared>>)
    %barrier3A_215 = arith.constant 0 : index
    tpu.barrier barrier_id(%barrier3A_215)
    "tpu.region"() ({
      %run_scoped3A = tpu.sem_alloc : memref<!tpu.dma_semaphore, #tpu.memory_space<semaphore_mem>>
      %dma_start3A_216 = arith.constant 0 : i32
      %dma_start3A_217 = tpu.memref_slice %arg6[%arg0, %mul3A_2, %dma_start3A_216] : memref<2x10112x16xf32, #tpu.memory_space<hbm>> -> memref<1x632x16xf32, #tpu.memory_space<hbm>>
      %dma_start3A_218 = tpu.memref_squeeze %dma_start3A_217 : memref<1x632x16xf32, #tpu.memory_space<hbm>> -> memref<632x16xf32, #tpu.memory_space<hbm>>
      %dma_start3A_219 = arith.constant 0 : i32
      %dma_start3A_220 = tpu.memref_slice %arg10[%mul3A_2, %dma_start3A_219] : memref<10112x16xf32, #tpu.memory_space<vmem_shared>> -> memref<632x16xf32, #tpu.memory_space<vmem_shared>>
      tpu.enqueue_dma source(%dma_start3A_220 : memref<632x16xf32, #tpu.memory_space<vmem_shared>>) target(%dma_start3A_218 : memref<632x16xf32, #tpu.memory_space<hbm>>) target_semaphore(%run_scoped3A : memref<!tpu.dma_semaphore, #tpu.memory_space<semaphore_mem>>)
      %dma_wait3A_221 = arith.constant 0 : i32
      %dma_wait3A_222 = tpu.memref_slice %arg6[%arg0, %mul3A_2, %dma_wait3A_221] : memref<2x10112x16xf32, #tpu.memory_space<hbm>> -> memref<1x632x16xf32, #tpu.memory_space<hbm>>
      %dma_wait3A_223 = tpu.memref_squeeze %dma_wait3A_222 : memref<1x632x16xf32, #tpu.memory_space<hbm>> -> memref<632x16xf32, #tpu.memory_space<hbm>>
      %dma_wait3A_224 = arith.constant 0 : i32
      %dma_wait3A_225 = tpu.memref_slice %arg10[%mul3A_2, %dma_wait3A_224] : memref<10112x16xf32, #tpu.memory_space<vmem_shared>> -> memref<632x16xf32, #tpu.memory_space<vmem_shared>>
      tpu.wait_dma2 semaphore(%run_scoped3A : memref<!tpu.dma_semaphore, #tpu.memory_space<semaphore_mem>>) src(%dma_wait3A_225 : memref<632x16xf32, #tpu.memory_space<vmem_shared>>) dst(%dma_wait3A_223 : memref<632x16xf32, #tpu.memory_space<hbm>>)
      tpu.yield
    }) : () -> ()
    return
  }
}

#map = affine_map<(d0, d1) -> (0, 0)>
#map1 = affine_map<(d0, d1) -> (0, 0, 0)>
module attributes {stable_mosaic.version = 14 : i64} {
  func.func @_deg_body(%arg0: i32, %arg1: i32, %arg2: memref<64x5056xi32, #tpu.memory_space<hbm>>, %arg3: memref<64x5056xi32, #tpu.memory_space<hbm>>, %arg4: memref<5056x16xf32, #tpu.memory_space<hbm>>, %arg5: memref<10112x16xf32, #tpu.memory_space<hbm>>, %arg6: memref<2x10112x16xf32, #tpu.memory_space<hbm>>, %arg7: memref<2x10112x16xf32, #tpu.memory_space<hbm>>, %arg8: memref<2x5056xi32, #tpu.memory_space<vmem>>, %arg9: memref<2x5056xi32, #tpu.memory_space<vmem>>, %arg10: memref<5056x16xf32, #tpu.memory_space<vmem>>, %arg11: memref<10112x16xf32, #tpu.memory_space<vmem_shared>>, %arg12: memref<10112x16xf32, #tpu.memory_space<vmem_shared>>, %arg13: memref<!tpu.dma_semaphore, #tpu.memory_space<semaphore_mem>>, %arg14: memref<!tpu.dma_semaphore, #tpu.memory_space<semaphore_mem>>) attributes {dimension_semantics = [#tpu.dimension_semantics<core_parallel>, #tpu.dimension_semantics<subcore_parallel>], iteration_bounds = array<i64: 2, 16>, scalar_prefetch = 0 : i64, scratch_operands = 7 : i64, tpu.core_type = #tpu.core_type<sc_vector_subcore>, window_params = [{transform_indices = #map}, {transform_indices = #map}, {transform_indices = #map}, {transform_indices = #map}, {transform_indices = #map1}, {transform_indices = #map1}]} {
    %mul3A = arith.constant 2 : i32
    %mul3A_0 = arith.muli %arg1, %mul3A : i32
    %add3A = arith.addi %mul3A_0, %arg0 : i32
    %mul3A_1 = arith.constant 632 : i32
    %mul3A_2 = arith.muli %arg1, %mul3A_1 : i32
    %mul3A_3 = arith.constant 2 : i32
    %mul3A_4 = arith.muli %add3A, %mul3A_3 : i32
    %dma_start3A = arith.constant 0 : i32
    %dma_start3A_5 = tpu.memref_slice %arg2[%mul3A_4, %dma_start3A] : memref<64x5056xi32, #tpu.memory_space<hbm>> -> memref<2x5056xi32, #tpu.memory_space<hbm>>
    %dma_start3A_6 = arith.constant 0 : i32
    %dma_start3A_7 = tpu.memref_slice %arg2[%mul3A_4, %dma_start3A_6] : memref<64x5056xi32, #tpu.memory_space<hbm>> -> memref<2x5056xi32, #tpu.memory_space<hbm>>
    tpu.enqueue_dma source(%dma_start3A_7 : memref<2x5056xi32, #tpu.memory_space<hbm>>) target(%arg8 : memref<2x5056xi32, #tpu.memory_space<vmem>>) target_semaphore(%arg13 : memref<!tpu.dma_semaphore, #tpu.memory_space<semaphore_mem>>)
    %dma_start3A_8 = arith.constant 0 : i32
    %dma_start3A_9 = tpu.memref_slice %arg3[%mul3A_4, %dma_start3A_8] : memref<64x5056xi32, #tpu.memory_space<hbm>> -> memref<2x5056xi32, #tpu.memory_space<hbm>>
    %dma_start3A_10 = arith.constant 0 : i32
    %dma_start3A_11 = tpu.memref_slice %arg3[%mul3A_4, %dma_start3A_10] : memref<64x5056xi32, #tpu.memory_space<hbm>> -> memref<2x5056xi32, #tpu.memory_space<hbm>>
    tpu.enqueue_dma source(%dma_start3A_11 : memref<2x5056xi32, #tpu.memory_space<hbm>>) target(%arg9 : memref<2x5056xi32, #tpu.memory_space<vmem>>) target_semaphore(%arg13 : memref<!tpu.dma_semaphore, #tpu.memory_space<semaphore_mem>>)
    "tpu.region"() ({
      %run_scoped3A = tpu.sem_alloc : memref<!tpu.dma_semaphore, #tpu.memory_space<semaphore_mem>>
      %dma_start3A_76 = arith.constant 0 : i32
      %dma_start3A_77 = tpu.memref_slice %arg11[%mul3A_2, %dma_start3A_76] : memref<10112x16xf32, #tpu.memory_space<vmem_shared>> -> memref<632x16xf32, #tpu.memory_space<vmem_shared>>
      %dma_start3A_78 = arith.constant 0 : i32
      %dma_start3A_79 = tpu.memref_slice %arg5[%mul3A_2, %dma_start3A_78] : memref<10112x16xf32, #tpu.memory_space<hbm>> -> memref<632x16xf32, #tpu.memory_space<hbm>>
      tpu.enqueue_dma source(%dma_start3A_79 : memref<632x16xf32, #tpu.memory_space<hbm>>) target(%dma_start3A_77 : memref<632x16xf32, #tpu.memory_space<vmem_shared>>) target_semaphore(%run_scoped3A : memref<!tpu.dma_semaphore, #tpu.memory_space<semaphore_mem>>)
      %dma_wait3A_80 = arith.constant 0 : i32
      %dma_wait3A_81 = tpu.memref_slice %arg11[%mul3A_2, %dma_wait3A_80] : memref<10112x16xf32, #tpu.memory_space<vmem_shared>> -> memref<632x16xf32, #tpu.memory_space<vmem_shared>>
      %dma_wait3A_82 = arith.constant 0 : i32
      %dma_wait3A_83 = tpu.memref_slice %arg5[%mul3A_2, %dma_wait3A_82] : memref<10112x16xf32, #tpu.memory_space<hbm>> -> memref<632x16xf32, #tpu.memory_space<hbm>>
      tpu.wait_dma2 semaphore(%run_scoped3A : memref<!tpu.dma_semaphore, #tpu.memory_space<semaphore_mem>>) src(%dma_wait3A_83 : memref<632x16xf32, #tpu.memory_space<hbm>>) dst(%dma_wait3A_81 : memref<632x16xf32, #tpu.memory_space<vmem_shared>>)
      tpu.yield
    }) : () -> ()
    "tpu.region"() ({
      %run_scoped3A = tpu.sem_alloc : memref<!tpu.dma_semaphore, #tpu.memory_space<semaphore_mem>>
      %dma_start3A_76 = arith.constant 0 : i32
      %dma_start3A_77 = tpu.memref_slice %arg12[%mul3A_2, %dma_start3A_76] : memref<10112x16xf32, #tpu.memory_space<vmem_shared>> -> memref<632x16xf32, #tpu.memory_space<vmem_shared>>
      %dma_start3A_78 = arith.constant 0 : i32
      %dma_start3A_79 = tpu.memref_slice %arg5[%mul3A_2, %dma_start3A_78] : memref<10112x16xf32, #tpu.memory_space<hbm>> -> memref<632x16xf32, #tpu.memory_space<hbm>>
      tpu.enqueue_dma source(%dma_start3A_79 : memref<632x16xf32, #tpu.memory_space<hbm>>) target(%dma_start3A_77 : memref<632x16xf32, #tpu.memory_space<vmem_shared>>) target_semaphore(%run_scoped3A : memref<!tpu.dma_semaphore, #tpu.memory_space<semaphore_mem>>)
      %dma_wait3A_80 = arith.constant 0 : i32
      %dma_wait3A_81 = tpu.memref_slice %arg12[%mul3A_2, %dma_wait3A_80] : memref<10112x16xf32, #tpu.memory_space<vmem_shared>> -> memref<632x16xf32, #tpu.memory_space<vmem_shared>>
      %dma_wait3A_82 = arith.constant 0 : i32
      %dma_wait3A_83 = tpu.memref_slice %arg5[%mul3A_2, %dma_wait3A_82] : memref<10112x16xf32, #tpu.memory_space<hbm>> -> memref<632x16xf32, #tpu.memory_space<hbm>>
      tpu.wait_dma2 semaphore(%run_scoped3A : memref<!tpu.dma_semaphore, #tpu.memory_space<semaphore_mem>>) src(%dma_wait3A_83 : memref<632x16xf32, #tpu.memory_space<hbm>>) dst(%dma_wait3A_81 : memref<632x16xf32, #tpu.memory_space<vmem_shared>>)
      tpu.yield
    }) : () -> ()
    "tpu.region"() ({
      %run_scoped3A = tpu.sem_alloc : memref<!tpu.dma_semaphore, #tpu.memory_space<semaphore_mem>>
      tpu.enqueue_dma source(%arg4 : memref<5056x16xf32, #tpu.memory_space<hbm>>) target(%arg10 : memref<5056x16xf32, #tpu.memory_space<vmem>>) target_semaphore(%run_scoped3A : memref<!tpu.dma_semaphore, #tpu.memory_space<semaphore_mem>>)
      tpu.wait_dma2 semaphore(%run_scoped3A : memref<!tpu.dma_semaphore, #tpu.memory_space<semaphore_mem>>) src(%arg4 : memref<5056x16xf32, #tpu.memory_space<hbm>>) dst(%arg10 : memref<5056x16xf32, #tpu.memory_space<vmem>>)
      tpu.yield
    }) : () -> ()
    %dma_wait3A = arith.constant 0 : i32
    %dma_wait3A_12 = tpu.memref_slice %arg2[%mul3A_4, %dma_wait3A] : memref<64x5056xi32, #tpu.memory_space<hbm>> -> memref<2x5056xi32, #tpu.memory_space<hbm>>
    %dma_wait3A_13 = arith.constant 0 : i32
    %dma_wait3A_14 = tpu.memref_slice %arg2[%mul3A_4, %dma_wait3A_13] : memref<64x5056xi32, #tpu.memory_space<hbm>> -> memref<2x5056xi32, #tpu.memory_space<hbm>>
    tpu.wait_dma2 semaphore(%arg13 : memref<!tpu.dma_semaphore, #tpu.memory_space<semaphore_mem>>) src(%dma_wait3A_14 : memref<2x5056xi32, #tpu.memory_space<hbm>>) dst(%arg8 : memref<2x5056xi32, #tpu.memory_space<vmem>>)
    %dma_wait3A_15 = arith.constant 0 : i32
    %dma_wait3A_16 = tpu.memref_slice %arg3[%mul3A_4, %dma_wait3A_15] : memref<64x5056xi32, #tpu.memory_space<hbm>> -> memref<2x5056xi32, #tpu.memory_space<hbm>>
    %dma_wait3A_17 = arith.constant 0 : i32
    %dma_wait3A_18 = tpu.memref_slice %arg3[%mul3A_4, %dma_wait3A_17] : memref<64x5056xi32, #tpu.memory_space<hbm>> -> memref<2x5056xi32, #tpu.memory_space<hbm>>
    tpu.wait_dma2 semaphore(%arg13 : memref<!tpu.dma_semaphore, #tpu.memory_space<semaphore_mem>>) src(%dma_wait3A_18 : memref<2x5056xi32, #tpu.memory_space<hbm>>) dst(%arg9 : memref<2x5056xi32, #tpu.memory_space<vmem>>)
    %barrier3A = arith.constant 0 : index
    tpu.barrier barrier_id(%barrier3A)
    %dma_start3A_19 = arith.constant 0 : i32
    %dma_start3A_20 = arith.constant 0 : i32
    %dma_start3A_21 = tpu.memref_slice %arg8[%dma_start3A_19, %dma_start3A_20] : memref<2x5056xi32, #tpu.memory_space<vmem>> -> memref<1x5056xi32, #tpu.memory_space<vmem>>
    %dma_start3A_22 = tpu.memref_squeeze %dma_start3A_21 : memref<1x5056xi32, #tpu.memory_space<vmem>> -> memref<5056xi32, #tpu.memory_space<vmem>>
    %dma_start3A_23 = arith.constant 0 : i32
    %dma_start3A_24 = arith.constant 0 : i32
    %dma_start3A_25 = tpu.memref_slice %arg11[%dma_start3A_23, %dma_start3A_24] : memref<10112x16xf32, #tpu.memory_space<vmem_shared>> -> memref<10112x16xf32, #tpu.memory_space<vmem_shared>>
    tpu.enqueue_indirect_dma source(%arg10 : memref<5056x16xf32, #tpu.memory_space<vmem>>) target(%dma_start3A_25 : memref<10112x16xf32, #tpu.memory_space<vmem_shared>>) offsets(%dma_start3A_22 : memref<5056xi32, #tpu.memory_space<vmem>>) semaphore(%arg14 : memref<!tpu.dma_semaphore, #tpu.memory_space<semaphore_mem>>) {add = true}
    %dma_start3A_26 = arith.constant 0 : i32
    %dma_start3A_27 = arith.constant 0 : i32
    %dma_start3A_28 = tpu.memref_slice %arg9[%dma_start3A_26, %dma_start3A_27] : memref<2x5056xi32, #tpu.memory_space<vmem>> -> memref<1x5056xi32, #tpu.memory_space<vmem>>
    %dma_start3A_29 = tpu.memref_squeeze %dma_start3A_28 : memref<1x5056xi32, #tpu.memory_space<vmem>> -> memref<5056xi32, #tpu.memory_space<vmem>>
    %dma_start3A_30 = arith.constant 0 : i32
    %dma_start3A_31 = arith.constant 0 : i32
    %dma_start3A_32 = tpu.memref_slice %arg12[%dma_start3A_30, %dma_start3A_31] : memref<10112x16xf32, #tpu.memory_space<vmem_shared>> -> memref<10112x16xf32, #tpu.memory_space<vmem_shared>>
    tpu.enqueue_indirect_dma source(%arg10 : memref<5056x16xf32, #tpu.memory_space<vmem>>) target(%dma_start3A_32 : memref<10112x16xf32, #tpu.memory_space<vmem_shared>>) offsets(%dma_start3A_29 : memref<5056xi32, #tpu.memory_space<vmem>>) semaphore(%arg13 : memref<!tpu.dma_semaphore, #tpu.memory_space<semaphore_mem>>) {add = true}
    %dma_wait3A_33 = arith.constant 0 : i32
    %dma_wait3A_34 = arith.constant 0 : i32
    %dma_wait3A_35 = tpu.memref_slice %arg8[%dma_wait3A_33, %dma_wait3A_34] : memref<2x5056xi32, #tpu.memory_space<vmem>> -> memref<1x5056xi32, #tpu.memory_space<vmem>>
    %dma_wait3A_36 = tpu.memref_squeeze %dma_wait3A_35 : memref<1x5056xi32, #tpu.memory_space<vmem>> -> memref<5056xi32, #tpu.memory_space<vmem>>
    %dma_wait3A_37 = arith.constant 0 : i32
    %dma_wait3A_38 = arith.constant 0 : i32
    %dma_wait3A_39 = tpu.memref_slice %arg11[%dma_wait3A_37, %dma_wait3A_38] : memref<10112x16xf32, #tpu.memory_space<vmem_shared>> -> memref<10112x16xf32, #tpu.memory_space<vmem_shared>>
    tpu.wait_indirect_dma semaphore(%arg14 : memref<!tpu.dma_semaphore, #tpu.memory_space<semaphore_mem>>) src(%arg10 : memref<5056x16xf32, #tpu.memory_space<vmem>>) dst(%dma_wait3A_39 : memref<10112x16xf32, #tpu.memory_space<vmem_shared>>)
    %dma_wait3A_40 = arith.constant 0 : i32
    %dma_wait3A_41 = arith.constant 0 : i32
    %dma_wait3A_42 = tpu.memref_slice %arg9[%dma_wait3A_40, %dma_wait3A_41] : memref<2x5056xi32, #tpu.memory_space<vmem>> -> memref<1x5056xi32, #tpu.memory_space<vmem>>
    %dma_wait3A_43 = tpu.memref_squeeze %dma_wait3A_42 : memref<1x5056xi32, #tpu.memory_space<vmem>> -> memref<5056xi32, #tpu.memory_space<vmem>>
    %dma_wait3A_44 = arith.constant 0 : i32
    %dma_wait3A_45 = arith.constant 0 : i32
    %dma_wait3A_46 = tpu.memref_slice %arg12[%dma_wait3A_44, %dma_wait3A_45] : memref<10112x16xf32, #tpu.memory_space<vmem_shared>> -> memref<10112x16xf32, #tpu.memory_space<vmem_shared>>
    tpu.wait_indirect_dma semaphore(%arg13 : memref<!tpu.dma_semaphore, #tpu.memory_space<semaphore_mem>>) src(%arg10 : memref<5056x16xf32, #tpu.memory_space<vmem>>) dst(%dma_wait3A_46 : memref<10112x16xf32, #tpu.memory_space<vmem_shared>>)
    %dma_start3A_47 = arith.constant 1 : i32
    %dma_start3A_48 = arith.constant 0 : i32
    %dma_start3A_49 = tpu.memref_slice %arg8[%dma_start3A_47, %dma_start3A_48] : memref<2x5056xi32, #tpu.memory_space<vmem>> -> memref<1x5056xi32, #tpu.memory_space<vmem>>
    %dma_start3A_50 = tpu.memref_squeeze %dma_start3A_49 : memref<1x5056xi32, #tpu.memory_space<vmem>> -> memref<5056xi32, #tpu.memory_space<vmem>>
    %dma_start3A_51 = arith.constant 0 : i32
    %dma_start3A_52 = arith.constant 0 : i32
    %dma_start3A_53 = tpu.memref_slice %arg11[%dma_start3A_51, %dma_start3A_52] : memref<10112x16xf32, #tpu.memory_space<vmem_shared>> -> memref<10112x16xf32, #tpu.memory_space<vmem_shared>>
    tpu.enqueue_indirect_dma source(%arg10 : memref<5056x16xf32, #tpu.memory_space<vmem>>) target(%dma_start3A_53 : memref<10112x16xf32, #tpu.memory_space<vmem_shared>>) offsets(%dma_start3A_50 : memref<5056xi32, #tpu.memory_space<vmem>>) semaphore(%arg14 : memref<!tpu.dma_semaphore, #tpu.memory_space<semaphore_mem>>) {add = true}
    %dma_start3A_54 = arith.constant 1 : i32
    %dma_start3A_55 = arith.constant 0 : i32
    %dma_start3A_56 = tpu.memref_slice %arg9[%dma_start3A_54, %dma_start3A_55] : memref<2x5056xi32, #tpu.memory_space<vmem>> -> memref<1x5056xi32, #tpu.memory_space<vmem>>
    %dma_start3A_57 = tpu.memref_squeeze %dma_start3A_56 : memref<1x5056xi32, #tpu.memory_space<vmem>> -> memref<5056xi32, #tpu.memory_space<vmem>>
    %dma_start3A_58 = arith.constant 0 : i32
    %dma_start3A_59 = arith.constant 0 : i32
    %dma_start3A_60 = tpu.memref_slice %arg12[%dma_start3A_58, %dma_start3A_59] : memref<10112x16xf32, #tpu.memory_space<vmem_shared>> -> memref<10112x16xf32, #tpu.memory_space<vmem_shared>>
    tpu.enqueue_indirect_dma source(%arg10 : memref<5056x16xf32, #tpu.memory_space<vmem>>) target(%dma_start3A_60 : memref<10112x16xf32, #tpu.memory_space<vmem_shared>>) offsets(%dma_start3A_57 : memref<5056xi32, #tpu.memory_space<vmem>>) semaphore(%arg13 : memref<!tpu.dma_semaphore, #tpu.memory_space<semaphore_mem>>) {add = true}
    %dma_wait3A_61 = arith.constant 1 : i32
    %dma_wait3A_62 = arith.constant 0 : i32
    %dma_wait3A_63 = tpu.memref_slice %arg8[%dma_wait3A_61, %dma_wait3A_62] : memref<2x5056xi32, #tpu.memory_space<vmem>> -> memref<1x5056xi32, #tpu.memory_space<vmem>>
    %dma_wait3A_64 = tpu.memref_squeeze %dma_wait3A_63 : memref<1x5056xi32, #tpu.memory_space<vmem>> -> memref<5056xi32, #tpu.memory_space<vmem>>
    %dma_wait3A_65 = arith.constant 0 : i32
    %dma_wait3A_66 = arith.constant 0 : i32
    %dma_wait3A_67 = tpu.memref_slice %arg11[%dma_wait3A_65, %dma_wait3A_66] : memref<10112x16xf32, #tpu.memory_space<vmem_shared>> -> memref<10112x16xf32, #tpu.memory_space<vmem_shared>>
    tpu.wait_indirect_dma semaphore(%arg14 : memref<!tpu.dma_semaphore, #tpu.memory_space<semaphore_mem>>) src(%arg10 : memref<5056x16xf32, #tpu.memory_space<vmem>>) dst(%dma_wait3A_67 : memref<10112x16xf32, #tpu.memory_space<vmem_shared>>)
    %dma_wait3A_68 = arith.constant 1 : i32
    %dma_wait3A_69 = arith.constant 0 : i32
    %dma_wait3A_70 = tpu.memref_slice %arg9[%dma_wait3A_68, %dma_wait3A_69] : memref<2x5056xi32, #tpu.memory_space<vmem>> -> memref<1x5056xi32, #tpu.memory_space<vmem>>
    %dma_wait3A_71 = tpu.memref_squeeze %dma_wait3A_70 : memref<1x5056xi32, #tpu.memory_space<vmem>> -> memref<5056xi32, #tpu.memory_space<vmem>>
    %dma_wait3A_72 = arith.constant 0 : i32
    %dma_wait3A_73 = arith.constant 0 : i32
    %dma_wait3A_74 = tpu.memref_slice %arg12[%dma_wait3A_72, %dma_wait3A_73] : memref<10112x16xf32, #tpu.memory_space<vmem_shared>> -> memref<10112x16xf32, #tpu.memory_space<vmem_shared>>
    tpu.wait_indirect_dma semaphore(%arg13 : memref<!tpu.dma_semaphore, #tpu.memory_space<semaphore_mem>>) src(%arg10 : memref<5056x16xf32, #tpu.memory_space<vmem>>) dst(%dma_wait3A_74 : memref<10112x16xf32, #tpu.memory_space<vmem_shared>>)
    %barrier3A_75 = arith.constant 0 : index
    tpu.barrier barrier_id(%barrier3A_75)
    "tpu.region"() ({
      %run_scoped3A = tpu.sem_alloc : memref<!tpu.dma_semaphore, #tpu.memory_space<semaphore_mem>>
      %dma_start3A_76 = arith.constant 0 : i32
      %dma_start3A_77 = tpu.memref_slice %arg6[%arg0, %mul3A_2, %dma_start3A_76] : memref<2x10112x16xf32, #tpu.memory_space<hbm>> -> memref<1x632x16xf32, #tpu.memory_space<hbm>>
      %dma_start3A_78 = tpu.memref_squeeze %dma_start3A_77 : memref<1x632x16xf32, #tpu.memory_space<hbm>> -> memref<632x16xf32, #tpu.memory_space<hbm>>
      %dma_start3A_79 = arith.constant 0 : i32
      %dma_start3A_80 = tpu.memref_slice %arg11[%mul3A_2, %dma_start3A_79] : memref<10112x16xf32, #tpu.memory_space<vmem_shared>> -> memref<632x16xf32, #tpu.memory_space<vmem_shared>>
      tpu.enqueue_dma source(%dma_start3A_80 : memref<632x16xf32, #tpu.memory_space<vmem_shared>>) target(%dma_start3A_78 : memref<632x16xf32, #tpu.memory_space<hbm>>) target_semaphore(%run_scoped3A : memref<!tpu.dma_semaphore, #tpu.memory_space<semaphore_mem>>)
      %dma_wait3A_81 = arith.constant 0 : i32
      %dma_wait3A_82 = tpu.memref_slice %arg6[%arg0, %mul3A_2, %dma_wait3A_81] : memref<2x10112x16xf32, #tpu.memory_space<hbm>> -> memref<1x632x16xf32, #tpu.memory_space<hbm>>
      %dma_wait3A_83 = tpu.memref_squeeze %dma_wait3A_82 : memref<1x632x16xf32, #tpu.memory_space<hbm>> -> memref<632x16xf32, #tpu.memory_space<hbm>>
      %dma_wait3A_84 = arith.constant 0 : i32
      %dma_wait3A_85 = tpu.memref_slice %arg11[%mul3A_2, %dma_wait3A_84] : memref<10112x16xf32, #tpu.memory_space<vmem_shared>> -> memref<632x16xf32, #tpu.memory_space<vmem_shared>>
      tpu.wait_dma2 semaphore(%run_scoped3A : memref<!tpu.dma_semaphore, #tpu.memory_space<semaphore_mem>>) src(%dma_wait3A_85 : memref<632x16xf32, #tpu.memory_space<vmem_shared>>) dst(%dma_wait3A_83 : memref<632x16xf32, #tpu.memory_space<hbm>>)
      tpu.yield
    }) : () -> ()
    "tpu.region"() ({
      %run_scoped3A = tpu.sem_alloc : memref<!tpu.dma_semaphore, #tpu.memory_space<semaphore_mem>>
      %dma_start3A_76 = arith.constant 0 : i32
      %dma_start3A_77 = tpu.memref_slice %arg7[%arg0, %mul3A_2, %dma_start3A_76] : memref<2x10112x16xf32, #tpu.memory_space<hbm>> -> memref<1x632x16xf32, #tpu.memory_space<hbm>>
      %dma_start3A_78 = tpu.memref_squeeze %dma_start3A_77 : memref<1x632x16xf32, #tpu.memory_space<hbm>> -> memref<632x16xf32, #tpu.memory_space<hbm>>
      %dma_start3A_79 = arith.constant 0 : i32
      %dma_start3A_80 = tpu.memref_slice %arg12[%mul3A_2, %dma_start3A_79] : memref<10112x16xf32, #tpu.memory_space<vmem_shared>> -> memref<632x16xf32, #tpu.memory_space<vmem_shared>>
      tpu.enqueue_dma source(%dma_start3A_80 : memref<632x16xf32, #tpu.memory_space<vmem_shared>>) target(%dma_start3A_78 : memref<632x16xf32, #tpu.memory_space<hbm>>) target_semaphore(%run_scoped3A : memref<!tpu.dma_semaphore, #tpu.memory_space<semaphore_mem>>)
      %dma_wait3A_81 = arith.constant 0 : i32
      %dma_wait3A_82 = tpu.memref_slice %arg7[%arg0, %mul3A_2, %dma_wait3A_81] : memref<2x10112x16xf32, #tpu.memory_space<hbm>> -> memref<1x632x16xf32, #tpu.memory_space<hbm>>
      %dma_wait3A_83 = tpu.memref_squeeze %dma_wait3A_82 : memref<1x632x16xf32, #tpu.memory_space<hbm>> -> memref<632x16xf32, #tpu.memory_space<hbm>>
      %dma_wait3A_84 = arith.constant 0 : i32
      %dma_wait3A_85 = tpu.memref_slice %arg12[%mul3A_2, %dma_wait3A_84] : memref<10112x16xf32, #tpu.memory_space<vmem_shared>> -> memref<632x16xf32, #tpu.memory_space<vmem_shared>>
      tpu.wait_dma2 semaphore(%run_scoped3A : memref<!tpu.dma_semaphore, #tpu.memory_space<semaphore_mem>>) src(%dma_wait3A_85 : memref<632x16xf32, #tpu.memory_space<vmem_shared>>) dst(%dma_wait3A_83 : memref<632x16xf32, #tpu.memory_space<hbm>>)
      tpu.yield
    }) : () -> ()
    return
  }
}

#map = affine_map<(d0, d1) -> (0, 0)>
#map1 = affine_map<(d0, d1) -> (0, 0, 0)>
module attributes {stable_mosaic.version = 14 : i64} {
  func.func @_msg_body(%arg0: i32, %arg1: i32, %arg2: memref<10000x16xf32, #tpu.memory_space<hbm>>, %arg3: memref<128x2528xi32, #tpu.memory_space<hbm>>, %arg4: memref<128x2528xi32, #tpu.memory_space<hbm>>, %arg5: memref<10112x16xf32, #tpu.memory_space<hbm>>, %arg6: memref<2x10112x16xf32, #tpu.memory_space<hbm>>, %arg7: memref<4x2528xi32, #tpu.memory_space<vmem>>, %arg8: memref<4x2528xi32, #tpu.memory_space<vmem>>, %arg9: memref<2x2528x16xf32, #tpu.memory_space<vmem>>, %arg10: memref<10112x16xf32, #tpu.memory_space<vmem_shared>>, %arg11: memref<10000x16xf32, #tpu.memory_space<vmem_shared>>, %arg12: memref<!tpu.dma_semaphore, #tpu.memory_space<semaphore_mem>>, %arg13: memref<!tpu.dma_semaphore, #tpu.memory_space<semaphore_mem>>, %arg14: memref<!tpu.dma_semaphore, #tpu.memory_space<semaphore_mem>>) attributes {dimension_semantics = [#tpu.dimension_semantics<core_parallel>, #tpu.dimension_semantics<subcore_parallel>], iteration_bounds = array<i64: 2, 16>, scalar_prefetch = 0 : i64, scratch_operands = 8 : i64, tpu.core_type = #tpu.core_type<sc_vector_subcore>, window_params = [{transform_indices = #map}, {transform_indices = #map}, {transform_indices = #map}, {transform_indices = #map}, {transform_indices = #map1}]} {
    %mul3A = arith.constant 2 : i32
    %mul3A_0 = arith.muli %arg1, %mul3A : i32
    %add3A = arith.addi %mul3A_0, %arg0 : i32
    %mul3A_1 = arith.constant 632 : i32
    %mul3A_2 = arith.muli %arg1, %mul3A_1 : i32
    %mul3A_3 = arith.constant 4 : i32
    %mul3A_4 = arith.muli %add3A, %mul3A_3 : i32
    %dma_start3A = arith.constant 0 : i32
    %dma_start3A_5 = tpu.memref_slice %arg3[%mul3A_4, %dma_start3A] : memref<128x2528xi32, #tpu.memory_space<hbm>> -> memref<4x2528xi32, #tpu.memory_space<hbm>>
    %dma_start3A_6 = arith.constant 0 : i32
    %dma_start3A_7 = tpu.memref_slice %arg3[%mul3A_4, %dma_start3A_6] : memref<128x2528xi32, #tpu.memory_space<hbm>> -> memref<4x2528xi32, #tpu.memory_space<hbm>>
    tpu.enqueue_dma source(%dma_start3A_7 : memref<4x2528xi32, #tpu.memory_space<hbm>>) target(%arg7 : memref<4x2528xi32, #tpu.memory_space<vmem>>) target_semaphore(%arg12 : memref<!tpu.dma_semaphore, #tpu.memory_space<semaphore_mem>>)
    %dma_start3A_8 = arith.constant 0 : i32
    %dma_start3A_9 = tpu.memref_slice %arg4[%mul3A_4, %dma_start3A_8] : memref<128x2528xi32, #tpu.memory_space<hbm>> -> memref<4x2528xi32, #tpu.memory_space<hbm>>
    %dma_start3A_10 = arith.constant 0 : i32
    %dma_start3A_11 = tpu.memref_slice %arg4[%mul3A_4, %dma_start3A_10] : memref<128x2528xi32, #tpu.memory_space<hbm>> -> memref<4x2528xi32, #tpu.memory_space<hbm>>
    tpu.enqueue_dma source(%dma_start3A_11 : memref<4x2528xi32, #tpu.memory_space<hbm>>) target(%arg8 : memref<4x2528xi32, #tpu.memory_space<vmem>>) target_semaphore(%arg12 : memref<!tpu.dma_semaphore, #tpu.memory_space<semaphore_mem>>)
    "tpu.region"() ({
      %run_scoped3A = tpu.sem_alloc : memref<!tpu.dma_semaphore, #tpu.memory_space<semaphore_mem>>
      %dma_start3A_216 = arith.constant 0 : i32
      %dma_start3A_217 = tpu.memref_slice %arg10[%mul3A_2, %dma_start3A_216] : memref<10112x16xf32, #tpu.memory_space<vmem_shared>> -> memref<632x16xf32, #tpu.memory_space<vmem_shared>>
      %dma_start3A_218 = arith.constant 0 : i32
      %dma_start3A_219 = tpu.memref_slice %arg5[%mul3A_2, %dma_start3A_218] : memref<10112x16xf32, #tpu.memory_space<hbm>> -> memref<632x16xf32, #tpu.memory_space<hbm>>
      tpu.enqueue_dma source(%dma_start3A_219 : memref<632x16xf32, #tpu.memory_space<hbm>>) target(%dma_start3A_217 : memref<632x16xf32, #tpu.memory_space<vmem_shared>>) target_semaphore(%run_scoped3A : memref<!tpu.dma_semaphore, #tpu.memory_space<semaphore_mem>>)
      %dma_wait3A_220 = arith.constant 0 : i32
      %dma_wait3A_221 = tpu.memref_slice %arg10[%mul3A_2, %dma_wait3A_220] : memref<10112x16xf32, #tpu.memory_space<vmem_shared>> -> memref<632x16xf32, #tpu.memory_space<vmem_shared>>
      %dma_wait3A_222 = arith.constant 0 : i32
      %dma_wait3A_223 = tpu.memref_slice %arg5[%mul3A_2, %dma_wait3A_222] : memref<10112x16xf32, #tpu.memory_space<hbm>> -> memref<632x16xf32, #tpu.memory_space<hbm>>
      tpu.wait_dma2 semaphore(%run_scoped3A : memref<!tpu.dma_semaphore, #tpu.memory_space<semaphore_mem>>) src(%dma_wait3A_223 : memref<632x16xf32, #tpu.memory_space<hbm>>) dst(%dma_wait3A_221 : memref<632x16xf32, #tpu.memory_space<vmem_shared>>)
      tpu.yield
    }) : () -> ()
    %mul3A_12 = arith.constant 624 : i32
    %mul3A_13 = arith.muli %arg1, %mul3A_12 : i32
    "tpu.region"() ({
      %run_scoped3A = tpu.sem_alloc : memref<!tpu.dma_semaphore, #tpu.memory_space<semaphore_mem>>
      %dma_start3A_216 = arith.constant 0 : i32
      %dma_start3A_217 = tpu.memref_slice %arg11[%mul3A_13, %dma_start3A_216] : memref<10000x16xf32, #tpu.memory_space<vmem_shared>> -> memref<624x16xf32, #tpu.memory_space<vmem_shared>>
      %dma_start3A_218 = arith.constant 0 : i32
      %dma_start3A_219 = tpu.memref_slice %arg2[%mul3A_13, %dma_start3A_218] : memref<10000x16xf32, #tpu.memory_space<hbm>> -> memref<624x16xf32, #tpu.memory_space<hbm>>
      tpu.enqueue_dma source(%dma_start3A_219 : memref<624x16xf32, #tpu.memory_space<hbm>>) target(%dma_start3A_217 : memref<624x16xf32, #tpu.memory_space<vmem_shared>>) target_semaphore(%run_scoped3A : memref<!tpu.dma_semaphore, #tpu.memory_space<semaphore_mem>>)
      %dma_wait3A_220 = arith.constant 0 : i32
      %dma_wait3A_221 = tpu.memref_slice %arg11[%mul3A_13, %dma_wait3A_220] : memref<10000x16xf32, #tpu.memory_space<vmem_shared>> -> memref<624x16xf32, #tpu.memory_space<vmem_shared>>
      %dma_wait3A_222 = arith.constant 0 : i32
      %dma_wait3A_223 = tpu.memref_slice %arg2[%mul3A_13, %dma_wait3A_222] : memref<10000x16xf32, #tpu.memory_space<hbm>> -> memref<624x16xf32, #tpu.memory_space<hbm>>
      tpu.wait_dma2 semaphore(%run_scoped3A : memref<!tpu.dma_semaphore, #tpu.memory_space<semaphore_mem>>) src(%dma_wait3A_223 : memref<624x16xf32, #tpu.memory_space<hbm>>) dst(%dma_wait3A_221 : memref<624x16xf32, #tpu.memory_space<vmem_shared>>)
      tpu.yield
    }) : () -> ()
    %eq3A = arith.constant 0 : i32
    %eq3A_14 = arith.cmpi eq, %arg1, %eq3A : i32
    %convert_element_type3A = arith.extui %eq3A_14 : i1 to i32
    %cond3A = arith.constant 0 : i32
    %cond3A_15 = arith.cmpi ne, %convert_element_type3A, %cond3A : i32
    scf.if %cond3A_15 {
      "tpu.region"() ({
        %run_scoped3A = tpu.sem_alloc : memref<!tpu.dma_semaphore, #tpu.memory_space<semaphore_mem>>
        %dma_start3A_216 = arith.constant 9984 : i32
        %dma_start3A_217 = arith.constant 0 : i32
        %dma_start3A_218 = tpu.memref_slice %arg11[%dma_start3A_216, %dma_start3A_217] : memref<10000x16xf32, #tpu.memory_space<vmem_shared>> -> memref<16x16xf32, #tpu.memory_space<vmem_shared>>
        %dma_start3A_219 = arith.constant 9984 : i32
        %dma_start3A_220 = arith.constant 0 : i32
        %dma_start3A_221 = tpu.memref_slice %arg2[%dma_start3A_219, %dma_start3A_220] : memref<10000x16xf32, #tpu.memory_space<hbm>> -> memref<16x16xf32, #tpu.memory_space<hbm>>
        tpu.enqueue_dma source(%dma_start3A_221 : memref<16x16xf32, #tpu.memory_space<hbm>>) target(%dma_start3A_218 : memref<16x16xf32, #tpu.memory_space<vmem_shared>>) target_semaphore(%run_scoped3A : memref<!tpu.dma_semaphore, #tpu.memory_space<semaphore_mem>>)
        %dma_wait3A_222 = arith.constant 9984 : i32
        %dma_wait3A_223 = arith.constant 0 : i32
        %dma_wait3A_224 = tpu.memref_slice %arg11[%dma_wait3A_222, %dma_wait3A_223] : memref<10000x16xf32, #tpu.memory_space<vmem_shared>> -> memref<16x16xf32, #tpu.memory_space<vmem_shared>>
        %dma_wait3A_225 = arith.constant 9984 : i32
        %dma_wait3A_226 = arith.constant 0 : i32
        %dma_wait3A_227 = tpu.memref_slice %arg2[%dma_wait3A_225, %dma_wait3A_226] : memref<10000x16xf32, #tpu.memory_space<hbm>> -> memref<16x16xf32, #tpu.memory_space<hbm>>
        tpu.wait_dma2 semaphore(%run_scoped3A : memref<!tpu.dma_semaphore, #tpu.memory_space<semaphore_mem>>) src(%dma_wait3A_227 : memref<16x16xf32, #tpu.memory_space<hbm>>) dst(%dma_wait3A_224 : memref<16x16xf32, #tpu.memory_space<vmem_shared>>)
        tpu.yield
      }) : () -> ()
    } else {
    }
    %dma_wait3A = arith.constant 0 : i32
    %dma_wait3A_16 = tpu.memref_slice %arg3[%mul3A_4, %dma_wait3A] : memref<128x2528xi32, #tpu.memory_space<hbm>> -> memref<4x2528xi32, #tpu.memory_space<hbm>>
    %dma_wait3A_17 = arith.constant 0 : i32
    %dma_wait3A_18 = tpu.memref_slice %arg3[%mul3A_4, %dma_wait3A_17] : memref<128x2528xi32, #tpu.memory_space<hbm>> -> memref<4x2528xi32, #tpu.memory_space<hbm>>
    tpu.wait_dma2 semaphore(%arg12 : memref<!tpu.dma_semaphore, #tpu.memory_space<semaphore_mem>>) src(%dma_wait3A_18 : memref<4x2528xi32, #tpu.memory_space<hbm>>) dst(%arg7 : memref<4x2528xi32, #tpu.memory_space<vmem>>)
    %dma_wait3A_19 = arith.constant 0 : i32
    %dma_wait3A_20 = tpu.memref_slice %arg4[%mul3A_4, %dma_wait3A_19] : memref<128x2528xi32, #tpu.memory_space<hbm>> -> memref<4x2528xi32, #tpu.memory_space<hbm>>
    %dma_wait3A_21 = arith.constant 0 : i32
    %dma_wait3A_22 = tpu.memref_slice %arg4[%mul3A_4, %dma_wait3A_21] : memref<128x2528xi32, #tpu.memory_space<hbm>> -> memref<4x2528xi32, #tpu.memory_space<hbm>>
    tpu.wait_dma2 semaphore(%arg12 : memref<!tpu.dma_semaphore, #tpu.memory_space<semaphore_mem>>) src(%dma_wait3A_22 : memref<4x2528xi32, #tpu.memory_space<hbm>>) dst(%arg8 : memref<4x2528xi32, #tpu.memory_space<vmem>>)
    %barrier3A = arith.constant 0 : index
    tpu.barrier barrier_id(%barrier3A)
    %dma_start3A_23 = arith.constant 0 : i32
    %dma_start3A_24 = arith.constant 0 : i32
    %dma_start3A_25 = arith.constant 0 : i32
    %dma_start3A_26 = arith.constant 0 : i32
    %dma_start3A_27 = tpu.memref_slice %arg9[%dma_start3A_24, %dma_start3A_25, %dma_start3A_26] : memref<2x2528x16xf32, #tpu.memory_space<vmem>> -> memref<1x2528x16xf32, #tpu.memory_space<vmem>>
    %dma_start3A_28 = tpu.memref_squeeze %dma_start3A_27 : memref<1x2528x16xf32, #tpu.memory_space<vmem>> -> memref<2528x16xf32, #tpu.memory_space<vmem>>
    %dma_start3A_29 = arith.constant 0 : i32
    %dma_start3A_30 = tpu.memref_slice %arg7[%dma_start3A_23, %dma_start3A_29] : memref<4x2528xi32, #tpu.memory_space<vmem>> -> memref<1x2528xi32, #tpu.memory_space<vmem>>
    %dma_start3A_31 = tpu.memref_squeeze %dma_start3A_30 : memref<1x2528xi32, #tpu.memory_space<vmem>> -> memref<2528xi32, #tpu.memory_space<vmem>>
    %dma_start3A_32 = arith.constant 0 : i32
    %dma_start3A_33 = arith.constant 0 : i32
    %dma_start3A_34 = tpu.memref_slice %arg11[%dma_start3A_32, %dma_start3A_33] : memref<10000x16xf32, #tpu.memory_space<vmem_shared>> -> memref<10000x16xf32, #tpu.memory_space<vmem_shared>>
    tpu.enqueue_indirect_dma source(%dma_start3A_34 : memref<10000x16xf32, #tpu.memory_space<vmem_shared>>) target(%dma_start3A_28 : memref<2528x16xf32, #tpu.memory_space<vmem>>) offsets(%dma_start3A_31 : memref<2528xi32, #tpu.memory_space<vmem>>) semaphore(%arg13 : memref<!tpu.dma_semaphore, #tpu.memory_space<semaphore_mem>>)
    %dma_wait3A_35 = arith.constant 0 : i32
    %dma_wait3A_36 = arith.constant 0 : i32
    %dma_wait3A_37 = arith.constant 0 : i32
    %dma_wait3A_38 = arith.constant 0 : i32
    %dma_wait3A_39 = tpu.memref_slice %arg9[%dma_wait3A_36, %dma_wait3A_37, %dma_wait3A_38] : memref<2x2528x16xf32, #tpu.memory_space<vmem>> -> memref<1x2528x16xf32, #tpu.memory_space<vmem>>
    %dma_wait3A_40 = tpu.memref_squeeze %dma_wait3A_39 : memref<1x2528x16xf32, #tpu.memory_space<vmem>> -> memref<2528x16xf32, #tpu.memory_space<vmem>>
    %dma_wait3A_41 = arith.constant 0 : i32
    %dma_wait3A_42 = tpu.memref_slice %arg7[%dma_wait3A_35, %dma_wait3A_41] : memref<4x2528xi32, #tpu.memory_space<vmem>> -> memref<1x2528xi32, #tpu.memory_space<vmem>>
    %dma_wait3A_43 = tpu.memref_squeeze %dma_wait3A_42 : memref<1x2528xi32, #tpu.memory_space<vmem>> -> memref<2528xi32, #tpu.memory_space<vmem>>
    %dma_wait3A_44 = arith.constant 0 : i32
    %dma_wait3A_45 = arith.constant 0 : i32
    %dma_wait3A_46 = tpu.memref_slice %arg11[%dma_wait3A_44, %dma_wait3A_45] : memref<10000x16xf32, #tpu.memory_space<vmem_shared>> -> memref<10000x16xf32, #tpu.memory_space<vmem_shared>>
    tpu.wait_indirect_dma semaphore(%arg13 : memref<!tpu.dma_semaphore, #tpu.memory_space<semaphore_mem>>) src(%dma_wait3A_46 : memref<10000x16xf32, #tpu.memory_space<vmem_shared>>) dst(%dma_wait3A_40 : memref<2528x16xf32, #tpu.memory_space<vmem>>)
    %dma_start3A_47 = arith.constant 0 : i32
    %dma_start3A_48 = arith.constant 0 : i32
    %dma_start3A_49 = arith.constant 0 : i32
    %dma_start3A_50 = arith.constant 0 : i32
    %dma_start3A_51 = tpu.memref_slice %arg9[%dma_start3A_47, %dma_start3A_49, %dma_start3A_50] : memref<2x2528x16xf32, #tpu.memory_space<vmem>> -> memref<1x2528x16xf32, #tpu.memory_space<vmem>>
    %dma_start3A_52 = tpu.memref_squeeze %dma_start3A_51 : memref<1x2528x16xf32, #tpu.memory_space<vmem>> -> memref<2528x16xf32, #tpu.memory_space<vmem>>
    %dma_start3A_53 = arith.constant 0 : i32
    %dma_start3A_54 = tpu.memref_slice %arg8[%dma_start3A_48, %dma_start3A_53] : memref<4x2528xi32, #tpu.memory_space<vmem>> -> memref<1x2528xi32, #tpu.memory_space<vmem>>
    %dma_start3A_55 = tpu.memref_squeeze %dma_start3A_54 : memref<1x2528xi32, #tpu.memory_space<vmem>> -> memref<2528xi32, #tpu.memory_space<vmem>>
    %dma_start3A_56 = arith.constant 0 : i32
    %dma_start3A_57 = arith.constant 0 : i32
    %dma_start3A_58 = tpu.memref_slice %arg10[%dma_start3A_56, %dma_start3A_57] : memref<10112x16xf32, #tpu.memory_space<vmem_shared>> -> memref<10112x16xf32, #tpu.memory_space<vmem_shared>>
    tpu.enqueue_indirect_dma source(%dma_start3A_52 : memref<2528x16xf32, #tpu.memory_space<vmem>>) target(%dma_start3A_58 : memref<10112x16xf32, #tpu.memory_space<vmem_shared>>) offsets(%dma_start3A_55 : memref<2528xi32, #tpu.memory_space<vmem>>) semaphore(%arg14 : memref<!tpu.dma_semaphore, #tpu.memory_space<semaphore_mem>>) {add = true}
    %dma_start3A_59 = arith.constant 1 : i32
    %dma_start3A_60 = arith.constant 1 : i32
    %dma_start3A_61 = arith.constant 0 : i32
    %dma_start3A_62 = arith.constant 0 : i32
    %dma_start3A_63 = tpu.memref_slice %arg9[%dma_start3A_60, %dma_start3A_61, %dma_start3A_62] : memref<2x2528x16xf32, #tpu.memory_space<vmem>> -> memref<1x2528x16xf32, #tpu.memory_space<vmem>>
    %dma_start3A_64 = tpu.memref_squeeze %dma_start3A_63 : memref<1x2528x16xf32, #tpu.memory_space<vmem>> -> memref<2528x16xf32, #tpu.memory_space<vmem>>
    %dma_start3A_65 = arith.constant 0 : i32
    %dma_start3A_66 = tpu.memref_slice %arg7[%dma_start3A_59, %dma_start3A_65] : memref<4x2528xi32, #tpu.memory_space<vmem>> -> memref<1x2528xi32, #tpu.memory_space<vmem>>
    %dma_start3A_67 = tpu.memref_squeeze %dma_start3A_66 : memref<1x2528xi32, #tpu.memory_space<vmem>> -> memref<2528xi32, #tpu.memory_space<vmem>>
    %dma_start3A_68 = arith.constant 0 : i32
    %dma_start3A_69 = arith.constant 0 : i32
    %dma_start3A_70 = tpu.memref_slice %arg11[%dma_start3A_68, %dma_start3A_69] : memref<10000x16xf32, #tpu.memory_space<vmem_shared>> -> memref<10000x16xf32, #tpu.memory_space<vmem_shared>>
    tpu.enqueue_indirect_dma source(%dma_start3A_70 : memref<10000x16xf32, #tpu.memory_space<vmem_shared>>) target(%dma_start3A_64 : memref<2528x16xf32, #tpu.memory_space<vmem>>) offsets(%dma_start3A_67 : memref<2528xi32, #tpu.memory_space<vmem>>) semaphore(%arg13 : memref<!tpu.dma_semaphore, #tpu.memory_space<semaphore_mem>>)
    %dma_wait3A_71 = arith.constant 1 : i32
    %dma_wait3A_72 = arith.constant 1 : i32
    %dma_wait3A_73 = arith.constant 0 : i32
    %dma_wait3A_74 = arith.constant 0 : i32
    %dma_wait3A_75 = tpu.memref_slice %arg9[%dma_wait3A_72, %dma_wait3A_73, %dma_wait3A_74] : memref<2x2528x16xf32, #tpu.memory_space<vmem>> -> memref<1x2528x16xf32, #tpu.memory_space<vmem>>
    %dma_wait3A_76 = tpu.memref_squeeze %dma_wait3A_75 : memref<1x2528x16xf32, #tpu.memory_space<vmem>> -> memref<2528x16xf32, #tpu.memory_space<vmem>>
    %dma_wait3A_77 = arith.constant 0 : i32
    %dma_wait3A_78 = tpu.memref_slice %arg7[%dma_wait3A_71, %dma_wait3A_77] : memref<4x2528xi32, #tpu.memory_space<vmem>> -> memref<1x2528xi32, #tpu.memory_space<vmem>>
    %dma_wait3A_79 = tpu.memref_squeeze %dma_wait3A_78 : memref<1x2528xi32, #tpu.memory_space<vmem>> -> memref<2528xi32, #tpu.memory_space<vmem>>
    %dma_wait3A_80 = arith.constant 0 : i32
    %dma_wait3A_81 = arith.constant 0 : i32
    %dma_wait3A_82 = tpu.memref_slice %arg11[%dma_wait3A_80, %dma_wait3A_81] : memref<10000x16xf32, #tpu.memory_space<vmem_shared>> -> memref<10000x16xf32, #tpu.memory_space<vmem_shared>>
    tpu.wait_indirect_dma semaphore(%arg13 : memref<!tpu.dma_semaphore, #tpu.memory_space<semaphore_mem>>) src(%dma_wait3A_82 : memref<10000x16xf32, #tpu.memory_space<vmem_shared>>) dst(%dma_wait3A_76 : memref<2528x16xf32, #tpu.memory_space<vmem>>)
    %dma_wait3A_83 = arith.constant 0 : i32
    %dma_wait3A_84 = arith.constant 0 : i32
    %dma_wait3A_85 = arith.constant 0 : i32
    %dma_wait3A_86 = arith.constant 0 : i32
    %dma_wait3A_87 = tpu.memref_slice %arg9[%dma_wait3A_83, %dma_wait3A_85, %dma_wait3A_86] : memref<2x2528x16xf32, #tpu.memory_space<vmem>> -> memref<1x2528x16xf32, #tpu.memory_space<vmem>>
    %dma_wait3A_88 = tpu.memref_squeeze %dma_wait3A_87 : memref<1x2528x16xf32, #tpu.memory_space<vmem>> -> memref<2528x16xf32, #tpu.memory_space<vmem>>
    %dma_wait3A_89 = arith.constant 0 : i32
    %dma_wait3A_90 = tpu.memref_slice %arg8[%dma_wait3A_84, %dma_wait3A_89] : memref<4x2528xi32, #tpu.memory_space<vmem>> -> memref<1x2528xi32, #tpu.memory_space<vmem>>
    %dma_wait3A_91 = tpu.memref_squeeze %dma_wait3A_90 : memref<1x2528xi32, #tpu.memory_space<vmem>> -> memref<2528xi32, #tpu.memory_space<vmem>>
    %dma_wait3A_92 = arith.constant 0 : i32
    %dma_wait3A_93 = arith.constant 0 : i32
    %dma_wait3A_94 = tpu.memref_slice %arg10[%dma_wait3A_92, %dma_wait3A_93] : memref<10112x16xf32, #tpu.memory_space<vmem_shared>> -> memref<10112x16xf32, #tpu.memory_space<vmem_shared>>
    tpu.wait_indirect_dma semaphore(%arg14 : memref<!tpu.dma_semaphore, #tpu.memory_space<semaphore_mem>>) src(%dma_wait3A_88 : memref<2528x16xf32, #tpu.memory_space<vmem>>) dst(%dma_wait3A_94 : memref<10112x16xf32, #tpu.memory_space<vmem_shared>>)
    %dma_start3A_95 = arith.constant 1 : i32
    %dma_start3A_96 = arith.constant 1 : i32
    %dma_start3A_97 = arith.constant 0 : i32
    %dma_start3A_98 = arith.constant 0 : i32
    %dma_start3A_99 = tpu.memref_slice %arg9[%dma_start3A_95, %dma_start3A_97, %dma_start3A_98] : memref<2x2528x16xf32, #tpu.memory_space<vmem>> -> memref<1x2528x16xf32, #tpu.memory_space<vmem>>
    %dma_start3A_100 = tpu.memref_squeeze %dma_start3A_99 : memref<1x2528x16xf32, #tpu.memory_space<vmem>> -> memref<2528x16xf32, #tpu.memory_space<vmem>>
    %dma_start3A_101 = arith.constant 0 : i32
    %dma_start3A_102 = tpu.memref_slice %arg8[%dma_start3A_96, %dma_start3A_101] : memref<4x2528xi32, #tpu.memory_space<vmem>> -> memref<1x2528xi32, #tpu.memory_space<vmem>>
    %dma_start3A_103 = tpu.memref_squeeze %dma_start3A_102 : memref<1x2528xi32, #tpu.memory_space<vmem>> -> memref<2528xi32, #tpu.memory_space<vmem>>
    %dma_start3A_104 = arith.constant 0 : i32
    %dma_start3A_105 = arith.constant 0 : i32
    %dma_start3A_106 = tpu.memref_slice %arg10[%dma_start3A_104, %dma_start3A_105] : memref<10112x16xf32, #tpu.memory_space<vmem_shared>> -> memref<10112x16xf32, #tpu.memory_space<vmem_shared>>
    tpu.enqueue_indirect_dma source(%dma_start3A_100 : memref<2528x16xf32, #tpu.memory_space<vmem>>) target(%dma_start3A_106 : memref<10112x16xf32, #tpu.memory_space<vmem_shared>>) offsets(%dma_start3A_103 : memref<2528xi32, #tpu.memory_space<vmem>>) semaphore(%arg14 : memref<!tpu.dma_semaphore, #tpu.memory_space<semaphore_mem>>) {add = true}
    %dma_start3A_107 = arith.constant 2 : i32
    %dma_start3A_108 = arith.constant 0 : i32
    %dma_start3A_109 = arith.constant 0 : i32
    %dma_start3A_110 = arith.constant 0 : i32
    %dma_start3A_111 = tpu.memref_slice %arg9[%dma_start3A_108, %dma_start3A_109, %dma_start3A_110] : memref<2x2528x16xf32, #tpu.memory_space<vmem>> -> memref<1x2528x16xf32, #tpu.memory_space<vmem>>
    %dma_start3A_112 = tpu.memref_squeeze %dma_start3A_111 : memref<1x2528x16xf32, #tpu.memory_space<vmem>> -> memref<2528x16xf32, #tpu.memory_space<vmem>>
    %dma_start3A_113 = arith.constant 0 : i32
    %dma_start3A_114 = tpu.memref_slice %arg7[%dma_start3A_107, %dma_start3A_113] : memref<4x2528xi32, #tpu.memory_space<vmem>> -> memref<1x2528xi32, #tpu.memory_space<vmem>>
    %dma_start3A_115 = tpu.memref_squeeze %dma_start3A_114 : memref<1x2528xi32, #tpu.memory_space<vmem>> -> memref<2528xi32, #tpu.memory_space<vmem>>
    %dma_start3A_116 = arith.constant 0 : i32
    %dma_start3A_117 = arith.constant 0 : i32
    %dma_start3A_118 = tpu.memref_slice %arg11[%dma_start3A_116, %dma_start3A_117] : memref<10000x16xf32, #tpu.memory_space<vmem_shared>> -> memref<10000x16xf32, #tpu.memory_space<vmem_shared>>
    tpu.enqueue_indirect_dma source(%dma_start3A_118 : memref<10000x16xf32, #tpu.memory_space<vmem_shared>>) target(%dma_start3A_112 : memref<2528x16xf32, #tpu.memory_space<vmem>>) offsets(%dma_start3A_115 : memref<2528xi32, #tpu.memory_space<vmem>>) semaphore(%arg13 : memref<!tpu.dma_semaphore, #tpu.memory_space<semaphore_mem>>)
    %dma_wait3A_119 = arith.constant 2 : i32
    %dma_wait3A_120 = arith.constant 0 : i32
    %dma_wait3A_121 = arith.constant 0 : i32
    %dma_wait3A_122 = arith.constant 0 : i32
    %dma_wait3A_123 = tpu.memref_slice %arg9[%dma_wait3A_120, %dma_wait3A_121, %dma_wait3A_122] : memref<2x2528x16xf32, #tpu.memory_space<vmem>> -> memref<1x2528x16xf32, #tpu.memory_space<vmem>>
    %dma_wait3A_124 = tpu.memref_squeeze %dma_wait3A_123 : memref<1x2528x16xf32, #tpu.memory_space<vmem>> -> memref<2528x16xf32, #tpu.memory_space<vmem>>
    %dma_wait3A_125 = arith.constant 0 : i32
    %dma_wait3A_126 = tpu.memref_slice %arg7[%dma_wait3A_119, %dma_wait3A_125] : memref<4x2528xi32, #tpu.memory_space<vmem>> -> memref<1x2528xi32, #tpu.memory_space<vmem>>
    %dma_wait3A_127 = tpu.memref_squeeze %dma_wait3A_126 : memref<1x2528xi32, #tpu.memory_space<vmem>> -> memref<2528xi32, #tpu.memory_space<vmem>>
    %dma_wait3A_128 = arith.constant 0 : i32
    %dma_wait3A_129 = arith.constant 0 : i32
    %dma_wait3A_130 = tpu.memref_slice %arg11[%dma_wait3A_128, %dma_wait3A_129] : memref<10000x16xf32, #tpu.memory_space<vmem_shared>> -> memref<10000x16xf32, #tpu.memory_space<vmem_shared>>
    tpu.wait_indirect_dma semaphore(%arg13 : memref<!tpu.dma_semaphore, #tpu.memory_space<semaphore_mem>>) src(%dma_wait3A_130 : memref<10000x16xf32, #tpu.memory_space<vmem_shared>>) dst(%dma_wait3A_124 : memref<2528x16xf32, #tpu.memory_space<vmem>>)
    %dma_wait3A_131 = arith.constant 1 : i32
    %dma_wait3A_132 = arith.constant 1 : i32
    %dma_wait3A_133 = arith.constant 0 : i32
    %dma_wait3A_134 = arith.constant 0 : i32
    %dma_wait3A_135 = tpu.memref_slice %arg9[%dma_wait3A_131, %dma_wait3A_133, %dma_wait3A_134] : memref<2x2528x16xf32, #tpu.memory_space<vmem>> -> memref<1x2528x16xf32, #tpu.memory_space<vmem>>
    %dma_wait3A_136 = tpu.memref_squeeze %dma_wait3A_135 : memref<1x2528x16xf32, #tpu.memory_space<vmem>> -> memref<2528x16xf32, #tpu.memory_space<vmem>>
    %dma_wait3A_137 = arith.constant 0 : i32
    %dma_wait3A_138 = tpu.memref_slice %arg8[%dma_wait3A_132, %dma_wait3A_137] : memref<4x2528xi32, #tpu.memory_space<vmem>> -> memref<1x2528xi32, #tpu.memory_space<vmem>>
    %dma_wait3A_139 = tpu.memref_squeeze %dma_wait3A_138 : memref<1x2528xi32, #tpu.memory_space<vmem>> -> memref<2528xi32, #tpu.memory_space<vmem>>
    %dma_wait3A_140 = arith.constant 0 : i32
    %dma_wait3A_141 = arith.constant 0 : i32
    %dma_wait3A_142 = tpu.memref_slice %arg10[%dma_wait3A_140, %dma_wait3A_141] : memref<10112x16xf32, #tpu.memory_space<vmem_shared>> -> memref<10112x16xf32, #tpu.memory_space<vmem_shared>>
    tpu.wait_indirect_dma semaphore(%arg14 : memref<!tpu.dma_semaphore, #tpu.memory_space<semaphore_mem>>) src(%dma_wait3A_136 : memref<2528x16xf32, #tpu.memory_space<vmem>>) dst(%dma_wait3A_142 : memref<10112x16xf32, #tpu.memory_space<vmem_shared>>)
    %dma_start3A_143 = arith.constant 0 : i32
    %dma_start3A_144 = arith.constant 2 : i32
    %dma_start3A_145 = arith.constant 0 : i32
    %dma_start3A_146 = arith.constant 0 : i32
    %dma_start3A_147 = tpu.memref_slice %arg9[%dma_start3A_143, %dma_start3A_145, %dma_start3A_146] : memref<2x2528x16xf32, #tpu.memory_space<vmem>> -> memref<1x2528x16xf32, #tpu.memory_space<vmem>>
    %dma_start3A_148 = tpu.memref_squeeze %dma_start3A_147 : memref<1x2528x16xf32, #tpu.memory_space<vmem>> -> memref<2528x16xf32, #tpu.memory_space<vmem>>
    %dma_start3A_149 = arith.constant 0 : i32
    %dma_start3A_150 = tpu.memref_slice %arg8[%dma_start3A_144, %dma_start3A_149] : memref<4x2528xi32, #tpu.memory_space<vmem>> -> memref<1x2528xi32, #tpu.memory_space<vmem>>
    %dma_start3A_151 = tpu.memref_squeeze %dma_start3A_150 : memref<1x2528xi32, #tpu.memory_space<vmem>> -> memref<2528xi32, #tpu.memory_space<vmem>>
    %dma_start3A_152 = arith.constant 0 : i32
    %dma_start3A_153 = arith.constant 0 : i32
    %dma_start3A_154 = tpu.memref_slice %arg10[%dma_start3A_152, %dma_start3A_153] : memref<10112x16xf32, #tpu.memory_space<vmem_shared>> -> memref<10112x16xf32, #tpu.memory_space<vmem_shared>>
    tpu.enqueue_indirect_dma source(%dma_start3A_148 : memref<2528x16xf32, #tpu.memory_space<vmem>>) target(%dma_start3A_154 : memref<10112x16xf32, #tpu.memory_space<vmem_shared>>) offsets(%dma_start3A_151 : memref<2528xi32, #tpu.memory_space<vmem>>) semaphore(%arg14 : memref<!tpu.dma_semaphore, #tpu.memory_space<semaphore_mem>>) {add = true}
    %dma_start3A_155 = arith.constant 3 : i32
    %dma_start3A_156 = arith.constant 1 : i32
    %dma_start3A_157 = arith.constant 0 : i32
    %dma_start3A_158 = arith.constant 0 : i32
    %dma_start3A_159 = tpu.memref_slice %arg9[%dma_start3A_156, %dma_start3A_157, %dma_start3A_158] : memref<2x2528x16xf32, #tpu.memory_space<vmem>> -> memref<1x2528x16xf32, #tpu.memory_space<vmem>>
    %dma_start3A_160 = tpu.memref_squeeze %dma_start3A_159 : memref<1x2528x16xf32, #tpu.memory_space<vmem>> -> memref<2528x16xf32, #tpu.memory_space<vmem>>
    %dma_start3A_161 = arith.constant 0 : i32
    %dma_start3A_162 = tpu.memref_slice %arg7[%dma_start3A_155, %dma_start3A_161] : memref<4x2528xi32, #tpu.memory_space<vmem>> -> memref<1x2528xi32, #tpu.memory_space<vmem>>
    %dma_start3A_163 = tpu.memref_squeeze %dma_start3A_162 : memref<1x2528xi32, #tpu.memory_space<vmem>> -> memref<2528xi32, #tpu.memory_space<vmem>>
    %dma_start3A_164 = arith.constant 0 : i32
    %dma_start3A_165 = arith.constant 0 : i32
    %dma_start3A_166 = tpu.memref_slice %arg11[%dma_start3A_164, %dma_start3A_165] : memref<10000x16xf32, #tpu.memory_space<vmem_shared>> -> memref<10000x16xf32, #tpu.memory_space<vmem_shared>>
    tpu.enqueue_indirect_dma source(%dma_start3A_166 : memref<10000x16xf32, #tpu.memory_space<vmem_shared>>) target(%dma_start3A_160 : memref<2528x16xf32, #tpu.memory_space<vmem>>) offsets(%dma_start3A_163 : memref<2528xi32, #tpu.memory_space<vmem>>) semaphore(%arg13 : memref<!tpu.dma_semaphore, #tpu.memory_space<semaphore_mem>>)
    %dma_wait3A_167 = arith.constant 3 : i32
    %dma_wait3A_168 = arith.constant 1 : i32
    %dma_wait3A_169 = arith.constant 0 : i32
    %dma_wait3A_170 = arith.constant 0 : i32
    %dma_wait3A_171 = tpu.memref_slice %arg9[%dma_wait3A_168, %dma_wait3A_169, %dma_wait3A_170] : memref<2x2528x16xf32, #tpu.memory_space<vmem>> -> memref<1x2528x16xf32, #tpu.memory_space<vmem>>
    %dma_wait3A_172 = tpu.memref_squeeze %dma_wait3A_171 : memref<1x2528x16xf32, #tpu.memory_space<vmem>> -> memref<2528x16xf32, #tpu.memory_space<vmem>>
    %dma_wait3A_173 = arith.constant 0 : i32
    %dma_wait3A_174 = tpu.memref_slice %arg7[%dma_wait3A_167, %dma_wait3A_173] : memref<4x2528xi32, #tpu.memory_space<vmem>> -> memref<1x2528xi32, #tpu.memory_space<vmem>>
    %dma_wait3A_175 = tpu.memref_squeeze %dma_wait3A_174 : memref<1x2528xi32, #tpu.memory_space<vmem>> -> memref<2528xi32, #tpu.memory_space<vmem>>
    %dma_wait3A_176 = arith.constant 0 : i32
    %dma_wait3A_177 = arith.constant 0 : i32
    %dma_wait3A_178 = tpu.memref_slice %arg11[%dma_wait3A_176, %dma_wait3A_177] : memref<10000x16xf32, #tpu.memory_space<vmem_shared>> -> memref<10000x16xf32, #tpu.memory_space<vmem_shared>>
    tpu.wait_indirect_dma semaphore(%arg13 : memref<!tpu.dma_semaphore, #tpu.memory_space<semaphore_mem>>) src(%dma_wait3A_178 : memref<10000x16xf32, #tpu.memory_space<vmem_shared>>) dst(%dma_wait3A_172 : memref<2528x16xf32, #tpu.memory_space<vmem>>)
    %dma_wait3A_179 = arith.constant 0 : i32
    %dma_wait3A_180 = arith.constant 2 : i32
    %dma_wait3A_181 = arith.constant 0 : i32
    %dma_wait3A_182 = arith.constant 0 : i32
    %dma_wait3A_183 = tpu.memref_slice %arg9[%dma_wait3A_179, %dma_wait3A_181, %dma_wait3A_182] : memref<2x2528x16xf32, #tpu.memory_space<vmem>> -> memref<1x2528x16xf32, #tpu.memory_space<vmem>>
    %dma_wait3A_184 = tpu.memref_squeeze %dma_wait3A_183 : memref<1x2528x16xf32, #tpu.memory_space<vmem>> -> memref<2528x16xf32, #tpu.memory_space<vmem>>
    %dma_wait3A_185 = arith.constant 0 : i32
    %dma_wait3A_186 = tpu.memref_slice %arg8[%dma_wait3A_180, %dma_wait3A_185] : memref<4x2528xi32, #tpu.memory_space<vmem>> -> memref<1x2528xi32, #tpu.memory_space<vmem>>
    %dma_wait3A_187 = tpu.memref_squeeze %dma_wait3A_186 : memref<1x2528xi32, #tpu.memory_space<vmem>> -> memref<2528xi32, #tpu.memory_space<vmem>>
    %dma_wait3A_188 = arith.constant 0 : i32
    %dma_wait3A_189 = arith.constant 0 : i32
    %dma_wait3A_190 = tpu.memref_slice %arg10[%dma_wait3A_188, %dma_wait3A_189] : memref<10112x16xf32, #tpu.memory_space<vmem_shared>> -> memref<10112x16xf32, #tpu.memory_space<vmem_shared>>
    tpu.wait_indirect_dma semaphore(%arg14 : memref<!tpu.dma_semaphore, #tpu.memory_space<semaphore_mem>>) src(%dma_wait3A_184 : memref<2528x16xf32, #tpu.memory_space<vmem>>) dst(%dma_wait3A_190 : memref<10112x16xf32, #tpu.memory_space<vmem_shared>>)
    %dma_start3A_191 = arith.constant 1 : i32
    %dma_start3A_192 = arith.constant 3 : i32
    %dma_start3A_193 = arith.constant 0 : i32
    %dma_start3A_194 = arith.constant 0 : i32
    %dma_start3A_195 = tpu.memref_slice %arg9[%dma_start3A_191, %dma_start3A_193, %dma_start3A_194] : memref<2x2528x16xf32, #tpu.memory_space<vmem>> -> memref<1x2528x16xf32, #tpu.memory_space<vmem>>
    %dma_start3A_196 = tpu.memref_squeeze %dma_start3A_195 : memref<1x2528x16xf32, #tpu.memory_space<vmem>> -> memref<2528x16xf32, #tpu.memory_space<vmem>>
    %dma_start3A_197 = arith.constant 0 : i32
    %dma_start3A_198 = tpu.memref_slice %arg8[%dma_start3A_192, %dma_start3A_197] : memref<4x2528xi32, #tpu.memory_space<vmem>> -> memref<1x2528xi32, #tpu.memory_space<vmem>>
    %dma_start3A_199 = tpu.memref_squeeze %dma_start3A_198 : memref<1x2528xi32, #tpu.memory_space<vmem>> -> memref<2528xi32, #tpu.memory_space<vmem>>
    %dma_start3A_200 = arith.constant 0 : i32
    %dma_start3A_201 = arith.constant 0 : i32
    %dma_start3A_202 = tpu.memref_slice %arg10[%dma_start3A_200, %dma_start3A_201] : memref<10112x16xf32, #tpu.memory_space<vmem_shared>> -> memref<10112x16xf32, #tpu.memory_space<vmem_shared>>
    tpu.enqueue_indirect_dma source(%dma_start3A_196 : memref<2528x16xf32, #tpu.memory_space<vmem>>) target(%dma_start3A_202 : memref<10112x16xf32, #tpu.memory_space<vmem_shared>>) offsets(%dma_start3A_199 : memref<2528xi32, #tpu.memory_space<vmem>>) semaphore(%arg14 : memref<!tpu.dma_semaphore, #tpu.memory_space<semaphore_mem>>) {add = true}
    %dma_wait3A_203 = arith.constant 1 : i32
    %dma_wait3A_204 = arith.constant 3 : i32
    %dma_wait3A_205 = arith.constant 0 : i32
    %dma_wait3A_206 = arith.constant 0 : i32
    %dma_wait3A_207 = tpu.memref_slice %arg9[%dma_wait3A_203, %dma_wait3A_205, %dma_wait3A_206] : memref<2x2528x16xf32, #tpu.memory_space<vmem>> -> memref<1x2528x16xf32, #tpu.memory_space<vmem>>
    %dma_wait3A_208 = tpu.memref_squeeze %dma_wait3A_207 : memref<1x2528x16xf32, #tpu.memory_space<vmem>> -> memref<2528x16xf32, #tpu.memory_space<vmem>>
    %dma_wait3A_209 = arith.constant 0 : i32
    %dma_wait3A_210 = tpu.memref_slice %arg8[%dma_wait3A_204, %dma_wait3A_209] : memref<4x2528xi32, #tpu.memory_space<vmem>> -> memref<1x2528xi32, #tpu.memory_space<vmem>>
    %dma_wait3A_211 = tpu.memref_squeeze %dma_wait3A_210 : memref<1x2528xi32, #tpu.memory_space<vmem>> -> memref<2528xi32, #tpu.memory_space<vmem>>
    %dma_wait3A_212 = arith.constant 0 : i32
    %dma_wait3A_213 = arith.constant 0 : i32
    %dma_wait3A_214 = tpu.memref_slice %arg10[%dma_wait3A_212, %dma_wait3A_213] : memref<10112x16xf32, #tpu.memory_space<vmem_shared>> -> memref<10112x16xf32, #tpu.memory_space<vmem_shared>>
    tpu.wait_indirect_dma semaphore(%arg14 : memref<!tpu.dma_semaphore, #tpu.memory_space<semaphore_mem>>) src(%dma_wait3A_208 : memref<2528x16xf32, #tpu.memory_space<vmem>>) dst(%dma_wait3A_214 : memref<10112x16xf32, #tpu.memory_space<vmem_shared>>)
    %barrier3A_215 = arith.constant 0 : index
    tpu.barrier barrier_id(%barrier3A_215)
    "tpu.region"() ({
      %run_scoped3A = tpu.sem_alloc : memref<!tpu.dma_semaphore, #tpu.memory_space<semaphore_mem>>
      %dma_start3A_216 = arith.constant 0 : i32
      %dma_start3A_217 = tpu.memref_slice %arg6[%arg0, %mul3A_2, %dma_start3A_216] : memref<2x10112x16xf32, #tpu.memory_space<hbm>> -> memref<1x632x16xf32, #tpu.memory_space<hbm>>
      %dma_start3A_218 = tpu.memref_squeeze %dma_start3A_217 : memref<1x632x16xf32, #tpu.memory_space<hbm>> -> memref<632x16xf32, #tpu.memory_space<hbm>>
      %dma_start3A_219 = arith.constant 0 : i32
      %dma_start3A_220 = tpu.memref_slice %arg10[%mul3A_2, %dma_start3A_219] : memref<10112x16xf32, #tpu.memory_space<vmem_shared>> -> memref<632x16xf32, #tpu.memory_space<vmem_shared>>
      tpu.enqueue_dma source(%dma_start3A_220 : memref<632x16xf32, #tpu.memory_space<vmem_shared>>) target(%dma_start3A_218 : memref<632x16xf32, #tpu.memory_space<hbm>>) target_semaphore(%run_scoped3A : memref<!tpu.dma_semaphore, #tpu.memory_space<semaphore_mem>>)
      %dma_wait3A_221 = arith.constant 0 : i32
      %dma_wait3A_222 = tpu.memref_slice %arg6[%arg0, %mul3A_2, %dma_wait3A_221] : memref<2x10112x16xf32, #tpu.memory_space<hbm>> -> memref<1x632x16xf32, #tpu.memory_space<hbm>>
      %dma_wait3A_223 = tpu.memref_squeeze %dma_wait3A_222 : memref<1x632x16xf32, #tpu.memory_space<hbm>> -> memref<632x16xf32, #tpu.memory_space<hbm>>
      %dma_wait3A_224 = arith.constant 0 : i32
      %dma_wait3A_225 = tpu.memref_slice %arg10[%mul3A_2, %dma_wait3A_224] : memref<10112x16xf32, #tpu.memory_space<vmem_shared>> -> memref<632x16xf32, #tpu.memory_space<vmem_shared>>
      tpu.wait_dma2 semaphore(%run_scoped3A : memref<!tpu.dma_semaphore, #tpu.memory_space<semaphore_mem>>) src(%dma_wait3A_225 : memref<632x16xf32, #tpu.memory_space<vmem_shared>>) dst(%dma_wait3A_223 : memref<632x16xf32, #tpu.memory_space<hbm>>)
      tpu.yield
    }) : () -> ()
    return
  }
}

#map = affine_map<(d0, d1) -> (0, 0)>
#map1 = affine_map<(d0, d1) -> (0, 0, 0)>
module attributes {stable_mosaic.version = 14 : i64} {
  func.func @_msg_body(%arg0: i32, %arg1: i32, %arg2: memref<10000x16xf32, #tpu.memory_space<hbm>>, %arg3: memref<128x2528xi32, #tpu.memory_space<hbm>>, %arg4: memref<128x2528xi32, #tpu.memory_space<hbm>>, %arg5: memref<10112x16xf32, #tpu.memory_space<hbm>>, %arg6: memref<2x10112x16xf32, #tpu.memory_space<hbm>>, %arg7: memref<4x2528xi32, #tpu.memory_space<vmem>>, %arg8: memref<4x2528xi32, #tpu.memory_space<vmem>>, %arg9: memref<2x2528x16xf32, #tpu.memory_space<vmem>>, %arg10: memref<10112x16xf32, #tpu.memory_space<vmem_shared>>, %arg11: memref<10000x16xf32, #tpu.memory_space<vmem_shared>>, %arg12: memref<!tpu.dma_semaphore, #tpu.memory_space<semaphore_mem>>, %arg13: memref<!tpu.dma_semaphore, #tpu.memory_space<semaphore_mem>>, %arg14: memref<!tpu.dma_semaphore, #tpu.memory_space<semaphore_mem>>) attributes {dimension_semantics = [#tpu.dimension_semantics<core_parallel>, #tpu.dimension_semantics<subcore_parallel>], iteration_bounds = array<i64: 2, 16>, scalar_prefetch = 0 : i64, scratch_operands = 8 : i64, tpu.core_type = #tpu.core_type<sc_vector_subcore>, window_params = [{transform_indices = #map}, {transform_indices = #map}, {transform_indices = #map}, {transform_indices = #map}, {transform_indices = #map1}]} {
    %mul3A = arith.constant 2 : i32
    %mul3A_0 = arith.muli %arg1, %mul3A : i32
    %add3A = arith.addi %mul3A_0, %arg0 : i32
    %mul3A_1 = arith.constant 632 : i32
    %mul3A_2 = arith.muli %arg1, %mul3A_1 : i32
    %mul3A_3 = arith.constant 4 : i32
    %mul3A_4 = arith.muli %add3A, %mul3A_3 : i32
    %dma_start3A = arith.constant 0 : i32
    %dma_start3A_5 = tpu.memref_slice %arg3[%mul3A_4, %dma_start3A] : memref<128x2528xi32, #tpu.memory_space<hbm>> -> memref<4x2528xi32, #tpu.memory_space<hbm>>
    %dma_start3A_6 = arith.constant 0 : i32
    %dma_start3A_7 = tpu.memref_slice %arg3[%mul3A_4, %dma_start3A_6] : memref<128x2528xi32, #tpu.memory_space<hbm>> -> memref<4x2528xi32, #tpu.memory_space<hbm>>
    tpu.enqueue_dma source(%dma_start3A_7 : memref<4x2528xi32, #tpu.memory_space<hbm>>) target(%arg7 : memref<4x2528xi32, #tpu.memory_space<vmem>>) target_semaphore(%arg12 : memref<!tpu.dma_semaphore, #tpu.memory_space<semaphore_mem>>)
    %dma_start3A_8 = arith.constant 0 : i32
    %dma_start3A_9 = tpu.memref_slice %arg4[%mul3A_4, %dma_start3A_8] : memref<128x2528xi32, #tpu.memory_space<hbm>> -> memref<4x2528xi32, #tpu.memory_space<hbm>>
    %dma_start3A_10 = arith.constant 0 : i32
    %dma_start3A_11 = tpu.memref_slice %arg4[%mul3A_4, %dma_start3A_10] : memref<128x2528xi32, #tpu.memory_space<hbm>> -> memref<4x2528xi32, #tpu.memory_space<hbm>>
    tpu.enqueue_dma source(%dma_start3A_11 : memref<4x2528xi32, #tpu.memory_space<hbm>>) target(%arg8 : memref<4x2528xi32, #tpu.memory_space<vmem>>) target_semaphore(%arg12 : memref<!tpu.dma_semaphore, #tpu.memory_space<semaphore_mem>>)
    "tpu.region"() ({
      %run_scoped3A = tpu.sem_alloc : memref<!tpu.dma_semaphore, #tpu.memory_space<semaphore_mem>>
      %dma_start3A_216 = arith.constant 0 : i32
      %dma_start3A_217 = tpu.memref_slice %arg10[%mul3A_2, %dma_start3A_216] : memref<10112x16xf32, #tpu.memory_space<vmem_shared>> -> memref<632x16xf32, #tpu.memory_space<vmem_shared>>
      %dma_start3A_218 = arith.constant 0 : i32
      %dma_start3A_219 = tpu.memref_slice %arg5[%mul3A_2, %dma_start3A_218] : memref<10112x16xf32, #tpu.memory_space<hbm>> -> memref<632x16xf32, #tpu.memory_space<hbm>>
      tpu.enqueue_dma source(%dma_start3A_219 : memref<632x16xf32, #tpu.memory_space<hbm>>) target(%dma_start3A_217 : memref<632x16xf32, #tpu.memory_space<vmem_shared>>) target_semaphore(%run_scoped3A : memref<!tpu.dma_semaphore, #tpu.memory_space<semaphore_mem>>)
      %dma_wait3A_220 = arith.constant 0 : i32
      %dma_wait3A_221 = tpu.memref_slice %arg10[%mul3A_2, %dma_wait3A_220] : memref<10112x16xf32, #tpu.memory_space<vmem_shared>> -> memref<632x16xf32, #tpu.memory_space<vmem_shared>>
      %dma_wait3A_222 = arith.constant 0 : i32
      %dma_wait3A_223 = tpu.memref_slice %arg5[%mul3A_2, %dma_wait3A_222] : memref<10112x16xf32, #tpu.memory_space<hbm>> -> memref<632x16xf32, #tpu.memory_space<hbm>>
      tpu.wait_dma2 semaphore(%run_scoped3A : memref<!tpu.dma_semaphore, #tpu.memory_space<semaphore_mem>>) src(%dma_wait3A_223 : memref<632x16xf32, #tpu.memory_space<hbm>>) dst(%dma_wait3A_221 : memref<632x16xf32, #tpu.memory_space<vmem_shared>>)
      tpu.yield
    }) : () -> ()
    %mul3A_12 = arith.constant 624 : i32
    %mul3A_13 = arith.muli %arg1, %mul3A_12 : i32
    "tpu.region"() ({
      %run_scoped3A = tpu.sem_alloc : memref<!tpu.dma_semaphore, #tpu.memory_space<semaphore_mem>>
      %dma_start3A_216 = arith.constant 0 : i32
      %dma_start3A_217 = tpu.memref_slice %arg11[%mul3A_13, %dma_start3A_216] : memref<10000x16xf32, #tpu.memory_space<vmem_shared>> -> memref<624x16xf32, #tpu.memory_space<vmem_shared>>
      %dma_start3A_218 = arith.constant 0 : i32
      %dma_start3A_219 = tpu.memref_slice %arg2[%mul3A_13, %dma_start3A_218] : memref<10000x16xf32, #tpu.memory_space<hbm>> -> memref<624x16xf32, #tpu.memory_space<hbm>>
      tpu.enqueue_dma source(%dma_start3A_219 : memref<624x16xf32, #tpu.memory_space<hbm>>) target(%dma_start3A_217 : memref<624x16xf32, #tpu.memory_space<vmem_shared>>) target_semaphore(%run_scoped3A : memref<!tpu.dma_semaphore, #tpu.memory_space<semaphore_mem>>)
      %dma_wait3A_220 = arith.constant 0 : i32
      %dma_wait3A_221 = tpu.memref_slice %arg11[%mul3A_13, %dma_wait3A_220] : memref<10000x16xf32, #tpu.memory_space<vmem_shared>> -> memref<624x16xf32, #tpu.memory_space<vmem_shared>>
      %dma_wait3A_222 = arith.constant 0 : i32
      %dma_wait3A_223 = tpu.memref_slice %arg2[%mul3A_13, %dma_wait3A_222] : memref<10000x16xf32, #tpu.memory_space<hbm>> -> memref<624x16xf32, #tpu.memory_space<hbm>>
      tpu.wait_dma2 semaphore(%run_scoped3A : memref<!tpu.dma_semaphore, #tpu.memory_space<semaphore_mem>>) src(%dma_wait3A_223 : memref<624x16xf32, #tpu.memory_space<hbm>>) dst(%dma_wait3A_221 : memref<624x16xf32, #tpu.memory_space<vmem_shared>>)
      tpu.yield
    }) : () -> ()
    %eq3A = arith.constant 0 : i32
    %eq3A_14 = arith.cmpi eq, %arg1, %eq3A : i32
    %convert_element_type3A = arith.extui %eq3A_14 : i1 to i32
    %cond3A = arith.constant 0 : i32
    %cond3A_15 = arith.cmpi ne, %convert_element_type3A, %cond3A : i32
    scf.if %cond3A_15 {
      "tpu.region"() ({
        %run_scoped3A = tpu.sem_alloc : memref<!tpu.dma_semaphore, #tpu.memory_space<semaphore_mem>>
        %dma_start3A_216 = arith.constant 9984 : i32
        %dma_start3A_217 = arith.constant 0 : i32
        %dma_start3A_218 = tpu.memref_slice %arg11[%dma_start3A_216, %dma_start3A_217] : memref<10000x16xf32, #tpu.memory_space<vmem_shared>> -> memref<16x16xf32, #tpu.memory_space<vmem_shared>>
        %dma_start3A_219 = arith.constant 9984 : i32
        %dma_start3A_220 = arith.constant 0 : i32
        %dma_start3A_221 = tpu.memref_slice %arg2[%dma_start3A_219, %dma_start3A_220] : memref<10000x16xf32, #tpu.memory_space<hbm>> -> memref<16x16xf32, #tpu.memory_space<hbm>>
        tpu.enqueue_dma source(%dma_start3A_221 : memref<16x16xf32, #tpu.memory_space<hbm>>) target(%dma_start3A_218 : memref<16x16xf32, #tpu.memory_space<vmem_shared>>) target_semaphore(%run_scoped3A : memref<!tpu.dma_semaphore, #tpu.memory_space<semaphore_mem>>)
        %dma_wait3A_222 = arith.constant 9984 : i32
        %dma_wait3A_223 = arith.constant 0 : i32
        %dma_wait3A_224 = tpu.memref_slice %arg11[%dma_wait3A_222, %dma_wait3A_223] : memref<10000x16xf32, #tpu.memory_space<vmem_shared>> -> memref<16x16xf32, #tpu.memory_space<vmem_shared>>
        %dma_wait3A_225 = arith.constant 9984 : i32
        %dma_wait3A_226 = arith.constant 0 : i32
        %dma_wait3A_227 = tpu.memref_slice %arg2[%dma_wait3A_225, %dma_wait3A_226] : memref<10000x16xf32, #tpu.memory_space<hbm>> -> memref<16x16xf32, #tpu.memory_space<hbm>>
        tpu.wait_dma2 semaphore(%run_scoped3A : memref<!tpu.dma_semaphore, #tpu.memory_space<semaphore_mem>>) src(%dma_wait3A_227 : memref<16x16xf32, #tpu.memory_space<hbm>>) dst(%dma_wait3A_224 : memref<16x16xf32, #tpu.memory_space<vmem_shared>>)
        tpu.yield
      }) : () -> ()
    } else {
    }
    %dma_wait3A = arith.constant 0 : i32
    %dma_wait3A_16 = tpu.memref_slice %arg3[%mul3A_4, %dma_wait3A] : memref<128x2528xi32, #tpu.memory_space<hbm>> -> memref<4x2528xi32, #tpu.memory_space<hbm>>
    %dma_wait3A_17 = arith.constant 0 : i32
    %dma_wait3A_18 = tpu.memref_slice %arg3[%mul3A_4, %dma_wait3A_17] : memref<128x2528xi32, #tpu.memory_space<hbm>> -> memref<4x2528xi32, #tpu.memory_space<hbm>>
    tpu.wait_dma2 semaphore(%arg12 : memref<!tpu.dma_semaphore, #tpu.memory_space<semaphore_mem>>) src(%dma_wait3A_18 : memref<4x2528xi32, #tpu.memory_space<hbm>>) dst(%arg7 : memref<4x2528xi32, #tpu.memory_space<vmem>>)
    %dma_wait3A_19 = arith.constant 0 : i32
    %dma_wait3A_20 = tpu.memref_slice %arg4[%mul3A_4, %dma_wait3A_19] : memref<128x2528xi32, #tpu.memory_space<hbm>> -> memref<4x2528xi32, #tpu.memory_space<hbm>>
    %dma_wait3A_21 = arith.constant 0 : i32
    %dma_wait3A_22 = tpu.memref_slice %arg4[%mul3A_4, %dma_wait3A_21] : memref<128x2528xi32, #tpu.memory_space<hbm>> -> memref<4x2528xi32, #tpu.memory_space<hbm>>
    tpu.wait_dma2 semaphore(%arg12 : memref<!tpu.dma_semaphore, #tpu.memory_space<semaphore_mem>>) src(%dma_wait3A_22 : memref<4x2528xi32, #tpu.memory_space<hbm>>) dst(%arg8 : memref<4x2528xi32, #tpu.memory_space<vmem>>)
    %barrier3A = arith.constant 0 : index
    tpu.barrier barrier_id(%barrier3A)
    %dma_start3A_23 = arith.constant 0 : i32
    %dma_start3A_24 = arith.constant 0 : i32
    %dma_start3A_25 = arith.constant 0 : i32
    %dma_start3A_26 = arith.constant 0 : i32
    %dma_start3A_27 = tpu.memref_slice %arg9[%dma_start3A_24, %dma_start3A_25, %dma_start3A_26] : memref<2x2528x16xf32, #tpu.memory_space<vmem>> -> memref<1x2528x16xf32, #tpu.memory_space<vmem>>
    %dma_start3A_28 = tpu.memref_squeeze %dma_start3A_27 : memref<1x2528x16xf32, #tpu.memory_space<vmem>> -> memref<2528x16xf32, #tpu.memory_space<vmem>>
    %dma_start3A_29 = arith.constant 0 : i32
    %dma_start3A_30 = tpu.memref_slice %arg7[%dma_start3A_23, %dma_start3A_29] : memref<4x2528xi32, #tpu.memory_space<vmem>> -> memref<1x2528xi32, #tpu.memory_space<vmem>>
    %dma_start3A_31 = tpu.memref_squeeze %dma_start3A_30 : memref<1x2528xi32, #tpu.memory_space<vmem>> -> memref<2528xi32, #tpu.memory_space<vmem>>
    %dma_start3A_32 = arith.constant 0 : i32
    %dma_start3A_33 = arith.constant 0 : i32
    %dma_start3A_34 = tpu.memref_slice %arg11[%dma_start3A_32, %dma_start3A_33] : memref<10000x16xf32, #tpu.memory_space<vmem_shared>> -> memref<10000x16xf32, #tpu.memory_space<vmem_shared>>
    tpu.enqueue_indirect_dma source(%dma_start3A_34 : memref<10000x16xf32, #tpu.memory_space<vmem_shared>>) target(%dma_start3A_28 : memref<2528x16xf32, #tpu.memory_space<vmem>>) offsets(%dma_start3A_31 : memref<2528xi32, #tpu.memory_space<vmem>>) semaphore(%arg13 : memref<!tpu.dma_semaphore, #tpu.memory_space<semaphore_mem>>)
    %dma_wait3A_35 = arith.constant 0 : i32
    %dma_wait3A_36 = arith.constant 0 : i32
    %dma_wait3A_37 = arith.constant 0 : i32
    %dma_wait3A_38 = arith.constant 0 : i32
    %dma_wait3A_39 = tpu.memref_slice %arg9[%dma_wait3A_36, %dma_wait3A_37, %dma_wait3A_38] : memref<2x2528x16xf32, #tpu.memory_space<vmem>> -> memref<1x2528x16xf32, #tpu.memory_space<vmem>>
    %dma_wait3A_40 = tpu.memref_squeeze %dma_wait3A_39 : memref<1x2528x16xf32, #tpu.memory_space<vmem>> -> memref<2528x16xf32, #tpu.memory_space<vmem>>
    %dma_wait3A_41 = arith.constant 0 : i32
    %dma_wait3A_42 = tpu.memref_slice %arg7[%dma_wait3A_35, %dma_wait3A_41] : memref<4x2528xi32, #tpu.memory_space<vmem>> -> memref<1x2528xi32, #tpu.memory_space<vmem>>
    %dma_wait3A_43 = tpu.memref_squeeze %dma_wait3A_42 : memref<1x2528xi32, #tpu.memory_space<vmem>> -> memref<2528xi32, #tpu.memory_space<vmem>>
    %dma_wait3A_44 = arith.constant 0 : i32
    %dma_wait3A_45 = arith.constant 0 : i32
    %dma_wait3A_46 = tpu.memref_slice %arg11[%dma_wait3A_44, %dma_wait3A_45] : memref<10000x16xf32, #tpu.memory_space<vmem_shared>> -> memref<10000x16xf32, #tpu.memory_space<vmem_shared>>
    tpu.wait_indirect_dma semaphore(%arg13 : memref<!tpu.dma_semaphore, #tpu.memory_space<semaphore_mem>>) src(%dma_wait3A_46 : memref<10000x16xf32, #tpu.memory_space<vmem_shared>>) dst(%dma_wait3A_40 : memref<2528x16xf32, #tpu.memory_space<vmem>>)
    %dma_start3A_47 = arith.constant 0 : i32
    %dma_start3A_48 = arith.constant 0 : i32
    %dma_start3A_49 = arith.constant 0 : i32
    %dma_start3A_50 = arith.constant 0 : i32
    %dma_start3A_51 = tpu.memref_slice %arg9[%dma_start3A_47, %dma_start3A_49, %dma_start3A_50] : memref<2x2528x16xf32, #tpu.memory_space<vmem>> -> memref<1x2528x16xf32, #tpu.memory_space<vmem>>
    %dma_start3A_52 = tpu.memref_squeeze %dma_start3A_51 : memref<1x2528x16xf32, #tpu.memory_space<vmem>> -> memref<2528x16xf32, #tpu.memory_space<vmem>>
    %dma_start3A_53 = arith.constant 0 : i32
    %dma_start3A_54 = tpu.memref_slice %arg8[%dma_start3A_48, %dma_start3A_53] : memref<4x2528xi32, #tpu.memory_space<vmem>> -> memref<1x2528xi32, #tpu.memory_space<vmem>>
    %dma_start3A_55 = tpu.memref_squeeze %dma_start3A_54 : memref<1x2528xi32, #tpu.memory_space<vmem>> -> memref<2528xi32, #tpu.memory_space<vmem>>
    %dma_start3A_56 = arith.constant 0 : i32
    %dma_start3A_57 = arith.constant 0 : i32
    %dma_start3A_58 = tpu.memref_slice %arg10[%dma_start3A_56, %dma_start3A_57] : memref<10112x16xf32, #tpu.memory_space<vmem_shared>> -> memref<10112x16xf32, #tpu.memory_space<vmem_shared>>
    tpu.enqueue_indirect_dma source(%dma_start3A_52 : memref<2528x16xf32, #tpu.memory_space<vmem>>) target(%dma_start3A_58 : memref<10112x16xf32, #tpu.memory_space<vmem_shared>>) offsets(%dma_start3A_55 : memref<2528xi32, #tpu.memory_space<vmem>>) semaphore(%arg14 : memref<!tpu.dma_semaphore, #tpu.memory_space<semaphore_mem>>) {add = true}
    %dma_start3A_59 = arith.constant 1 : i32
    %dma_start3A_60 = arith.constant 1 : i32
    %dma_start3A_61 = arith.constant 0 : i32
    %dma_start3A_62 = arith.constant 0 : i32
    %dma_start3A_63 = tpu.memref_slice %arg9[%dma_start3A_60, %dma_start3A_61, %dma_start3A_62] : memref<2x2528x16xf32, #tpu.memory_space<vmem>> -> memref<1x2528x16xf32, #tpu.memory_space<vmem>>
    %dma_start3A_64 = tpu.memref_squeeze %dma_start3A_63 : memref<1x2528x16xf32, #tpu.memory_space<vmem>> -> memref<2528x16xf32, #tpu.memory_space<vmem>>
    %dma_start3A_65 = arith.constant 0 : i32
    %dma_start3A_66 = tpu.memref_slice %arg7[%dma_start3A_59, %dma_start3A_65] : memref<4x2528xi32, #tpu.memory_space<vmem>> -> memref<1x2528xi32, #tpu.memory_space<vmem>>
    %dma_start3A_67 = tpu.memref_squeeze %dma_start3A_66 : memref<1x2528xi32, #tpu.memory_space<vmem>> -> memref<2528xi32, #tpu.memory_space<vmem>>
    %dma_start3A_68 = arith.constant 0 : i32
    %dma_start3A_69 = arith.constant 0 : i32
    %dma_start3A_70 = tpu.memref_slice %arg11[%dma_start3A_68, %dma_start3A_69] : memref<10000x16xf32, #tpu.memory_space<vmem_shared>> -> memref<10000x16xf32, #tpu.memory_space<vmem_shared>>
    tpu.enqueue_indirect_dma source(%dma_start3A_70 : memref<10000x16xf32, #tpu.memory_space<vmem_shared>>) target(%dma_start3A_64 : memref<2528x16xf32, #tpu.memory_space<vmem>>) offsets(%dma_start3A_67 : memref<2528xi32, #tpu.memory_space<vmem>>) semaphore(%arg13 : memref<!tpu.dma_semaphore, #tpu.memory_space<semaphore_mem>>)
    %dma_wait3A_71 = arith.constant 1 : i32
    %dma_wait3A_72 = arith.constant 1 : i32
    %dma_wait3A_73 = arith.constant 0 : i32
    %dma_wait3A_74 = arith.constant 0 : i32
    %dma_wait3A_75 = tpu.memref_slice %arg9[%dma_wait3A_72, %dma_wait3A_73, %dma_wait3A_74] : memref<2x2528x16xf32, #tpu.memory_space<vmem>> -> memref<1x2528x16xf32, #tpu.memory_space<vmem>>
    %dma_wait3A_76 = tpu.memref_squeeze %dma_wait3A_75 : memref<1x2528x16xf32, #tpu.memory_space<vmem>> -> memref<2528x16xf32, #tpu.memory_space<vmem>>
    %dma_wait3A_77 = arith.constant 0 : i32
    %dma_wait3A_78 = tpu.memref_slice %arg7[%dma_wait3A_71, %dma_wait3A_77] : memref<4x2528xi32, #tpu.memory_space<vmem>> -> memref<1x2528xi32, #tpu.memory_space<vmem>>
    %dma_wait3A_79 = tpu.memref_squeeze %dma_wait3A_78 : memref<1x2528xi32, #tpu.memory_space<vmem>> -> memref<2528xi32, #tpu.memory_space<vmem>>
    %dma_wait3A_80 = arith.constant 0 : i32
    %dma_wait3A_81 = arith.constant 0 : i32
    %dma_wait3A_82 = tpu.memref_slice %arg11[%dma_wait3A_80, %dma_wait3A_81] : memref<10000x16xf32, #tpu.memory_space<vmem_shared>> -> memref<10000x16xf32, #tpu.memory_space<vmem_shared>>
    tpu.wait_indirect_dma semaphore(%arg13 : memref<!tpu.dma_semaphore, #tpu.memory_space<semaphore_mem>>) src(%dma_wait3A_82 : memref<10000x16xf32, #tpu.memory_space<vmem_shared>>) dst(%dma_wait3A_76 : memref<2528x16xf32, #tpu.memory_space<vmem>>)
    %dma_wait3A_83 = arith.constant 0 : i32
    %dma_wait3A_84 = arith.constant 0 : i32
    %dma_wait3A_85 = arith.constant 0 : i32
    %dma_wait3A_86 = arith.constant 0 : i32
    %dma_wait3A_87 = tpu.memref_slice %arg9[%dma_wait3A_83, %dma_wait3A_85, %dma_wait3A_86] : memref<2x2528x16xf32, #tpu.memory_space<vmem>> -> memref<1x2528x16xf32, #tpu.memory_space<vmem>>
    %dma_wait3A_88 = tpu.memref_squeeze %dma_wait3A_87 : memref<1x2528x16xf32, #tpu.memory_space<vmem>> -> memref<2528x16xf32, #tpu.memory_space<vmem>>
    %dma_wait3A_89 = arith.constant 0 : i32
    %dma_wait3A_90 = tpu.memref_slice %arg8[%dma_wait3A_84, %dma_wait3A_89] : memref<4x2528xi32, #tpu.memory_space<vmem>> -> memref<1x2528xi32, #tpu.memory_space<vmem>>
    %dma_wait3A_91 = tpu.memref_squeeze %dma_wait3A_90 : memref<1x2528xi32, #tpu.memory_space<vmem>> -> memref<2528xi32, #tpu.memory_space<vmem>>
    %dma_wait3A_92 = arith.constant 0 : i32
    %dma_wait3A_93 = arith.constant 0 : i32
    %dma_wait3A_94 = tpu.memref_slice %arg10[%dma_wait3A_92, %dma_wait3A_93] : memref<10112x16xf32, #tpu.memory_space<vmem_shared>> -> memref<10112x16xf32, #tpu.memory_space<vmem_shared>>
    tpu.wait_indirect_dma semaphore(%arg14 : memref<!tpu.dma_semaphore, #tpu.memory_space<semaphore_mem>>) src(%dma_wait3A_88 : memref<2528x16xf32, #tpu.memory_space<vmem>>) dst(%dma_wait3A_94 : memref<10112x16xf32, #tpu.memory_space<vmem_shared>>)
    %dma_start3A_95 = arith.constant 1 : i32
    %dma_start3A_96 = arith.constant 1 : i32
    %dma_start3A_97 = arith.constant 0 : i32
    %dma_start3A_98 = arith.constant 0 : i32
    %dma_start3A_99 = tpu.memref_slice %arg9[%dma_start3A_95, %dma_start3A_97, %dma_start3A_98] : memref<2x2528x16xf32, #tpu.memory_space<vmem>> -> memref<1x2528x16xf32, #tpu.memory_space<vmem>>
    %dma_start3A_100 = tpu.memref_squeeze %dma_start3A_99 : memref<1x2528x16xf32, #tpu.memory_space<vmem>> -> memref<2528x16xf32, #tpu.memory_space<vmem>>
    %dma_start3A_101 = arith.constant 0 : i32
    %dma_start3A_102 = tpu.memref_slice %arg8[%dma_start3A_96, %dma_start3A_101] : memref<4x2528xi32, #tpu.memory_space<vmem>> -> memref<1x2528xi32, #tpu.memory_space<vmem>>
    %dma_start3A_103 = tpu.memref_squeeze %dma_start3A_102 : memref<1x2528xi32, #tpu.memory_space<vmem>> -> memref<2528xi32, #tpu.memory_space<vmem>>
    %dma_start3A_104 = arith.constant 0 : i32
    %dma_start3A_105 = arith.constant 0 : i32
    %dma_start3A_106 = tpu.memref_slice %arg10[%dma_start3A_104, %dma_start3A_105] : memref<10112x16xf32, #tpu.memory_space<vmem_shared>> -> memref<10112x16xf32, #tpu.memory_space<vmem_shared>>
    tpu.enqueue_indirect_dma source(%dma_start3A_100 : memref<2528x16xf32, #tpu.memory_space<vmem>>) target(%dma_start3A_106 : memref<10112x16xf32, #tpu.memory_space<vmem_shared>>) offsets(%dma_start3A_103 : memref<2528xi32, #tpu.memory_space<vmem>>) semaphore(%arg14 : memref<!tpu.dma_semaphore, #tpu.memory_space<semaphore_mem>>) {add = true}
    %dma_start3A_107 = arith.constant 2 : i32
    %dma_start3A_108 = arith.constant 0 : i32
    %dma_start3A_109 = arith.constant 0 : i32
    %dma_start3A_110 = arith.constant 0 : i32
    %dma_start3A_111 = tpu.memref_slice %arg9[%dma_start3A_108, %dma_start3A_109, %dma_start3A_110] : memref<2x2528x16xf32, #tpu.memory_space<vmem>> -> memref<1x2528x16xf32, #tpu.memory_space<vmem>>
    %dma_start3A_112 = tpu.memref_squeeze %dma_start3A_111 : memref<1x2528x16xf32, #tpu.memory_space<vmem>> -> memref<2528x16xf32, #tpu.memory_space<vmem>>
    %dma_start3A_113 = arith.constant 0 : i32
    %dma_start3A_114 = tpu.memref_slice %arg7[%dma_start3A_107, %dma_start3A_113] : memref<4x2528xi32, #tpu.memory_space<vmem>> -> memref<1x2528xi32, #tpu.memory_space<vmem>>
    %dma_start3A_115 = tpu.memref_squeeze %dma_start3A_114 : memref<1x2528xi32, #tpu.memory_space<vmem>> -> memref<2528xi32, #tpu.memory_space<vmem>>
    %dma_start3A_116 = arith.constant 0 : i32
    %dma_start3A_117 = arith.constant 0 : i32
    %dma_start3A_118 = tpu.memref_slice %arg11[%dma_start3A_116, %dma_start3A_117] : memref<10000x16xf32, #tpu.memory_space<vmem_shared>> -> memref<10000x16xf32, #tpu.memory_space<vmem_shared>>
    tpu.enqueue_indirect_dma source(%dma_start3A_118 : memref<10000x16xf32, #tpu.memory_space<vmem_shared>>) target(%dma_start3A_112 : memref<2528x16xf32, #tpu.memory_space<vmem>>) offsets(%dma_start3A_115 : memref<2528xi32, #tpu.memory_space<vmem>>) semaphore(%arg13 : memref<!tpu.dma_semaphore, #tpu.memory_space<semaphore_mem>>)
    %dma_wait3A_119 = arith.constant 2 : i32
    %dma_wait3A_120 = arith.constant 0 : i32
    %dma_wait3A_121 = arith.constant 0 : i32
    %dma_wait3A_122 = arith.constant 0 : i32
    %dma_wait3A_123 = tpu.memref_slice %arg9[%dma_wait3A_120, %dma_wait3A_121, %dma_wait3A_122] : memref<2x2528x16xf32, #tpu.memory_space<vmem>> -> memref<1x2528x16xf32, #tpu.memory_space<vmem>>
    %dma_wait3A_124 = tpu.memref_squeeze %dma_wait3A_123 : memref<1x2528x16xf32, #tpu.memory_space<vmem>> -> memref<2528x16xf32, #tpu.memory_space<vmem>>
    %dma_wait3A_125 = arith.constant 0 : i32
    %dma_wait3A_126 = tpu.memref_slice %arg7[%dma_wait3A_119, %dma_wait3A_125] : memref<4x2528xi32, #tpu.memory_space<vmem>> -> memref<1x2528xi32, #tpu.memory_space<vmem>>
    %dma_wait3A_127 = tpu.memref_squeeze %dma_wait3A_126 : memref<1x2528xi32, #tpu.memory_space<vmem>> -> memref<2528xi32, #tpu.memory_space<vmem>>
    %dma_wait3A_128 = arith.constant 0 : i32
    %dma_wait3A_129 = arith.constant 0 : i32
    %dma_wait3A_130 = tpu.memref_slice %arg11[%dma_wait3A_128, %dma_wait3A_129] : memref<10000x16xf32, #tpu.memory_space<vmem_shared>> -> memref<10000x16xf32, #tpu.memory_space<vmem_shared>>
    tpu.wait_indirect_dma semaphore(%arg13 : memref<!tpu.dma_semaphore, #tpu.memory_space<semaphore_mem>>) src(%dma_wait3A_130 : memref<10000x16xf32, #tpu.memory_space<vmem_shared>>) dst(%dma_wait3A_124 : memref<2528x16xf32, #tpu.memory_space<vmem>>)
    %dma_wait3A_131 = arith.constant 1 : i32
    %dma_wait3A_132 = arith.constant 1 : i32
    %dma_wait3A_133 = arith.constant 0 : i32
    %dma_wait3A_134 = arith.constant 0 : i32
    %dma_wait3A_135 = tpu.memref_slice %arg9[%dma_wait3A_131, %dma_wait3A_133, %dma_wait3A_134] : memref<2x2528x16xf32, #tpu.memory_space<vmem>> -> memref<1x2528x16xf32, #tpu.memory_space<vmem>>
    %dma_wait3A_136 = tpu.memref_squeeze %dma_wait3A_135 : memref<1x2528x16xf32, #tpu.memory_space<vmem>> -> memref<2528x16xf32, #tpu.memory_space<vmem>>
    %dma_wait3A_137 = arith.constant 0 : i32
    %dma_wait3A_138 = tpu.memref_slice %arg8[%dma_wait3A_132, %dma_wait3A_137] : memref<4x2528xi32, #tpu.memory_space<vmem>> -> memref<1x2528xi32, #tpu.memory_space<vmem>>
    %dma_wait3A_139 = tpu.memref_squeeze %dma_wait3A_138 : memref<1x2528xi32, #tpu.memory_space<vmem>> -> memref<2528xi32, #tpu.memory_space<vmem>>
    %dma_wait3A_140 = arith.constant 0 : i32
    %dma_wait3A_141 = arith.constant 0 : i32
    %dma_wait3A_142 = tpu.memref_slice %arg10[%dma_wait3A_140, %dma_wait3A_141] : memref<10112x16xf32, #tpu.memory_space<vmem_shared>> -> memref<10112x16xf32, #tpu.memory_space<vmem_shared>>
    tpu.wait_indirect_dma semaphore(%arg14 : memref<!tpu.dma_semaphore, #tpu.memory_space<semaphore_mem>>) src(%dma_wait3A_136 : memref<2528x16xf32, #tpu.memory_space<vmem>>) dst(%dma_wait3A_142 : memref<10112x16xf32, #tpu.memory_space<vmem_shared>>)
    %dma_start3A_143 = arith.constant 0 : i32
    %dma_start3A_144 = arith.constant 2 : i32
    %dma_start3A_145 = arith.constant 0 : i32
    %dma_start3A_146 = arith.constant 0 : i32
    %dma_start3A_147 = tpu.memref_slice %arg9[%dma_start3A_143, %dma_start3A_145, %dma_start3A_146] : memref<2x2528x16xf32, #tpu.memory_space<vmem>> -> memref<1x2528x16xf32, #tpu.memory_space<vmem>>
    %dma_start3A_148 = tpu.memref_squeeze %dma_start3A_147 : memref<1x2528x16xf32, #tpu.memory_space<vmem>> -> memref<2528x16xf32, #tpu.memory_space<vmem>>
    %dma_start3A_149 = arith.constant 0 : i32
    %dma_start3A_150 = tpu.memref_slice %arg8[%dma_start3A_144, %dma_start3A_149] : memref<4x2528xi32, #tpu.memory_space<vmem>> -> memref<1x2528xi32, #tpu.memory_space<vmem>>
    %dma_start3A_151 = tpu.memref_squeeze %dma_start3A_150 : memref<1x2528xi32, #tpu.memory_space<vmem>> -> memref<2528xi32, #tpu.memory_space<vmem>>
    %dma_start3A_152 = arith.constant 0 : i32
    %dma_start3A_153 = arith.constant 0 : i32
    %dma_start3A_154 = tpu.memref_slice %arg10[%dma_start3A_152, %dma_start3A_153] : memref<10112x16xf32, #tpu.memory_space<vmem_shared>> -> memref<10112x16xf32, #tpu.memory_space<vmem_shared>>
    tpu.enqueue_indirect_dma source(%dma_start3A_148 : memref<2528x16xf32, #tpu.memory_space<vmem>>) target(%dma_start3A_154 : memref<10112x16xf32, #tpu.memory_space<vmem_shared>>) offsets(%dma_start3A_151 : memref<2528xi32, #tpu.memory_space<vmem>>) semaphore(%arg14 : memref<!tpu.dma_semaphore, #tpu.memory_space<semaphore_mem>>) {add = true}
    %dma_start3A_155 = arith.constant 3 : i32
    %dma_start3A_156 = arith.constant 1 : i32
    %dma_start3A_157 = arith.constant 0 : i32
    %dma_start3A_158 = arith.constant 0 : i32
    %dma_start3A_159 = tpu.memref_slice %arg9[%dma_start3A_156, %dma_start3A_157, %dma_start3A_158] : memref<2x2528x16xf32, #tpu.memory_space<vmem>> -> memref<1x2528x16xf32, #tpu.memory_space<vmem>>
    %dma_start3A_160 = tpu.memref_squeeze %dma_start3A_159 : memref<1x2528x16xf32, #tpu.memory_space<vmem>> -> memref<2528x16xf32, #tpu.memory_space<vmem>>
    %dma_start3A_161 = arith.constant 0 : i32
    %dma_start3A_162 = tpu.memref_slice %arg7[%dma_start3A_155, %dma_start3A_161] : memref<4x2528xi32, #tpu.memory_space<vmem>> -> memref<1x2528xi32, #tpu.memory_space<vmem>>
    %dma_start3A_163 = tpu.memref_squeeze %dma_start3A_162 : memref<1x2528xi32, #tpu.memory_space<vmem>> -> memref<2528xi32, #tpu.memory_space<vmem>>
    %dma_start3A_164 = arith.constant 0 : i32
    %dma_start3A_165 = arith.constant 0 : i32
    %dma_start3A_166 = tpu.memref_slice %arg11[%dma_start3A_164, %dma_start3A_165] : memref<10000x16xf32, #tpu.memory_space<vmem_shared>> -> memref<10000x16xf32, #tpu.memory_space<vmem_shared>>
    tpu.enqueue_indirect_dma source(%dma_start3A_166 : memref<10000x16xf32, #tpu.memory_space<vmem_shared>>) target(%dma_start3A_160 : memref<2528x16xf32, #tpu.memory_space<vmem>>) offsets(%dma_start3A_163 : memref<2528xi32, #tpu.memory_space<vmem>>) semaphore(%arg13 : memref<!tpu.dma_semaphore, #tpu.memory_space<semaphore_mem>>)
    %dma_wait3A_167 = arith.constant 3 : i32
    %dma_wait3A_168 = arith.constant 1 : i32
    %dma_wait3A_169 = arith.constant 0 : i32
    %dma_wait3A_170 = arith.constant 0 : i32
    %dma_wait3A_171 = tpu.memref_slice %arg9[%dma_wait3A_168, %dma_wait3A_169, %dma_wait3A_170] : memref<2x2528x16xf32, #tpu.memory_space<vmem>> -> memref<1x2528x16xf32, #tpu.memory_space<vmem>>
    %dma_wait3A_172 = tpu.memref_squeeze %dma_wait3A_171 : memref<1x2528x16xf32, #tpu.memory_space<vmem>> -> memref<2528x16xf32, #tpu.memory_space<vmem>>
    %dma_wait3A_173 = arith.constant 0 : i32
    %dma_wait3A_174 = tpu.memref_slice %arg7[%dma_wait3A_167, %dma_wait3A_173] : memref<4x2528xi32, #tpu.memory_space<vmem>> -> memref<1x2528xi32, #tpu.memory_space<vmem>>
    %dma_wait3A_175 = tpu.memref_squeeze %dma_wait3A_174 : memref<1x2528xi32, #tpu.memory_space<vmem>> -> memref<2528xi32, #tpu.memory_space<vmem>>
    %dma_wait3A_176 = arith.constant 0 : i32
    %dma_wait3A_177 = arith.constant 0 : i32
    %dma_wait3A_178 = tpu.memref_slice %arg11[%dma_wait3A_176, %dma_wait3A_177] : memref<10000x16xf32, #tpu.memory_space<vmem_shared>> -> memref<10000x16xf32, #tpu.memory_space<vmem_shared>>
    tpu.wait_indirect_dma semaphore(%arg13 : memref<!tpu.dma_semaphore, #tpu.memory_space<semaphore_mem>>) src(%dma_wait3A_178 : memref<10000x16xf32, #tpu.memory_space<vmem_shared>>) dst(%dma_wait3A_172 : memref<2528x16xf32, #tpu.memory_space<vmem>>)
    %dma_wait3A_179 = arith.constant 0 : i32
    %dma_wait3A_180 = arith.constant 2 : i32
    %dma_wait3A_181 = arith.constant 0 : i32
    %dma_wait3A_182 = arith.constant 0 : i32
    %dma_wait3A_183 = tpu.memref_slice %arg9[%dma_wait3A_179, %dma_wait3A_181, %dma_wait3A_182] : memref<2x2528x16xf32, #tpu.memory_space<vmem>> -> memref<1x2528x16xf32, #tpu.memory_space<vmem>>
    %dma_wait3A_184 = tpu.memref_squeeze %dma_wait3A_183 : memref<1x2528x16xf32, #tpu.memory_space<vmem>> -> memref<2528x16xf32, #tpu.memory_space<vmem>>
    %dma_wait3A_185 = arith.constant 0 : i32
    %dma_wait3A_186 = tpu.memref_slice %arg8[%dma_wait3A_180, %dma_wait3A_185] : memref<4x2528xi32, #tpu.memory_space<vmem>> -> memref<1x2528xi32, #tpu.memory_space<vmem>>
    %dma_wait3A_187 = tpu.memref_squeeze %dma_wait3A_186 : memref<1x2528xi32, #tpu.memory_space<vmem>> -> memref<2528xi32, #tpu.memory_space<vmem>>
    %dma_wait3A_188 = arith.constant 0 : i32
    %dma_wait3A_189 = arith.constant 0 : i32
    %dma_wait3A_190 = tpu.memref_slice %arg10[%dma_wait3A_188, %dma_wait3A_189] : memref<10112x16xf32, #tpu.memory_space<vmem_shared>> -> memref<10112x16xf32, #tpu.memory_space<vmem_shared>>
    tpu.wait_indirect_dma semaphore(%arg14 : memref<!tpu.dma_semaphore, #tpu.memory_space<semaphore_mem>>) src(%dma_wait3A_184 : memref<2528x16xf32, #tpu.memory_space<vmem>>) dst(%dma_wait3A_190 : memref<10112x16xf32, #tpu.memory_space<vmem_shared>>)
    %dma_start3A_191 = arith.constant 1 : i32
    %dma_start3A_192 = arith.constant 3 : i32
    %dma_start3A_193 = arith.constant 0 : i32
    %dma_start3A_194 = arith.constant 0 : i32
    %dma_start3A_195 = tpu.memref_slice %arg9[%dma_start3A_191, %dma_start3A_193, %dma_start3A_194] : memref<2x2528x16xf32, #tpu.memory_space<vmem>> -> memref<1x2528x16xf32, #tpu.memory_space<vmem>>
    %dma_start3A_196 = tpu.memref_squeeze %dma_start3A_195 : memref<1x2528x16xf32, #tpu.memory_space<vmem>> -> memref<2528x16xf32, #tpu.memory_space<vmem>>
    %dma_start3A_197 = arith.constant 0 : i32
    %dma_start3A_198 = tpu.memref_slice %arg8[%dma_start3A_192, %dma_start3A_197] : memref<4x2528xi32, #tpu.memory_space<vmem>> -> memref<1x2528xi32, #tpu.memory_space<vmem>>
    %dma_start3A_199 = tpu.memref_squeeze %dma_start3A_198 : memref<1x2528xi32, #tpu.memory_space<vmem>> -> memref<2528xi32, #tpu.memory_space<vmem>>
    %dma_start3A_200 = arith.constant 0 : i32
    %dma_start3A_201 = arith.constant 0 : i32
    %dma_start3A_202 = tpu.memref_slice %arg10[%dma_start3A_200, %dma_start3A_201] : memref<10112x16xf32, #tpu.memory_space<vmem_shared>> -> memref<10112x16xf32, #tpu.memory_space<vmem_shared>>
    tpu.enqueue_indirect_dma source(%dma_start3A_196 : memref<2528x16xf32, #tpu.memory_space<vmem>>) target(%dma_start3A_202 : memref<10112x16xf32, #tpu.memory_space<vmem_shared>>) offsets(%dma_start3A_199 : memref<2528xi32, #tpu.memory_space<vmem>>) semaphore(%arg14 : memref<!tpu.dma_semaphore, #tpu.memory_space<semaphore_mem>>) {add = true}
    %dma_wait3A_203 = arith.constant 1 : i32
    %dma_wait3A_204 = arith.constant 3 : i32
    %dma_wait3A_205 = arith.constant 0 : i32
    %dma_wait3A_206 = arith.constant 0 : i32
    %dma_wait3A_207 = tpu.memref_slice %arg9[%dma_wait3A_203, %dma_wait3A_205, %dma_wait3A_206] : memref<2x2528x16xf32, #tpu.memory_space<vmem>> -> memref<1x2528x16xf32, #tpu.memory_space<vmem>>
    %dma_wait3A_208 = tpu.memref_squeeze %dma_wait3A_207 : memref<1x2528x16xf32, #tpu.memory_space<vmem>> -> memref<2528x16xf32, #tpu.memory_space<vmem>>
    %dma_wait3A_209 = arith.constant 0 : i32
    %dma_wait3A_210 = tpu.memref_slice %arg8[%dma_wait3A_204, %dma_wait3A_209] : memref<4x2528xi32, #tpu.memory_space<vmem>> -> memref<1x2528xi32, #tpu.memory_space<vmem>>
    %dma_wait3A_211 = tpu.memref_squeeze %dma_wait3A_210 : memref<1x2528xi32, #tpu.memory_space<vmem>> -> memref<2528xi32, #tpu.memory_space<vmem>>
    %dma_wait3A_212 = arith.constant 0 : i32
    %dma_wait3A_213 = arith.constant 0 : i32
    %dma_wait3A_214 = tpu.memref_slice %arg10[%dma_wait3A_212, %dma_wait3A_213] : memref<10112x16xf32, #tpu.memory_space<vmem_shared>> -> memref<10112x16xf32, #tpu.memory_space<vmem_shared>>
    tpu.wait_indirect_dma semaphore(%arg14 : memref<!tpu.dma_semaphore, #tpu.memory_space<semaphore_mem>>) src(%dma_wait3A_208 : memref<2528x16xf32, #tpu.memory_space<vmem>>) dst(%dma_wait3A_214 : memref<10112x16xf32, #tpu.memory_space<vmem_shared>>)
    %barrier3A_215 = arith.constant 0 : index
    tpu.barrier barrier_id(%barrier3A_215)
    "tpu.region"() ({
      %run_scoped3A = tpu.sem_alloc : memref<!tpu.dma_semaphore, #tpu.memory_space<semaphore_mem>>
      %dma_start3A_216 = arith.constant 0 : i32
      %dma_start3A_217 = tpu.memref_slice %arg6[%arg0, %mul3A_2, %dma_start3A_216] : memref<2x10112x16xf32, #tpu.memory_space<hbm>> -> memref<1x632x16xf32, #tpu.memory_space<hbm>>
      %dma_start3A_218 = tpu.memref_squeeze %dma_start3A_217 : memref<1x632x16xf32, #tpu.memory_space<hbm>> -> memref<632x16xf32, #tpu.memory_space<hbm>>
      %dma_start3A_219 = arith.constant 0 : i32
      %dma_start3A_220 = tpu.memref_slice %arg10[%mul3A_2, %dma_start3A_219] : memref<10112x16xf32, #tpu.memory_space<vmem_shared>> -> memref<632x16xf32, #tpu.memory_space<vmem_shared>>
      tpu.enqueue_dma source(%dma_start3A_220 : memref<632x16xf32, #tpu.memory_space<vmem_shared>>) target(%dma_start3A_218 : memref<632x16xf32, #tpu.memory_space<hbm>>) target_semaphore(%run_scoped3A : memref<!tpu.dma_semaphore, #tpu.memory_space<semaphore_mem>>)
      %dma_wait3A_221 = arith.constant 0 : i32
      %dma_wait3A_222 = tpu.memref_slice %arg6[%arg0, %mul3A_2, %dma_wait3A_221] : memref<2x10112x16xf32, #tpu.memory_space<hbm>> -> memref<1x632x16xf32, #tpu.memory_space<hbm>>
      %dma_wait3A_223 = tpu.memref_squeeze %dma_wait3A_222 : memref<1x632x16xf32, #tpu.memory_space<hbm>> -> memref<632x16xf32, #tpu.memory_space<hbm>>
      %dma_wait3A_224 = arith.constant 0 : i32
      %dma_wait3A_225 = tpu.memref_slice %arg10[%mul3A_2, %dma_wait3A_224] : memref<10112x16xf32, #tpu.memory_space<vmem_shared>> -> memref<632x16xf32, #tpu.memory_space<vmem_shared>>
      tpu.wait_dma2 semaphore(%run_scoped3A : memref<!tpu.dma_semaphore, #tpu.memory_space<semaphore_mem>>) src(%dma_wait3A_225 : memref<632x16xf32, #tpu.memory_space<vmem_shared>>) dst(%dma_wait3A_223 : memref<632x16xf32, #tpu.memory_space<hbm>>)
      tpu.yield
    }) : () -> ()
    return
  }
}

module attributes {stable_mosaic.version = 14 : i64} {
  func.func @_mask_body(%arg0: memref<2528x128xi32, #tpu.memory_space<vmem>>, %arg1: memref<2528x128xi32, #tpu.memory_space<vmem>>, %arg2: memref<2528x128xi32, #tpu.memory_space<vmem>>, %arg3: memref<2528x128xi32, #tpu.memory_space<vmem>>) attributes {dimension_semantics = [], scalar_prefetch = 0 : i64, scratch_operands = 0 : i64, tpu.core_type = #tpu.core_type<tc>} {
    %get3A = arith.constant 0 : index
    %get3A_0 = arith.constant 0 : index
    %get3A_1 = vector.load %arg0[%get3A, %get3A_0] : memref<2528x128xi32, #tpu.memory_space<vmem>>, vector<2528x128xi32>
    %get3A_2 = arith.constant 0 : index
    %get3A_3 = arith.constant 0 : index
    %get3A_4 = vector.load %arg1[%get3A_2, %get3A_3] : memref<2528x128xi32, #tpu.memory_space<vmem>>, vector<2528x128xi32>
    %eq3A = arith.cmpi eq, %get3A_1, %get3A_4 : vector<2528x128xi32>
    %jit3A = arith.constant 10000 : i32
    %broadcast_in_dim3A = vector.broadcast %jit3A : i32 to vector<2528x128xi32>
    %select_n3A = arith.select %eq3A, %broadcast_in_dim3A, %get3A_1 : vector<2528x128xi1>, vector<2528x128xi32>
    %swap3A = arith.constant 0 : index
    %swap3A_5 = arith.constant 0 : index
    %swap3A_6 = vector.load %arg2[%swap3A, %swap3A_5] : memref<2528x128xi32, #tpu.memory_space<vmem>>, vector<2528x128xi32>
    tpu.vector_store %arg2[%swap3A, %swap3A_5], %select_n3A {strides = array<i32>} : memref<2528x128xi32, #tpu.memory_space<vmem>>, vector<2528x128xi32>,
    %jit3A_7 = arith.constant 10000 : i32
    %broadcast_in_dim3A_8 = vector.broadcast %jit3A_7 : i32 to vector<2528x128xi32>
    %select_n3A_9 = arith.select %eq3A, %broadcast_in_dim3A_8, %get3A_4 : vector<2528x128xi1>, vector<2528x128xi32>
    %swap3A_10 = arith.constant 0 : index
    %swap3A_11 = arith.constant 0 : index
    %swap3A_12 = vector.load %arg3[%swap3A_10, %swap3A_11] : memref<2528x128xi32, #tpu.memory_space<vmem>>, vector<2528x128xi32>
    tpu.vector_store %arg3[%swap3A_10, %swap3A_11], %select_n3A_9 {strides = array<i32>} : memref<2528x128xi32, #tpu.memory_space<vmem>>, vector<2528x128xi32>,
    return
  }
}

module attributes {stable_mosaic.version = 14 : i64} {
  func.func @_mm0s_body(%arg0: i32, %arg1: memref<2000x128xf32, #tpu.memory_space<vmem>>, %arg2: memref<128x16xf32, #tpu.memory_space<vmem>>, %arg3: memref<2x2000x16xf32, #tpu.memory_space<vmem>>, %arg4: memref<2x2000x16xf32, #tpu.memory_space<vmem>>, %arg5: memref<2000x16xf32, #tpu.memory_space<vmem>>, %arg6: memref<2000x16xf32, #tpu.memory_space<vmem>>, %arg7: memref<2000x16xf32, #tpu.memory_space<vmem>>) attributes {dimension_semantics = [#tpu.dimension_semantics<arbitrary>], iteration_bounds = array<i64: 5>, scalar_prefetch = 0 : i64, scratch_operands = 0 : i64, tpu.core_type = #tpu.core_type<tc>, window_params = [{transform_indices = @transform_0, window_bounds = array<i64: 2000, 128>}, {pipeline_mode = #tpu.pipeline_mode<synchronous>, transform_indices = @transform_1, window_bounds = array<i64: 128, 16>}, {transform_indices = @transform_2, window_bounds = array<i64: 2, 2000, 16>}, {transform_indices = @transform_3, window_bounds = array<i64: 2, 2000, 16>}, {transform_indices = @transform_4, window_bounds = array<i64: 2000, 16>}, {transform_indices = @transform_5, window_bounds = array<i64: 2000, 16>}, {transform_indices = @transform_6, window_bounds = array<i64: 2000, 16>}]} {
    %get3A = arith.constant 0 : index
    %get3A_0 = arith.constant 0 : index
    %get3A_1 = arith.constant 0 : index
    %get3A_2 = vector.load %arg3[%get3A, %get3A_0, %get3A_1] : memref<2x2000x16xf32, #tpu.memory_space<vmem>>, vector<1x2000x16xf32>
    %get3A_3 = vector.shape_cast %get3A_2 : vector<1x2000x16xf32> to vector<2000x16xf32>
    %get3A_4 = arith.constant 1 : index
    %get3A_5 = arith.constant 0 : index
    %get3A_6 = arith.constant 0 : index
    %get3A_7 = vector.load %arg3[%get3A_4, %get3A_5, %get3A_6] : memref<2x2000x16xf32, #tpu.memory_space<vmem>>, vector<1x2000x16xf32>
    %get3A_8 = vector.shape_cast %get3A_7 : vector<1x2000x16xf32> to vector<2000x16xf32>
    %add3A = arith.addf %get3A_3, %get3A_8 : vector<2000x16xf32>
    %add3A_9 = arith.constant 1.000000e+00 : f32
    %add3A_10 = vector.broadcast %add3A_9 : f32 to vector<2000x16xf32>
    %add3A_11 = arith.addf %add3A, %add3A_10 : vector<2000x16xf32>
    %rsqrt3A = math.rsqrt %add3A_11 : vector<2000x16xf32>
    %get3A_12 = arith.constant 0 : index
    %get3A_13 = arith.constant 0 : index
    %get3A_14 = arith.constant 0 : index
    %get3A_15 = vector.load %arg4[%get3A_12, %get3A_13, %get3A_14] : memref<2x2000x16xf32, #tpu.memory_space<vmem>>, vector<1x2000x16xf32>
    %get3A_16 = vector.shape_cast %get3A_15 : vector<1x2000x16xf32> to vector<2000x16xf32>
    %get3A_17 = arith.constant 1 : index
    %get3A_18 = arith.constant 0 : index
    %get3A_19 = arith.constant 0 : index
    %get3A_20 = vector.load %arg4[%get3A_17, %get3A_18, %get3A_19] : memref<2x2000x16xf32, #tpu.memory_space<vmem>>, vector<1x2000x16xf32>
    %get3A_21 = vector.shape_cast %get3A_20 : vector<1x2000x16xf32> to vector<2000x16xf32>
    %add3A_22 = arith.addf %get3A_16, %get3A_21 : vector<2000x16xf32>
    %add3A_23 = arith.constant 1.000000e+00 : f32
    %add3A_24 = vector.broadcast %add3A_23 : f32 to vector<2000x16xf32>
    %add3A_25 = arith.addf %add3A_22, %add3A_24 : vector<2000x16xf32>
    %rsqrt3A_26 = math.rsqrt %add3A_25 : vector<2000x16xf32>
    %get3A_27 = arith.constant 0 : index
    %get3A_28 = arith.constant 0 : index
    %get3A_29 = vector.load %arg1[%get3A_27, %get3A_28] : memref<2000x128xf32, #tpu.memory_space<vmem>>, vector<2000x128xf32>
    %get3A_30 = arith.constant 0 : index
    %get3A_31 = arith.constant 0 : index
    %get3A_32 = vector.load %arg2[%get3A_30, %get3A_31] : memref<128x16xf32, #tpu.memory_space<vmem>>, vector<128x16xf32>
    %dot_general3A = arith.constant dense<0.000000e+00> : vector<2000x16xf32>
    %dot_general3A_33 = tpu.matmul %get3A_29, %get3A_32, %dot_general3A {dimension_numbers = #tpu.dot_dimension_numbers<[1], [0], [0], [1], [0, 0, 1, 1], [], []>, transpose_lhs_hint = false} : vector<2000x128xf32>, vector<128x16xf32>, vector<2000x16xf32> -> vector<2000x16xf32>
    %mul3A = arith.mulf %dot_general3A_33, %rsqrt3A : vector<2000x16xf32>
    %swap3A = arith.constant 0 : index
    %swap3A_34 = arith.constant 0 : index
    %swap3A_35 = vector.load %arg5[%swap3A, %swap3A_34] : memref<2000x16xf32, #tpu.memory_space<vmem>>, vector<2000x16xf32>
    tpu.vector_store %arg5[%swap3A, %swap3A_34], %mul3A {strides = array<i32>} : memref<2000x16xf32, #tpu.memory_space<vmem>>, vector<2000x16xf32>,
    %swap3A_36 = arith.constant 0 : index
    %swap3A_37 = arith.constant 0 : index
    %swap3A_38 = vector.load %arg6[%swap3A_36, %swap3A_37] : memref<2000x16xf32, #tpu.memory_space<vmem>>, vector<2000x16xf32>
    tpu.vector_store %arg6[%swap3A_36, %swap3A_37], %rsqrt3A {strides = array<i32>} : memref<2000x16xf32, #tpu.memory_space<vmem>>, vector<2000x16xf32>,
    %swap3A_39 = arith.constant 0 : index
    %swap3A_40 = arith.constant 0 : index
    %swap3A_41 = vector.load %arg7[%swap3A_39, %swap3A_40] : memref<2000x16xf32, #tpu.memory_space<vmem>>, vector<2000x16xf32>
    tpu.vector_store %arg7[%swap3A_39, %swap3A_40], %rsqrt3A_26 {strides = array<i32>} : memref<2000x16xf32, #tpu.memory_space<vmem>>, vector<2000x16xf32>,
    return
  }
  func.func @transform_0(%arg0: i32) -> (i32, i32) {
    %c0_i32 = arith.constant 0 : i32
    %c0_i32_0 = arith.constant 0 : i32
    return %arg0, %c0_i32 : i32, i32
  }
  func.func @transform_1(%arg0: i32) -> (i32, i32) {
    %c0_i32 = arith.constant 0 : i32
    %c0_i32_0 = arith.constant 0 : i32
    %c0_i32_1 = arith.constant 0 : i32
    return %c0_i32, %c0_i32_0 : i32, i32
  }
  func.func @transform_2(%arg0: i32) -> (i32, i32, i32) {
    %c0_i32 = arith.constant 0 : i32
    %c0_i32_0 = arith.constant 0 : i32
    %c0_i32_1 = arith.constant 0 : i32
    return %c0_i32, %arg0, %c0_i32_0 : i32, i32, i32
  }
  func.func @transform_3(%arg0: i32) -> (i32, i32, i32) {
    %c0_i32 = arith.constant 0 : i32
    %c0_i32_0 = arith.constant 0 : i32
    %c0_i32_1 = arith.constant 0 : i32
    return %c0_i32, %arg0, %c0_i32_0 : i32, i32, i32
  }
  func.func @transform_4(%arg0: i32) -> (i32, i32) {
    %c0_i32 = arith.constant 0 : i32
    %c0_i32_0 = arith.constant 0 : i32
    return %arg0, %c0_i32 : i32, i32
  }
  func.func @transform_5(%arg0: i32) -> (i32, i32) {
    %c0_i32 = arith.constant 0 : i32
    %c0_i32_0 = arith.constant 0 : i32
    return %arg0, %c0_i32 : i32, i32
  }
  func.func @transform_6(%arg0: i32) -> (i32, i32) {
    %c0_i32 = arith.constant 0 : i32
    %c0_i32_0 = arith.constant 0 : i32
    return %arg0, %c0_i32 : i32, i32
  }
}

module attributes {stable_mosaic.version = 14 : i64} {
  func.func @_mid_body(%arg0: memref<2x10000x16xf32, #tpu.memory_space<vmem>>, %arg1: memref<10000x16xf32, #tpu.memory_space<vmem>>, %arg2: memref<10000x16xf32, #tpu.memory_space<vmem>>, %arg3: memref<10000x16xf32, #tpu.memory_space<vmem>>, %arg4: memref<16x16xf32, #tpu.memory_space<vmem>>, %arg5: memref<1x16xf32, #tpu.memory_space<vmem>>, %arg6: memref<10000x16xf32, #tpu.memory_space<vmem>>) attributes {dimension_semantics = [], scalar_prefetch = 0 : i64, scratch_operands = 0 : i64, tpu.core_type = #tpu.core_type<tc>} {
    %get3A = arith.constant 0 : index
    %get3A_0 = arith.constant 0 : index
    %get3A_1 = arith.constant 0 : index
    %get3A_2 = vector.load %arg0[%get3A, %get3A_0, %get3A_1] : memref<2x10000x16xf32, #tpu.memory_space<vmem>>, vector<1x10000x16xf32>
    %get3A_3 = vector.shape_cast %get3A_2 : vector<1x10000x16xf32> to vector<10000x16xf32>
    %get3A_4 = arith.constant 1 : index
    %get3A_5 = arith.constant 0 : index
    %get3A_6 = arith.constant 0 : index
    %get3A_7 = vector.load %arg0[%get3A_4, %get3A_5, %get3A_6] : memref<2x10000x16xf32, #tpu.memory_space<vmem>>, vector<1x10000x16xf32>
    %get3A_8 = vector.shape_cast %get3A_7 : vector<1x10000x16xf32> to vector<10000x16xf32>
    %add3A = arith.addf %get3A_3, %get3A_8 : vector<10000x16xf32>
    %get3A_9 = arith.constant 0 : index
    %get3A_10 = arith.constant 0 : index
    %get3A_11 = vector.load %arg1[%get3A_9, %get3A_10] : memref<10000x16xf32, #tpu.memory_space<vmem>>, vector<10000x16xf32>
    %add3A_12 = arith.addf %add3A, %get3A_11 : vector<10000x16xf32>
    %get3A_13 = arith.constant 0 : index
    %get3A_14 = arith.constant 0 : index
    %get3A_15 = vector.load %arg2[%get3A_13, %get3A_14] : memref<10000x16xf32, #tpu.memory_space<vmem>>, vector<10000x16xf32>
    %mul3A = arith.mulf %add3A_12, %get3A_15 : vector<10000x16xf32>
    %get3A_16 = arith.constant 0 : index
    %get3A_17 = arith.constant 0 : index
    %get3A_18 = vector.load %arg5[%get3A_16, %get3A_17] : memref<1x16xf32, #tpu.memory_space<vmem>>, vector<1x16xf32>
    %add3A_19 = vector.broadcast %get3A_18 : vector<1x16xf32> to vector<10000x16xf32>
    %add3A_20 = arith.addf %mul3A, %add3A_19 : vector<10000x16xf32>
    %max3A = arith.constant 0.000000e+00 : f32
    %max3A_21 = vector.broadcast %max3A : f32 to vector<10000x16xf32>
    %max3A_22 = arith.maximumf %add3A_20, %max3A_21 : vector<10000x16xf32>
    %get3A_23 = arith.constant 0 : index
    %get3A_24 = arith.constant 0 : index
    %get3A_25 = vector.load %arg4[%get3A_23, %get3A_24] : memref<16x16xf32, #tpu.memory_space<vmem>>, vector<16x16xf32>
    %dot_general3A = arith.constant dense<0.000000e+00> : vector<10000x16xf32>
    %dot_general3A_26 = tpu.matmul %max3A_22, %get3A_25, %dot_general3A {dimension_numbers = #tpu.dot_dimension_numbers<[1], [0], [0], [1], [0, 0, 1, 1], [], []>, transpose_lhs_hint = false} : vector<10000x16xf32>, vector<16x16xf32>, vector<10000x16xf32> -> vector<10000x16xf32>
    %get3A_27 = arith.constant 0 : index
    %get3A_28 = arith.constant 0 : index
    %get3A_29 = vector.load %arg3[%get3A_27, %get3A_28] : memref<10000x16xf32, #tpu.memory_space<vmem>>, vector<10000x16xf32>
    %mul3A_30 = arith.mulf %dot_general3A_26, %get3A_29 : vector<10000x16xf32>
    %swap3A = arith.constant 0 : index
    %swap3A_31 = arith.constant 0 : index
    %swap3A_32 = vector.load %arg6[%swap3A, %swap3A_31] : memref<10000x16xf32, #tpu.memory_space<vmem>>, vector<10000x16xf32>
    tpu.vector_store %arg6[%swap3A, %swap3A_31], %mul3A_30 {strides = array<i32>} : memref<10000x16xf32, #tpu.memory_space<vmem>>, vector<10000x16xf32>,
    return
  }
}

module attributes {stable_mosaic.version = 14 : i64} {
  func.func @_final_body(%arg0: memref<2x10000x16xf32, #tpu.memory_space<vmem>>, %arg1: memref<10000x16xf32, #tpu.memory_space<vmem>>, %arg2: memref<10000x16xf32, #tpu.memory_space<vmem>>, %arg3: memref<1x16xf32, #tpu.memory_space<vmem>>, %arg4: memref<10000x16xf32, #tpu.memory_space<vmem>>) attributes {dimension_semantics = [], scalar_prefetch = 0 : i64, scratch_operands = 0 : i64, tpu.core_type = #tpu.core_type<tc>} {
    %get3A = arith.constant 0 : index
    %get3A_0 = arith.constant 0 : index
    %get3A_1 = arith.constant 0 : index
    %get3A_2 = vector.load %arg0[%get3A, %get3A_0, %get3A_1] : memref<2x10000x16xf32, #tpu.memory_space<vmem>>, vector<1x10000x16xf32>
    %get3A_3 = vector.shape_cast %get3A_2 : vector<1x10000x16xf32> to vector<10000x16xf32>
    %get3A_4 = arith.constant 1 : index
    %get3A_5 = arith.constant 0 : index
    %get3A_6 = arith.constant 0 : index
    %get3A_7 = vector.load %arg0[%get3A_4, %get3A_5, %get3A_6] : memref<2x10000x16xf32, #tpu.memory_space<vmem>>, vector<1x10000x16xf32>
    %get3A_8 = vector.shape_cast %get3A_7 : vector<1x10000x16xf32> to vector<10000x16xf32>
    %add3A = arith.addf %get3A_3, %get3A_8 : vector<10000x16xf32>
    %get3A_9 = arith.constant 0 : index
    %get3A_10 = arith.constant 0 : index
    %get3A_11 = vector.load %arg1[%get3A_9, %get3A_10] : memref<10000x16xf32, #tpu.memory_space<vmem>>, vector<10000x16xf32>
    %add3A_12 = arith.addf %add3A, %get3A_11 : vector<10000x16xf32>
    %get3A_13 = arith.constant 0 : index
    %get3A_14 = arith.constant 0 : index
    %get3A_15 = vector.load %arg2[%get3A_13, %get3A_14] : memref<10000x16xf32, #tpu.memory_space<vmem>>, vector<10000x16xf32>
    %mul3A = arith.mulf %add3A_12, %get3A_15 : vector<10000x16xf32>
    %get3A_16 = arith.constant 0 : index
    %get3A_17 = arith.constant 0 : index
    %get3A_18 = vector.load %arg3[%get3A_16, %get3A_17] : memref<1x16xf32, #tpu.memory_space<vmem>>, vector<1x16xf32>
    %add3A_19 = vector.broadcast %get3A_18 : vector<1x16xf32> to vector<10000x16xf32>
    %add3A_20 = arith.addf %mul3A, %add3A_19 : vector<10000x16xf32>
    %swap3A = arith.constant 0 : index
    %swap3A_21 = arith.constant 0 : index
    %swap3A_22 = vector.load %arg4[%swap3A, %swap3A_21] : memref<10000x16xf32, #tpu.memory_space<vmem>>, vector<10000x16xf32>
    tpu.vector_store %arg4[%swap3A, %swap3A_21], %add3A_20 {strides = array<i32>} : memref<10000x16xf32, #tpu.memory_space<vmem>>, vector<10000x16xf32>,
    return
  }
}

</mosaic_0001>

<sc_bundles>
// kernel: kernel.11.cloned.1.call-start
scs
__scs_entry_jumppad:
0x0: {  	(pc) =	sbr.rel $0x88, $3  }
0x1: {  	(tag) =	ssettag $0x0;
	lr =	simm.s32 $0x1  }
0x2: {  	[smem:$0x3F99] =	sst lr;
	_ =	strace $0xD0000000  }
0x3: {  	_ = 	snop  }
0x4: {  	_ = 	snop  }
0x5: {  	_ = 	snop  }
0x6: {  	_ = 	snop  }
0x7: {  	_ = 	snop  }
__scs_overlays_trampoline_lowered:
0x8: {  	[smem:$0x3FA8] =	sst s0  }
0x9: {  	[smem:$0x3FA9] =	sst s1  }
0xa: {  	[smem:$0x3FAA] =	sst s2  }
0xb: {  	[smem:$0x3FAB] =	sst s3  }
0xc: {  	[smem:$0x3FAC] =	sst s4  }
0xd: {  	[smem:$0x3FAD] =	sst s5  }
0xe: {  	[smem:$0x3FAE] =	sst s6  }
0xf: {  	[smem:$0x3FAF] =	sst s7  }
0x10: {  	[smem:$0x3FB0] =	sst s8  }
0x11: {  	[smem:$0x3FB1] =	sst s9;
	s0 =	simm.s32 @!p0 $0x0  }
0x12: {  	s1 =	sld [smem:$0x3F97];
	s0 =	simm.s32 @p0 $0x1  }
0x13: {  	[smem:$0x3FB2] =	sst s0;
	s0 =	simm.s32 @!p1 $0x0  }
0x14: {  	s2 =	sld [smem:$0x3F96];
	s0 =	simm.s32 @p1 $0x1  }
0x15: {  	[smem:$0x3FB3] =	sst s0;
	s0 =	simm.s32 @!p2 $0x0  }
0x16: {  	s3 =	sld [smem:$0x3FDB];
	s0 =	simm.s32 @p2 $0x1  }
0x17: {  	s4 =	simm.s32 $0x1BF5;
	[smem:$0x3FB5] =	sst s0  }
0x18: {  	s0 =	sld [smem:$0x3F98];
	_ =	swait.ge [sflag:s4], $0x0  }
0x19: {  	s7 =	sld [smem:$0x3F99]  }
0x1a: {  	s8 =	sadd.s32 $0xFFFFE003, lr  }
0x1b: {  	s9 =	sadd.s32 $0xFFFFFEF7, lr;
	s5 =	simm.s32 $0xFFFFFFFF;
	p2 =	slt.u32 s8, $0xFFFFF086  }
0x1c: {  	p1 =	slt.u32 s9, $0xF7A;
	s5 =	simm.s32 @!p2 $0x0  }
0x1d: {  	s5 =	simm.s32 @p1 $0x1;
	p0 =	seq.s32 s7, s2  }
0x1e: {  	s7 =	smul.u32 @!p0 $0xF7A, s2;
	p2 =	seq.s32 @!p0 s5, $0x0  }
0x1f: {  	s9 =	smul.u32 $0xF7A, s1;
	s8 =	simm.s32 @!p0 $0x1BF5;
	p2 =	por !p2, p0  }
0x20: {  	[sflag:s8] =	ssyncset.s32 @!p0 $0xFFFFF086;
	s6 =	sadd.s32 @!p0 s3, s7;
	s7 =	simm.s32 @!p0 $0x108  }
0x21: {  	s3 =	sadd.s32 s3, s9;
	s6 =	sadd.s32 @!p0 $0x88, s6;
	s7 =	simm.s32 @p2 $0x1082  }
0x22: {  	[simem:s7], [sflag:s8] =	dma.local @!p0 [hbm:s6], $0xF7A  }
0x23: {  	s9 =	sor.u32 $0xD0000000, s2;
	s6 =	simm.s32 $0x108;
	_ =	swait.ge @!p0 [sflag:s8], $0x0  }
0x24: {  	s3 =	sadd.s32 $0x88, s3;
	s6 =	simm.s32 @!p1 $0x1082;
	[sflag:s4] =	ssyncset.s32 $0xFFFFF086  }
0x25: {  	[simem:s6], [sflag:s4] =	dma.local [hbm:s3], $0xF7A  }
0x26: {  	[smem:$0x3F99] =	sst s1;
	(tag) =	ssettag s2;
	_ =	strace s9  }
0x27: {  	s1 =	sld [smem:$0x3FA9]  }
0x28: {  	s2 =	sld [smem:$0x3FAA]  }
0x29: {  	s4 =	sld [smem:$0x3FAC]  }
0x2a: {  	p0 =	seq.s32 s5, $0x0;
	s5 =	sld [smem:$0x3FAD]  }
0x2b: {  	s6 =	sld [smem:$0x3FAE]  }
0x2c: {  	s7 =	sld [smem:$0x3FAF]  }
0x2d: {  	s3 =	simm.s32 $0x108;
	s8 =	sld [smem:$0x3FB0]  }
0x2e: {  	s3 =	simm.s32 @!p0 $0x1082;
	s9 =	sld [smem:$0x3FB1]  }
0x2f: {  	lr =	sadd.s32 s0, s3;
	s0 =	sld [smem:$0x3FA8]  }
0x30: {  	s3 =	sld [smem:$0x3FAB]  }
0x31: {  	[smem:$0x3FB4] =	sst s10  }
0x32: {  	s10 =	sld [smem:$0x3FB2];
	_ =	sdelay $0x3  }
0x33: {  	p0 =	seq.s32 s10, $0x1;
	s10 =	sld [smem:$0x3FB4];
	_ =	sdelay $0x3  }
0x34: {  	[smem:$0x3FB4] =	sst s10  }
0x35: {  	s10 =	sld [smem:$0x3FB3];
	_ =	sdelay $0x3  }
0x36: {  	p1 =	seq.s32 s10, $0x1;
	s10 =	sld [smem:$0x3FB4];
	_ =	sdelay $0x3  }
0x37: {  	[smem:$0x3FB4] =	sst s10  }
0x38: {  	s10 =	sld [smem:$0x3FB5]  }
0x39: {  	_ = 	snop;
	(pc) =	sbr.ind lr, $3  }
0x3a: {  	_ = 	snop  }
0x3b: {  	_ = 	snop  }
0x3c: {  	p2 =	seq.s32 s10, $0x1;
	s10 =	sld [smem:$0x3FB4]  }
0x3d: {  	_ =	shalt  }
0x3e: {  	_ =	shalt  }
0x3f: {  	_ =	shalt  }
0x40: {  	_ =	shalt  }
0x41: {  	_ =	shalt  }
0x42: {  	_ =	shalt  }
0x43: {  	_ =	shalt  }
0x44: {  	_ =	shalt  }
0x45: {  	_ =	shalt  }
0x46: {  	_ =	shalt  }
0x47: {  	_ =	shalt  }
0x48: {  	_ =	shalt  }
0x49: {  	_ =	shalt  }
0x4a: {  	_ =	shalt  }
0x4b: {  	_ =	shalt  }
0x4c: {  	_ =	shalt  }
0x4d: {  	_ =	shalt  }
0x4e: {  	_ =	shalt  }
0x4f: {  	_ =	shalt  }
0x50: {  	_ =	shalt  }
0x51: {  	_ =	shalt  }
0x52: {  	_ =	shalt  }
0x53: {  	_ =	shalt  }
0x54: {  	_ =	shalt  }
0x55: {  	_ =	shalt  }
0x56: {  	_ =	shalt  }
0x57: {  	_ =	shalt  }
0x58: {  	_ =	shalt  }
0x59: {  	_ =	shalt  }
0x5a: {  	_ =	shalt  }
0x5b: {  	_ =	shalt  }
0x5c: {  	_ =	shalt  }
0x5d: {  	_ =	shalt  }
0x5e: {  	_ =	shalt  }
0x5f: {  	_ =	shalt  }
0x60: {  	_ =	shalt  }
0x61: {  	_ =	shalt  }
0x62: {  	_ =	shalt  }
0x63: {  	_ =	shalt  }
0x64: {  	_ =	shalt  }
0x65: {  	_ =	shalt  }
0x66: {  	_ =	shalt  }
0x67: {  	_ =	shalt  }
0x68: {  	_ =	shalt  }
0x69: {  	_ =	shalt  }
0x6a: {  	_ =	shalt  }
0x6b: {  	_ =	shalt  }
0x6c: {  	_ =	shalt  }
0x6d: {  	_ =	shalt  }
0x6e: {  	_ =	shalt  }
0x6f: {  	_ =	shalt  }
0x70: {  	_ =	shalt  }
0x71: {  	_ =	shalt  }
0x72: {  	_ =	shalt  }
0x73: {  	_ =	shalt  }
0x74: {  	_ =	shalt  }
0x75: {  	_ =	shalt  }
0x76: {  	_ =	shalt  }
0x77: {  	_ =	shalt  }
0x78: {  	_ =	shalt  }
0x79: {  	_ =	shalt  }
0x7a: {  	_ =	shalt  }
0x7b: {  	_ =	shalt  }
0x7c: {  	_ =	shalt  }
0x7d: {  	_ =	shalt  }
0x7e: {  	_ =	shalt  }
0x7f: {  	_ =	shalt  }
0x80: {  	_ =	shalt  }
0x81: {  	_ =	shalt  }
0x82: {  	_ =	shalt  }
0x83: {  	_ =	shalt  }
0x84: {  	_ =	shalt  }
0x85: {  	_ =	shalt  }
0x86: {  	_ =	shalt  }
0x87: {  	_ =	shalt  }
.Lfunc_end0:
.L_simem_size_0:
called_computation_lowered:
.L_overlay_start_0:
0x88: {  	s2 =	sld [smem:$0x3FD9]  }
0x89: {  	s3 =	sld [smem:$0x3FFE];
	_ =	sdelay $0x1  }
0x8a: {  	s1 =	srdreg.scid  }
0x8b: {  	s0 =	sand.u32 $0x1, s1  }
0x8c: {  	s17 =	sshll.u32 s0, $0xA;
	s2 =	sadd.s32 s3, s2  }
0x8d: {  	s2 =	sadd.s32 s2, s17  }
0x8e: {  	[smem:$0x3FC0] =	sst s2  }
0x8f: {  	_ = 	snop  }
0x90: {  	s2 =	sld [smem:$0x3FD0];
	(tm) =	ssettm $0x1  }
0x91: {  	s18 =	sld [smem:$0x3FFB];
	_ =	sdelay $0x3  }
0x92: {  	_ =	strace s18  }
0x93: {  	s3 =	sld [smem:$0x3FFC];
	_ =	sdelay $0x3  }
0x94: {  	_ =	strace s3  }
0x95: {  	s3 =	sld [smem:$0x3FFD];
	_ =	sdelay $0x3  }
0x96: {  	_ =	strace s3  }
0x97: {  	_ =	strace $0x8FFFFFFF  }
0x98: {  	s19 =	sld [smem:$0x3FDB];
	_ =	sdelay $0x1  }
0x99: {  	s4 =	simm.s32 $_scs_section_size  }
0x9a: {  	s5 =	simm.s32 $_size__tile_overlayer_lowered;
	s6 =	simm.s32 $_tile_overlayer_lowered  }
0x9b: {  	s22 =	simm.s32 $0x1BFF;
	s21 =	sshll.u32 s6, $0x1;
	s3 =	sadd.s32 s4, s19  }
0x9c: {  	s7 =	simm.s32 $0x0;
	s20 =	sshll.u32 s5, $0x1;
	s5 =	sadd.s32 s21, s3  }
0x9d: {  	[timem:s7], [sflag:s22] =	dma.local [hbm:s5], s20  }
0x9e: {  	_ =	swait.ge [sflag:s22], s20  }
0x9f: {  	s4 =	ssub.s32 $0x0, s20;
	[sflag:s22] =	ssyncset.done $0x0  }
0xa0: {  	[sflag:s22] =	ssyncadd.s32 s4;
	_ =	sdelay $0x1  }
0xa1: {  	s23 =	simm.s32 $0x1B8B  }
0xa2: {  	_ =	swait.ge [sflag:s23], $0x1  }
0xa3: {  	[sflag:s23] =	ssyncset.done $0x0  }
0xa4: {  	s25 =	simm.s32 $0x1B8E;
	s24 =	sld [smem:$0x3FFE];
	[sflag:s23] =	ssyncadd.s32 $0xFFFFFFFF  }
0xa5: {  	s26 =	simm.s32 $execute0_lowered;
	[smem:$0x3FD2] =	sst s25  }
0xa6: {  	s5 =	sshll.u32 s26, $0x1;
	_ =	strace $0x80000046;
	[dreg:$0x1] =	wrdreg $0xFFFFFFFF  }
0xa7: {  	s28 =	simm.s32 $_size_execute0_lowered;
	s3 =	sadd.s32 s3, s5;
	[dreg:$0x0] =	wrdreg $0x0  }
0xa8: {  	s5 =	sshll.u32 s28, $0x1;
	[dreg:$0x2] =	wrdreg s3  }
0xa9: {  	[dreg:$0x3] =	wrdreg s5  }
0xaa: {  	[dreg:$0x4] =	wrdreg $0xC0  }
0xab: {  	_ =	task [dreg:s7], $0x5FFFF  }
0xac: {  	[dreg:$0x1] =	wrdreg $0xFFFFFFFF  }
0xad: {  	[dreg:$0x0] =	wrdreg $0x60  }
0xae: {  	[dreg:$0x2] =	wrdreg s24  }
0xaf: {  	[dreg:$0x3] =	wrdreg s2  }
0xb0: {  	[dreg:$0x4] =	wrdreg $0x18B000  }
0xb1: {  	[dreg:$0x5] =	wrdreg $0x1B2800  }
0xb2: {  	[dreg:$0x6] =	wrdreg $0x9  }
0xb3: {  	_ =	task.clear_ibuf [dreg:s7], $0x7FFFF;
	_ =	strace $0x90000046  }
0xb4: {  	s29 =	simm.s32 $0x9;
	_ =	strace $0x80000048  }
0xb5: {  	_ =	swait.ge [sflag:s29], $0x1  }
0xb6: {  	[sflag:s29] =	ssyncadd.s32 $0xFFFFFFFF  }
0xb7: {  	_ =	strace $0x90000048  }
0xb8: {  	_ =	sfence  }
0xb9: {  	s30 =	sld [smem:$0x0];
	_ =	sdelay $0x2  }
0xba: {  	s31 =	sshll.u32 s1, $0xD;
	s1 =	sshrl.u32 s1, $0x2  }
0xbb: {  	s3 =	sand.u32 $0x4000, s31;
	s1 =	sadd.s32 s1, s30  }
0xbc: {  	s0 =	sor.u32 s3, s0;
	s1 =	sshll.u32 s1, $0x11  }
0xbd: {  	s0 =	sor.u32 s1, s0  }
0xbe: {  	s0 =	sadd.s32 $0x8F2B, s0  }
0xbf: {  	[sflag:s0] =	ssyncadd.remote.s32 $0x1  }
0xc0: {  	_ =	sfence.sel $0xFFFF  }
0xc1: {  	[dreg:$0x0] =	wrdreg $0xFFFFFFFF;
	(pc) =	sbr.abs _section_cstart, $3  }
0xc2: {  	[dreg:$0x1] =	wrdreg $0xFFFFFFFF  }
0xc3: {  	_ =	task.clear_ibuf [dreg:s7], $0x2FFFF;
	_ =	strace $0x9FFFFFFF  }
0xc4: {  	(tm) =	ssettm $0x7FFFFFFF  }
0xc5: {  	_ =	shalt  }
tec
execute0_lowered:
.L_overlay_start_1:
0x0: {  	(tag) =	ssettag $0x1  }
0x1: {  	s19 =	rddreg [dreg:$0x0]  }
0x2: {  	s1 =	srdreg.scid;
	s7 =	rddreg [dreg:$0x1]  }
0x3: {  	s0 =	stileid.u32;
	s2 =	rddreg [dreg:$0x2];
	s20 =	sand.u32 $0x1, s1  }
0x4: {  	s4 =	simm.s32 $0x0;
	s29 =	sshll.u32 s0, $0x2;
	s3 =	sshll.u32 s20, $0x1  }
0x5: {  	[smem:$0x7FF] =	sst s4;
	s21 =	smul.u32 $0x2780, s0;
	s1 =	sor.u32 s3, s29  }
0x6: {  	s9 =	sshll.u32 s0, $0x6;
	s3 =	rddreg [dreg:$0x3];
	s5 =	smul.u32 $0x278, s1  }
0x7: {  	s8 =	sshrl.u32 s21, $0x3;
	s10 =	sadd.s32 s21, s2;
	s1 =	rddreg [dreg:$0x4]  }
0x8: {  	_ =	strace $0x80000047;
	s7 =	sadd.s32 s7, s8;
	s6 =	sadd.s32 s5, s19  }
0x9: {  	s8 =	sor.u32 $0x1C03, s9;
	s9 =	simm.s32 $0x2780;
	s5 =	sadd.s32 $0x17200, s6  }
0xa: {  	[tilespmem:s4], [sflag:$0x1] =	stream.linear.gather [hbm4b:s5+s4], $0x2780, $0x38;
	[tilespmem:$0x1DA00] =	vst v63  }
0xb: {  	s11 =	sshrl.u32 s10, $0x3;
	s10 =	simm.s32 $0x3;
	s6 =	sadd.s32 $0xD400, s6  }
0xc: {  	[tilespmem:s9], [sflag:$0x1] =	stream.linear.gather [hbm4b:s6+s4], $0x2780, $0x38;
	[tilespmem:$0x1DA00] =	vst v63  }
0xd: {  	[spmem:s11], [sflag:s8] =	dma.local [hbm:s7], $0x4F0  }
0xe: {  	_ =	swait.ge [sflag:s10], $0x4F0  }
0xf: {  	s12 =	sadd.s32 s21, s3;
	[sflag:s10] =	ssyncset.done $0x0  }
0x10: {  	s12 =	sshrl.u32 s12, $0x3;
	[sflag:s10] =	ssyncadd.s32 $0xFFFFFB10  }
0x11: {  	[spmem:s12], [sflag:s8] =	dma.local [hbm:s7], $0x4F0  }
0x12: {  	_ =	swait.ge [sflag:s10], $0x4F0  }
0x13: {  	[sflag:s10] =	ssyncset.done $0x0  }
0x14: {  	s14 =	simm.s32 $0x4F00;
	s13 =	sadd.s32 $0x21000, s19;
	[sflag:s10] =	ssyncadd.s32 $0xFFFFFB10  }
0x15: {  	[tilespmem:s14], [sflag:$0x3] =	stream.linear.gather [hbm4b:s13+s4], $0x13C00, $0x38;
	[tilespmem:$0x1DA00] =	vst v63  }
0x16: {  	_ =	swait.ge [sflag:s10], $0x13C00  }
0x17: {  	[sflag:s10] =	ssyncset.done $0x0  }
0x18: {  	s15 =	simm.s32 $0x1;
	[sflag:s10] =	ssyncadd.s32 $0xFFFEC400  }
0x19: {  	_ =	swait.ge [sflag:s15], $0x2780  }
0x1a: {  	[sflag:s15] =	ssyncset.done $0x0  }
0x1b: {  	[sflag:s15] =	ssyncadd.s32 $0xFFFFD880  }
0x1c: {  	_ =	swait.ge [sflag:s15], $0x2780  }
0x1d: {  	[sflag:s15] =	ssyncset.done $0x0  }
0x1e: {  	[sflag:s15] =	ssyncadd.s32 $0xFFFFD880  }
0x1f: {  	s16 =	simm.s32 $0x13C0;
	[bflag:$0x0] =	sbarrier.arrive $0xFFFF  }
0x20: {  	[spmem:s2] =	stream.indirect.scatter.add.f32 [tilespmem:s14], [sflag:$0x2], $0x10, s4, s16, $0xb8;
	[tilespmem:$0x1DA00] =	vst v63  }
0x21: {  	s17 =	simm.s32 $0x2  }
0x22: {  	[spmem:s3] =	stream.indirect.scatter.add.f32 [tilespmem:s14], [sflag:$0x1], $0x10, s9, s16, $0xb8;
	[tilespmem:$0x1DA00] =	vst v63  }
0x23: {  	_ =	swait.ge [sflag:s17], $0x13C00  }
0x24: {  	[sflag:s17] =	ssyncset.done $0x0  }
0x25: {  	[sflag:s17] =	ssyncadd.s32 $0xFFFEC400  }
0x26: {  	_ =	swait.ge [sflag:s15], $0x13C00  }
0x27: {  	[sflag:s15] =	ssyncset.done $0x0  }
0x28: {  	[sflag:s15] =	ssyncadd.s32 $0xFFFEC400  }
0x29: {  	[spmem:s2] =	stream.indirect.scatter.add.f32 [tilespmem:s14], [sflag:$0x2], $0x10, s16, s16, $0xb8;
	[tilespmem:$0x1DA00] =	vst v63  }
0x2a: {  	s18 =	simm.s32 $0x3B40  }
0x2b: {  	[spmem:s3] =	stream.indirect.scatter.add.f32 [tilespmem:s14], [sflag:$0x1], $0x10, s18, s16, $0xb8;
	[tilespmem:$0x1DA00] =	vst v63  }
0x2c: {  	_ =	swait.ge [sflag:s17], $0x13C00  }
0x2d: {  	s22 =	smul.u32 $0x27800, s20;
	[sflag:s17] =	ssyncset.done $0x0  }
0x2e: {  	[sflag:s17] =	ssyncadd.s32 $0xFFFEC400  }
0x2f: {  	s20 =	ssub.s32 $0x2, s20;
	s21 =	sadd.s32 s21, s22;
	_ =	swait.ge [sflag:s15], $0x13C00  }
0x30: {  	s30 =	sshrl.u32 s20, $0x1;
	s21 =	sshrl.u32 s21, $0x3;
	[sflag:s15] =	ssyncset.done $0x0  }
0x31: {  	s22 =	ssub.s32 s20, s30;
	s21 =	sadd.s32 s21, s19;
	[sflag:s15] =	ssyncadd.s32 $0xFFFEC400  }
0x32: {  	s31 =	smax.u32 s22, $0x1;
	s19 =	sadd.s32 $0x2D600, s21;
	[bflag:$0x0] =	sbarrier.arrive $0xFFFF  }
0x33: {  	[hbm:s19], [sflag:s8] =	dma.local [spmem:s11], $0x4F0  }
0x34: {  	p0 =	sne.s32 s31, $0x1;
	_ =	swait.ge [sflag:s10], $0x4F0  }
.Ltmp0:
0x35: {  	[sflag:s10] =	ssyncset.done $0x0;
	(pc) =	sbr.rel @!p0 .LBB2_2-.Ltmp0, $4  }
0x36: {  	s20 =	sadd.s32 $0x23800, s21;
	[sflag:s10] =	ssyncadd.s32 $0xFFFFFB10  }
0x37: {  	[hbm:s20], [sflag:s8] =	dma.local [spmem:s12], $0x4F0  }
0x38: {  	_ =	swait.ge [sflag:s10], $0x4F0  }
0x39: {  	s21 =	sadd.s32 $0xFFFFFFFF, s31;
	[sflag:s10] =	ssyncset.done $0x0  }
.LBB2_1:
0x3a: {  	p0 =	sne.s32 s21, $0x1;
	s21 =	sadd.s32 $0xFFFFFFFF, s21;
	[sflag:s10] =	ssyncadd.s32 $0xFFFFFB10  }
0x3b: {  	[tilespmem:s4], [sflag:$0x1] =	stream.linear.gather [hbm4b:s5+s4], $0x2780, $0x38;
	[tilespmem:$0x1DA00] =	vst v63  }
0x3c: {  	_ = 	snop  }
0x3d: {  	[tilespmem:s9], [sflag:$0x1] =	stream.linear.gather [hbm4b:s6+s4], $0x2780, $0x38;
	[tilespmem:$0x1DA00] =	vst v63  }
0x3e: {  	[spmem:s11], [sflag:s8] =	dma.local [hbm:s7], $0x4F0  }
0x3f: {  	_ =	swait.ge [sflag:s10], $0x4F0  }
0x40: {  	[sflag:s10] =	ssyncset.done $0x0  }
0x41: {  	[sflag:s10] =	ssyncadd.s32 $0xFFFFFB10  }
0x42: {  	[spmem:s12], [sflag:s8] =	dma.local [hbm:s7], $0x4F0  }
0x43: {  	_ =	swait.ge [sflag:s10], $0x4F0  }
0x44: {  	[sflag:s10] =	ssyncset.done $0x0  }
0x45: {  	[sflag:s10] =	ssyncadd.s32 $0xFFFFFB10  }
0x46: {  	[tilespmem:s14], [sflag:$0x3] =	stream.linear.gather [hbm4b:s13+s4], $0x13C00, $0x38;
	[tilespmem:$0x1DA00] =	vst v63  }
0x47: {  	_ =	swait.ge [sflag:s10], $0x13C00  }
0x48: {  	[sflag:s10] =	ssyncset.done $0x0  }
0x49: {  	[sflag:s10] =	ssyncadd.s32 $0xFFFEC400  }
0x4a: {  	_ =	swait.ge [sflag:s15], $0x2780  }
0x4b: {  	[sflag:s15] =	ssyncset.done $0x0  }
0x4c: {  	[sflag:s15] =	ssyncadd.s32 $0xFFFFD880  }
0x4d: {  	_ =	swait.ge [sflag:s15], $0x2780  }
0x4e: {  	[sflag:s15] =	ssyncset.done $0x0  }
0x4f: {  	[sflag:s15] =	ssyncadd.s32 $0xFFFFD880  }
0x50: {  	[bflag:$0x0] =	sbarrier.arrive $0xFFFF  }
0x51: {  	[spmem:s2] =	stream.indirect.scatter.add.f32 [tilespmem:s14], [sflag:$0x2], $0x10, s4, s16, $0xb8;
	[tilespmem:$0x1DA00] =	vst v63  }
0x52: {  	_ = 	snop  }
0x53: {  	[spmem:s3] =	stream.indirect.scatter.add.f32 [tilespmem:s14], [sflag:$0x1], $0x10, s9, s16, $0xb8;
	[tilespmem:$0x1DA00] =	vst v63  }
0x54: {  	_ =	swait.ge [sflag:s17], $0x13C00  }
0x55: {  	[sflag:s17] =	ssyncset.done $0x0  }
0x56: {  	[sflag:s17] =	ssyncadd.s32 $0xFFFEC400  }
0x57: {  	_ =	swait.ge [sflag:s15], $0x13C00  }
0x58: {  	[sflag:s15] =	ssyncset.done $0x0  }
0x59: {  	[sflag:s15] =	ssyncadd.s32 $0xFFFEC400  }
0x5a: {  	[spmem:s2] =	stream.indirect.scatter.add.f32 [tilespmem:s14], [sflag:$0x2], $0x10, s16, s16, $0xb8;
	[tilespmem:$0x1DA00] =	vst v63  }
0x5b: {  	_ = 	snop  }
0x5c: {  	[spmem:s3] =	stream.indirect.scatter.add.f32 [tilespmem:s14], [sflag:$0x1], $0x10, s18, s16, $0xb8;
	[tilespmem:$0x1DA00] =	vst v63  }
0x5d: {  	_ =	swait.ge [sflag:s17], $0x13C00  }
0x5e: {  	[sflag:s17] =	ssyncset.done $0x0  }
0x5f: {  	[sflag:s17] =	ssyncadd.s32 $0xFFFEC400  }
0x60: {  	_ =	swait.ge [sflag:s15], $0x13C00  }
0x61: {  	[sflag:s15] =	ssyncset.done $0x0  }
0x62: {  	[sflag:s15] =	ssyncadd.s32 $0xFFFEC400  }
0x63: {  	[bflag:$0x0] =	sbarrier.arrive $0xFFFF  }
0x64: {  	[hbm:s19], [sflag:s8] =	dma.local [spmem:s11], $0x4F0  }
0x65: {  	_ =	swait.ge [sflag:s10], $0x4F0  }
.Ltmp1:
0x66: {  	[sflag:s10] =	ssyncset.done $0x0;
	(pc) =	sbr.rel @p0 .LBB2_1-.Ltmp1, $4  }
0x67: {  	[sflag:s10] =	ssyncadd.s32 $0xFFFFFB10  }
0x68: {  	[hbm:s20], [sflag:s8] =	dma.local [spmem:s12], $0x4F0  }
0x69: {  	_ =	swait.ge [sflag:s10], $0x4F0  }
0x6a: {  	[sflag:s10] =	ssyncset.done $0x0  }
.LBB2_2:
0x6b: {  	[sflag:s10] =	ssyncadd.s32 $0xFFFFFB10  }
0x6c: {  	_ =	sfence.sel $0x180000  }
0x6d: {  	[bflag:$0x0] =	sbarrier.arrive $0xFFFF  }
0x6e: {  	p0 =	sne.s32 s0, $0x0;
	_ =	strace $0x90000047  }
0x6f: {  	s0 =	sadd.s32 @!p0 $0x100000, s1;
	[bflag:$0x2] =	sbarrier.arrive $0xFFFF  }
0x70: {  	[sflag:s0] =	ssyncadd.tile.s32 @!p0 $0x1;
	_ =	shalt  }
.Lfunc_end2:
_tile_overlayer_lowered:
.L_overlay_start_2:
0x71: {  	(tag) =	ssettag $0x2  }
0x72: {  	s0 =	rddreg [dreg:$0x0];
	s2 =	stileid.u32  }
0x73: {  	s1 =	rddreg [dreg:$0x1];
	p0 =	sne.s32 s2, $0x0  }
0x74: {  	s3 =	rddreg [dreg:$0x2];
	[bflag:$0x3] =	sbarrier.arrive $0xFFFF;
	s2 =	simm.s32 @!p0 $0x1C03  }
0x75: {  	[timem:s3], [sflag:s2] =	dma.local @!p0 [hbm:s0], s1  }
0x76: {  	s0 =	simm.s32 @!p0 $0x3  }
0x77: {  	_ =	swait.ge @!p0 [sflag:s0], s1  }
0x78: {  	s1 =	ssub.s32 @!p0 $0x0, s1;
	[sflag:s0] =	ssyncset.done @!p0 $0x0  }
0x79: {  	[sflag:s0] =	ssyncadd.s32 @!p0 s1  }
0x7a: {  	[bflag:$0x3] =	sbarrier.arrive $0xFFFF  }
0x7b: {  	_ =	shalt  }

// kernel: kernel.14.cloned.1.call-start
scs
__scs_entry_jumppad:
0x0: {  	(pc) =	sbr.rel $0x88, $3  }
0x1: {  	(tag) =	ssettag $0x0;
	lr =	simm.s32 $0x1  }
0x2: {  	[smem:$0x3F99] =	sst lr;
	_ =	strace $0xD0000000  }
0x3: {  	_ = 	snop  }
0x4: {  	_ = 	snop  }
0x5: {  	_ = 	snop  }
0x6: {  	_ = 	snop  }
0x7: {  	_ = 	snop  }
__scs_overlays_trampoline_lowered:
0x8: {  	[smem:$0x3FA8] =	sst s0  }
0x9: {  	[smem:$0x3FA9] =	sst s1  }
0xa: {  	[smem:$0x3FAA] =	sst s2  }
0xb: {  	[smem:$0x3FAB] =	sst s3  }
0xc: {  	[smem:$0x3FAC] =	sst s4  }
0xd: {  	[smem:$0x3FAD] =	sst s5  }
0xe: {  	[smem:$0x3FAE] =	sst s6  }
0xf: {  	[smem:$0x3FAF] =	sst s7  }
0x10: {  	[smem:$0x3FB0] =	sst s8  }
0x11: {  	[smem:$0x3FB1] =	sst s9;
	s0 =	simm.s32 @!p0 $0x0  }
0x12: {  	s1 =	sld [smem:$0x3F97];
	s0 =	simm.s32 @p0 $0x1  }
0x13: {  	[smem:$0x3FB2] =	sst s0;
	s0 =	simm.s32 @!p1 $0x0  }
0x14: {  	s2 =	sld [smem:$0x3F96];
	s0 =	simm.s32 @p1 $0x1  }
0x15: {  	[smem:$0x3FB3] =	sst s0;
	s0 =	simm.s32 @!p2 $0x0  }
0x16: {  	s3 =	sld [smem:$0x3FDB];
	s0 =	simm.s32 @p2 $0x1  }
0x17: {  	s4 =	simm.s32 $0x1BF5;
	[smem:$0x3FB5] =	sst s0  }
0x18: {  	s0 =	sld [smem:$0x3F98];
	_ =	swait.ge [sflag:s4], $0x0  }
0x19: {  	s7 =	sld [smem:$0x3F99]  }
0x1a: {  	s8 =	sadd.s32 $0xFFFFE003, lr  }
0x1b: {  	s9 =	sadd.s32 $0xFFFFFEF7, lr;
	s5 =	simm.s32 $0xFFFFFFFF;
	p2 =	slt.u32 s8, $0xFFFFF086  }
0x1c: {  	p1 =	slt.u32 s9, $0xF7A;
	s5 =	simm.s32 @!p2 $0x0  }
0x1d: {  	s5 =	simm.s32 @p1 $0x1;
	p0 =	seq.s32 s7, s2  }
0x1e: {  	s7 =	smul.u32 @!p0 $0xF7A, s2;
	p2 =	seq.s32 @!p0 s5, $0x0  }
0x1f: {  	s9 =	smul.u32 $0xF7A, s1;
	s8 =	simm.s32 @!p0 $0x1BF5;
	p2 =	por !p2, p0  }
0x20: {  	[sflag:s8] =	ssyncset.s32 @!p0 $0xFFFFF086;
	s6 =	sadd.s32 @!p0 s3, s7;
	s7 =	simm.s32 @!p0 $0x108  }
0x21: {  	s3 =	sadd.s32 s3, s9;
	s6 =	sadd.s32 @!p0 $0x88, s6;
	s7 =	simm.s32 @p2 $0x1082  }
0x22: {  	[simem:s7], [sflag:s8] =	dma.local @!p0 [hbm:s6], $0xF7A  }
0x23: {  	s9 =	sor.u32 $0xD0000000, s2;
	s6 =	simm.s32 $0x108;
	_ =	swait.ge @!p0 [sflag:s8], $0x0  }
0x24: {  	s3 =	sadd.s32 $0x88, s3;
	s6 =	simm.s32 @!p1 $0x1082;
	[sflag:s4] =	ssyncset.s32 $0xFFFFF086  }
0x25: {  	[simem:s6], [sflag:s4] =	dma.local [hbm:s3], $0xF7A  }
0x26: {  	[smem:$0x3F99] =	sst s1;
	(tag) =	ssettag s2;
	_ =	strace s9  }
0x27: {  	s1 =	sld [smem:$0x3FA9]  }
0x28: {  	s2 =	sld [smem:$0x3FAA]  }
0x29: {  	s4 =	sld [smem:$0x3FAC]  }
0x2a: {  	p0 =	seq.s32 s5, $0x0;
	s5 =	sld [smem:$0x3FAD]  }
0x2b: {  	s6 =	sld [smem:$0x3FAE]  }
0x2c: {  	s7 =	sld [smem:$0x3FAF]  }
0x2d: {  	s3 =	simm.s32 $0x108;
	s8 =	sld [smem:$0x3FB0]  }
0x2e: {  	s3 =	simm.s32 @!p0 $0x1082;
	s9 =	sld [smem:$0x3FB1]  }
0x2f: {  	lr =	sadd.s32 s0, s3;
	s0 =	sld [smem:$0x3FA8]  }
0x30: {  	s3 =	sld [smem:$0x3FAB]  }
0x31: {  	[smem:$0x3FB4] =	sst s10  }
0x32: {  	s10 =	sld [smem:$0x3FB2];
	_ =	sdelay $0x3  }
0x33: {  	p0 =	seq.s32 s10, $0x1;
	s10 =	sld [smem:$0x3FB4];
	_ =	sdelay $0x3  }
0x34: {  	[smem:$0x3FB4] =	sst s10  }
0x35: {  	s10 =	sld [smem:$0x3FB3];
	_ =	sdelay $0x3  }
0x36: {  	p1 =	seq.s32 s10, $0x1;
	s10 =	sld [smem:$0x3FB4];
	_ =	sdelay $0x3  }
0x37: {  	[smem:$0x3FB4] =	sst s10  }
0x38: {  	s10 =	sld [smem:$0x3FB5]  }
0x39: {  	_ = 	snop;
	(pc) =	sbr.ind lr, $3  }
0x3a: {  	_ = 	snop  }
0x3b: {  	_ = 	snop  }
0x3c: {  	p2 =	seq.s32 s10, $0x1;
	s10 =	sld [smem:$0x3FB4]  }
0x3d: {  	_ =	shalt  }
0x3e: {  	_ =	shalt  }
0x3f: {  	_ =	shalt  }
0x40: {  	_ =	shalt  }
0x41: {  	_ =	shalt  }
0x42: {  	_ =	shalt  }
0x43: {  	_ =	shalt  }
0x44: {  	_ =	shalt  }
0x45: {  	_ =	shalt  }
0x46: {  	_ =	shalt  }
0x47: {  	_ =	shalt  }
0x48: {  	_ =	shalt  }
0x49: {  	_ =	shalt  }
0x4a: {  	_ =	shalt  }
0x4b: {  	_ =	shalt  }
0x4c: {  	_ =	shalt  }
0x4d: {  	_ =	shalt  }
0x4e: {  	_ =	shalt  }
0x4f: {  	_ =	shalt  }
0x50: {  	_ =	shalt  }
0x51: {  	_ =	shalt  }
0x52: {  	_ =	shalt  }
0x53: {  	_ =	shalt  }
0x54: {  	_ =	shalt  }
0x55: {  	_ =	shalt  }
0x56: {  	_ =	shalt  }
0x57: {  	_ =	shalt  }
0x58: {  	_ =	shalt  }
0x59: {  	_ =	shalt  }
0x5a: {  	_ =	shalt  }
0x5b: {  	_ =	shalt  }
0x5c: {  	_ =	shalt  }
0x5d: {  	_ =	shalt  }
0x5e: {  	_ =	shalt  }
0x5f: {  	_ =	shalt  }
0x60: {  	_ =	shalt  }
0x61: {  	_ =	shalt  }
0x62: {  	_ =	shalt  }
0x63: {  	_ =	shalt  }
0x64: {  	_ =	shalt  }
0x65: {  	_ =	shalt  }
0x66: {  	_ =	shalt  }
0x67: {  	_ =	shalt  }
0x68: {  	_ =	shalt  }
0x69: {  	_ =	shalt  }
0x6a: {  	_ =	shalt  }
0x6b: {  	_ =	shalt  }
0x6c: {  	_ =	shalt  }
0x6d: {  	_ =	shalt  }
0x6e: {  	_ =	shalt  }
0x6f: {  	_ =	shalt  }
0x70: {  	_ =	shalt  }
0x71: {  	_ =	shalt  }
0x72: {  	_ =	shalt  }
0x73: {  	_ =	shalt  }
0x74: {  	_ =	shalt  }
0x75: {  	_ =	shalt  }
0x76: {  	_ =	shalt  }
0x77: {  	_ =	shalt  }
0x78: {  	_ =	shalt  }
0x79: {  	_ =	shalt  }
0x7a: {  	_ =	shalt  }
0x7b: {  	_ =	shalt  }
0x7c: {  	_ =	shalt  }
0x7d: {  	_ =	shalt  }
0x7e: {  	_ =	shalt  }
0x7f: {  	_ =	shalt  }
0x80: {  	_ =	shalt  }
0x81: {  	_ =	shalt  }
0x82: {  	_ =	shalt  }
0x83: {  	_ =	shalt  }
0x84: {  	_ =	shalt  }
0x85: {  	_ =	shalt  }
0x86: {  	_ =	shalt  }
0x87: {  	_ =	shalt  }
.Lfunc_end0:
.L_simem_size_0:
called_computation.1_lowered:
.L_overlay_start_0:
0x88: {  	s2 =	sld [smem:$0x3FD9]  }
0x89: {  	s3 =	sld [smem:$0x3FFE];
	_ =	sdelay $0x1  }
0x8a: {  	s1 =	srdreg.scid  }
0x8b: {  	s0 =	sand.u32 $0x1, s1  }
0x8c: {  	s17 =	sshll.u32 s0, $0xA;
	s2 =	sadd.s32 s3, s2  }
0x8d: {  	s2 =	sadd.s32 s2, s17  }
0x8e: {  	[smem:$0x3FC0] =	sst s2  }
0x8f: {  	_ = 	snop  }
0x90: {  	s2 =	sld [smem:$0x3FD0];
	(tm) =	ssettm $0x1  }
0x91: {  	s18 =	sld [smem:$0x3FFB];
	_ =	sdelay $0x3  }
0x92: {  	_ =	strace s18  }
0x93: {  	s3 =	sld [smem:$0x3FFC];
	_ =	sdelay $0x3  }
0x94: {  	_ =	strace s3  }
0x95: {  	s3 =	sld [smem:$0x3FFD];
	_ =	sdelay $0x3  }
0x96: {  	_ =	strace s3  }
0x97: {  	_ =	strace $0x8FFFFFFF  }
0x98: {  	s19 =	sld [smem:$0x3FDB];
	_ =	sdelay $0x1  }
0x99: {  	s4 =	simm.s32 $_scs_section_size  }
0x9a: {  	s5 =	simm.s32 $_size__tile_overlayer_lowered;
	s6 =	simm.s32 $_tile_overlayer_lowered  }
0x9b: {  	s22 =	simm.s32 $0x1BFF;
	s21 =	sshll.u32 s6, $0x1;
	s3 =	sadd.s32 s4, s19  }
0x9c: {  	s7 =	simm.s32 $0x0;
	s20 =	sshll.u32 s5, $0x1;
	s5 =	sadd.s32 s21, s3  }
0x9d: {  	[timem:s7], [sflag:s22] =	dma.local [hbm:s5], s20  }
0x9e: {  	_ =	swait.ge [sflag:s22], s20  }
0x9f: {  	s4 =	ssub.s32 $0x0, s20;
	[sflag:s22] =	ssyncset.done $0x0  }
0xa0: {  	[sflag:s22] =	ssyncadd.s32 s4;
	_ =	sdelay $0x1  }
0xa1: {  	s23 =	simm.s32 $0x1B8B  }
0xa2: {  	_ =	swait.ge [sflag:s23], $0x1  }
0xa3: {  	[sflag:s23] =	ssyncset.done $0x0  }
0xa4: {  	s25 =	simm.s32 $0x1B8E;
	s24 =	sld [smem:$0x3FFE];
	[sflag:s23] =	ssyncadd.s32 $0xFFFFFFFF  }
0xa5: {  	s26 =	simm.s32 $execute0_lowered;
	[smem:$0x3FD2] =	sst s25  }
0xa6: {  	s5 =	sshll.u32 s26, $0x1;
	_ =	strace $0x80000049;
	[dreg:$0x1] =	wrdreg $0xFFFFFFFF  }
0xa7: {  	s28 =	simm.s32 $_size_execute0_lowered;
	s3 =	sadd.s32 s3, s5;
	[dreg:$0x0] =	wrdreg $0x0  }
0xa8: {  	s5 =	sshll.u32 s28, $0x1;
	[dreg:$0x2] =	wrdreg s3  }
0xa9: {  	[dreg:$0x3] =	wrdreg s5  }
0xaa: {  	[dreg:$0x4] =	wrdreg $0xC0  }
0xab: {  	_ =	task [dreg:s7], $0x5FFFF  }
0xac: {  	[dreg:$0x1] =	wrdreg $0xFFFFFFFF  }
0xad: {  	[dreg:$0x0] =	wrdreg $0x60  }
0xae: {  	[dreg:$0x2] =	wrdreg s24  }
0xaf: {  	[dreg:$0x3] =	wrdreg s2  }
0xb0: {  	[dreg:$0x4] =	wrdreg $0x18B000  }
0xb1: {  	[dreg:$0x5] =	wrdreg $0x1B2800  }
0xb2: {  	[dreg:$0x6] =	wrdreg $0x9  }
0xb3: {  	_ =	task.clear_ibuf [dreg:s7], $0x7FFFF;
	_ =	strace $0x90000049  }
0xb4: {  	s29 =	simm.s32 $0x9;
	_ =	strace $0x8000004B  }
0xb5: {  	_ =	swait.ge [sflag:s29], $0x1  }
0xb6: {  	[sflag:s29] =	ssyncadd.s32 $0xFFFFFFFF  }
0xb7: {  	_ =	strace $0x9000004B  }
0xb8: {  	_ =	sfence  }
0xb9: {  	s30 =	sld [smem:$0x0];
	_ =	sdelay $0x2  }
0xba: {  	s31 =	sshll.u32 s1, $0xD;
	s1 =	sshrl.u32 s1, $0x2  }
0xbb: {  	s3 =	sand.u32 $0x4000, s31;
	s1 =	sadd.s32 s1, s30  }
0xbc: {  	s0 =	sor.u32 s3, s0;
	s1 =	sshll.u32 s1, $0x11  }
0xbd: {  	s0 =	sor.u32 s1, s0  }
0xbe: {  	s0 =	sadd.s32 $0x8F2B, s0  }
0xbf: {  	[sflag:s0] =	ssyncadd.remote.s32 $0x1  }
0xc0: {  	_ =	sfence.sel $0xFFFF  }
0xc1: {  	[dreg:$0x0] =	wrdreg $0xFFFFFFFF;
	(pc) =	sbr.abs _section_cstart, $3  }
0xc2: {  	[dreg:$0x1] =	wrdreg $0xFFFFFFFF  }
0xc3: {  	_ =	task.clear_ibuf [dreg:s7], $0x2FFFF;
	_ =	strace $0x9FFFFFFF  }
0xc4: {  	(tm) =	ssettm $0x7FFFFFFF  }
0xc5: {  	_ =	shalt  }
tec
execute0_lowered:
.L_overlay_start_1:
0x0: {  	(tag) =	ssettag $0x1  }
0x1: {  	s0 =	srdreg.scid;
	s28 =	rddreg [dreg:$0x0]  }
0x2: {  	s14 =	stileid.u32;
	s6 =	rddreg [dreg:$0x1]  }
0x3: {  	s1 =	rddreg [dreg:$0x2];
	s3 =	simm.s32 $0x0;
	s26 =	sand.u32 $0x1, s0  }
0x4: {  	s31 =	sshll.u32 s14, $0x3;
	s29 =	smul.u32 $0x2780, s14;
	s2 =	sshll.u32 s26, $0x2  }
0x5: {  	[smem:$0x7FF] =	sst s3;
	s11 =	smul.u32 $0x2700, s14;
	s0 =	sor.u32 s2, s31  }
0x6: {  	s8 =	sshll.u32 s14, $0x6;
	s2 =	rddreg [dreg:$0x3];
	s4 =	smul.u32 $0x13C, s0  }
0x7: {  	s7 =	sshrl.u32 s29, $0x3;
	s9 =	sadd.s32 s29, s1;
	s0 =	rddreg [dreg:$0x4]  }
0x8: {  	_ =	strace $0x8000004A;
	s6 =	sadd.s32 s6, s7;
	s5 =	sadd.s32 s4, s28  }
0x9: {  	s7 =	sor.u32 $0x1C04, s8;
	s8 =	simm.s32 $0x2780;
	s4 =	sadd.s32 $0x3600, s5  }
0xa: {  	[tilespmem:s3], [sflag:$0x1] =	stream.linear.gather [hbm4b:s4+s3], $0x2780, $0x38;
	[tilespmem:$0x1D990] =	vst v63  }
0xb: {  	s10 =	sshrl.u32 s9, $0x3;
	s9 =	simm.s32 $0x4;
	s5 =	sadd.s32 $0xD400, s5  }
0xc: {  	[tilespmem:s8], [sflag:$0x1] =	stream.linear.gather [hbm4b:s5+s3], $0x2780, $0x38;
	[tilespmem:$0x1D990] =	vst v63  }
0xd: {  	[spmem:s10], [sflag:s7] =	dma.local [hbm:s6], $0x4F0  }
0xe: {  	s12 =	sshrl.u32 s11, $0x3;
	_ =	swait.ge [sflag:s9], $0x4F0  }
0xf: {  	s12 =	sadd.s32 s12, s28;
	s13 =	sadd.s32 s11, s2;
	[sflag:s9] =	ssyncset.done $0x0  }
0x10: {  	s11 =	sadd.s32 $0x3E400, s12;
	s12 =	sshrl.u32 s13, $0x3;
	[sflag:s9] =	ssyncadd.s32 $0xFFFFFB10  }
0x11: {  	[spmem:s12], [sflag:s7] =	dma.local [hbm:s11], $0x4E0  }
0x12: {  	p0 =	sne.s32 s14, $0x0;
	_ =	swait.ge [sflag:s9], $0x4E0  }
0x13: {  	s15 =	sadd.s32 $0x27000, s2;
	s13 =	sadd.s32 $0x43200, s28;
	[sflag:s9] =	ssyncset.done $0x0  }
0x14: {  	s14 =	sshrl.u32 @!p0 s15, $0x3;
	s15 =	simm.s32 @!p0 $0x4;
	[sflag:s9] =	ssyncadd.s32 $0xFFFFFB20  }
0x15: {  	[spmem:s14], [sflag:s7] =	dma.local @!p0 [hbm:s13], $0x20  }
0x16: {  	_ =	swait.ge @!p0 [sflag:s15], $0x20  }
0x17: {  	[sflag:s15] =	ssyncset.done @!p0 $0x0  }
0x18: {  	s16 =	simm.s32 $0x1;
	[sflag:s15] =	ssyncadd.s32 @!p0 $0xFFFFFFE0  }
0x19: {  	_ =	swait.ge [sflag:s16], $0x2780  }
0x1a: {  	[sflag:s16] =	ssyncset.done $0x0  }
0x1b: {  	[sflag:s16] =	ssyncadd.s32 $0xFFFFD880  }
0x1c: {  	_ =	swait.ge [sflag:s16], $0x2780  }
0x1d: {  	[sflag:s16] =	ssyncset.done $0x0  }
0x1e: {  	s17 =	simm.s32 $0x9E0;
	[sflag:s16] =	ssyncadd.s32 $0xFFFFD880  }
0x1f: {  	s18 =	simm.s32 $0x4F00;
	s19 =	simm.s32 $0x2;
	[bflag:$0x0] =	sbarrier.arrive $0xFFFF  }
0x20: {  	[tilespmem:s18], [sflag:$0x2] =	stream.indirect.gather [spmem:s2], $0x10, s3, s17, $0xb8;
	[tilespmem:$0x1D990] =	vst v63  }
0x21: {  	_ =	swait.ge [sflag:s19], $0x9E00  }
0x22: {  	[sflag:s19] =	ssyncset.done $0x0  }
0x23: {  	[sflag:s19] =	ssyncadd.s32 $0xFFFF6200  }
0x24: {  	[spmem:s1] =	stream.indirect.scatter.add.f32 [tilespmem:s18], [sflag:$0x3], $0x10, s8, s17, $0xb8;
	[tilespmem:$0x1D990] =	vst v63  }
0x25: {  	s20 =	simm.s32 $0xED00  }
0x26: {  	[tilespmem:s20], [sflag:$0x2] =	stream.indirect.gather [spmem:s2], $0x10, s17, s17, $0xb8;
	[tilespmem:$0x1D990] =	vst v63  }
0x27: {  	_ =	swait.ge [sflag:s19], $0x9E00  }
0x28: {  	[sflag:s19] =	ssyncset.done $0x0  }
0x29: {  	s21 =	simm.s32 $0x3;
	[sflag:s19] =	ssyncadd.s32 $0xFFFF6200  }
0x2a: {  	_ =	swait.ge [sflag:s21], $0x9E00  }
0x2b: {  	[sflag:s21] =	ssyncset.done $0x0  }
0x2c: {  	s22 =	simm.s32 $0x3160;
	[sflag:s21] =	ssyncadd.s32 $0xFFFF6200  }
0x2d: {  	[spmem:s1] =	stream.indirect.scatter.add.f32 [tilespmem:s20], [sflag:$0x3], $0x10, s22, s17, $0xb8;
	[tilespmem:$0x1D990] =	vst v63  }
0x2e: {  	s23 =	simm.s32 $0x13C0  }
0x2f: {  	[tilespmem:s18], [sflag:$0x2] =	stream.indirect.gather [spmem:s2], $0x10, s23, s17, $0xb8;
	[tilespmem:$0x1D990] =	vst v63  }
0x30: {  	_ =	swait.ge [sflag:s19], $0x9E00  }
0x31: {  	[sflag:s19] =	ssyncset.done $0x0  }
0x32: {  	[sflag:s19] =	ssyncadd.s32 $0xFFFF6200  }
0x33: {  	_ =	swait.ge [sflag:s21], $0x9E00  }
0x34: {  	[sflag:s21] =	ssyncset.done $0x0  }
0x35: {  	s24 =	simm.s32 $0x3B40;
	[sflag:s21] =	ssyncadd.s32 $0xFFFF6200  }
0x36: {  	[spmem:s1] =	stream.indirect.scatter.add.f32 [tilespmem:s18], [sflag:$0x3], $0x10, s24, s17, $0xb8;
	[tilespmem:$0x1D990] =	vst v63  }
0x37: {  	s25 =	simm.s32 $0x1DA0  }
0x38: {  	[tilespmem:s20], [sflag:$0x2] =	stream.indirect.gather [spmem:s2], $0x10, s25, s17, $0xb8;
	[tilespmem:$0x1D990] =	vst v63  }
0x39: {  	_ =	swait.ge [sflag:s19], $0x9E00  }
0x3a: {  	s30 =	smul.u32 $0x27800, s26;
	[sflag:s19] =	ssyncset.done $0x0  }
0x3b: {  	s31 =	ssub.s32 $0x2, s26;
	s26 =	simm.s32 $0x4520;
	[sflag:s19] =	ssyncadd.s32 $0xFFFF6200  }
0x3c: {  	s29 =	sadd.s32 s29, s30;
	s30 =	sshrl.u32 s31, $0x1;
	_ =	swait.ge [sflag:s21], $0x9E00  }
0x3d: {  	s30 =	ssub.s32 s31, s30;
	s29 =	sshrl.u32 s29, $0x3;
	[sflag:s21] =	ssyncset.done $0x0  }
0x3e: {  	s28 =	sadd.s32 s29, s28;
	s29 =	smax.u32 s30, $0x1;
	[sflag:s21] =	ssyncadd.s32 $0xFFFF6200  }
0x3f: {  	[spmem:s1] =	stream.indirect.scatter.add.f32 [tilespmem:s20], [sflag:$0x3], $0x10, s26, s17, $0xb8;
	[tilespmem:$0x1D990] =	vst v63  }
0x40: {  	s29 =	sadd.s32 $0xFFFFFFFF, s29;
	_ =	swait.ge [sflag:s21], $0x9E00  }
0x41: {  	p1 =	sne.s32 s29, $0x0;
	[sflag:s21] =	ssyncset.done $0x0  }
.Ltmp0:
0x42: {  	[sflag:s21] =	ssyncadd.s32 $0xFFFF6200;
	(pc) =	sbr.rel @!p1 .LBB2_2-.Ltmp0, $4  }
0x43: {  	s28 =	sadd.s32 $0x43400, s28;
	[bflag:$0x0] =	sbarrier.arrive $0xFFFF  }
0x44: {  	[hbm:s28], [sflag:s7] =	dma.local [spmem:s10], $0x4F0  }
0x45: {  	_ =	swait.ge [sflag:s9], $0x4F0  }
0x46: {  	[sflag:s9] =	ssyncset.done $0x0  }
.LBB2_1:
0x47: {  	s29 =	sadd.s32 $0xFFFFFFFF, s29;
	[sflag:s9] =	ssyncadd.s32 $0xFFFFFB10  }
0x48: {  	[tilespmem:s3], [sflag:$0x1] =	stream.linear.gather [hbm4b:s4+s3], $0x2780, $0x38;
	[tilespmem:$0x1D990] =	vst v63  }
0x49: {  	p1 =	sne.s32 s29, $0x0  }
0x4a: {  	[tilespmem:s8], [sflag:$0x1] =	stream.linear.gather [hbm4b:s5+s3], $0x2780, $0x38;
	[tilespmem:$0x1D990] =	vst v63  }
0x4b: {  	[spmem:s10], [sflag:s7] =	dma.local [hbm:s6], $0x4F0  }
0x4c: {  	_ =	swait.ge [sflag:s9], $0x4F0  }
0x4d: {  	[sflag:s9] =	ssyncset.done $0x0  }
0x4e: {  	[sflag:s9] =	ssyncadd.s32 $0xFFFFFB10  }
0x4f: {  	[spmem:s12], [sflag:s7] =	dma.local [hbm:s11], $0x4E0  }
0x50: {  	_ =	swait.ge [sflag:s9], $0x4E0  }
0x51: {  	[sflag:s9] =	ssyncset.done $0x0  }
0x52: {  	[sflag:s9] =	ssyncadd.s32 $0xFFFFFB20  }
0x53: {  	[spmem:s14], [sflag:s7] =	dma.local @!p0 [hbm:s13], $0x20  }
0x54: {  	_ =	swait.ge @!p0 [sflag:s15], $0x20  }
0x55: {  	[sflag:s15] =	ssyncset.done @!p0 $0x0  }
0x56: {  	[sflag:s15] =	ssyncadd.s32 @!p0 $0xFFFFFFE0  }
0x57: {  	_ =	swait.ge [sflag:s16], $0x2780  }
0x58: {  	[sflag:s16] =	ssyncset.done $0x0  }
0x59: {  	[sflag:s16] =	ssyncadd.s32 $0xFFFFD880  }
0x5a: {  	_ =	swait.ge [sflag:s16], $0x2780  }
0x5b: {  	[sflag:s16] =	ssyncset.done $0x0  }
0x5c: {  	[sflag:s16] =	ssyncadd.s32 $0xFFFFD880  }
0x5d: {  	[bflag:$0x0] =	sbarrier.arrive $0xFFFF  }
0x5e: {  	[tilespmem:s18], [sflag:$0x2] =	stream.indirect.gather [spmem:s2], $0x10, s3, s17, $0xb8;
	[tilespmem:$0x1D990] =	vst v63  }
0x5f: {  	_ =	swait.ge [sflag:s19], $0x9E00  }
0x60: {  	[sflag:s19] =	ssyncset.done $0x0  }
0x61: {  	[sflag:s19] =	ssyncadd.s32 $0xFFFF6200  }
0x62: {  	[spmem:s1] =	stream.indirect.scatter.add.f32 [tilespmem:s18], [sflag:$0x3], $0x10, s8, s17, $0xb8;
	[tilespmem:$0x1D990] =	vst v63  }
0x63: {  	_ = 	snop  }
0x64: {  	[tilespmem:s20], [sflag:$0x2] =	stream.indirect.gather [spmem:s2], $0x10, s17, s17, $0xb8;
	[tilespmem:$0x1D990] =	vst v63  }
0x65: {  	_ =	swait.ge [sflag:s19], $0x9E00  }
0x66: {  	[sflag:s19] =	ssyncset.done $0x0  }
0x67: {  	[sflag:s19] =	ssyncadd.s32 $0xFFFF6200  }
0x68: {  	_ =	swait.ge [sflag:s21], $0x9E00  }
0x69: {  	[sflag:s21] =	ssyncset.done $0x0  }
0x6a: {  	[sflag:s21] =	ssyncadd.s32 $0xFFFF6200  }
0x6b: {  	[spmem:s1] =	stream.indirect.scatter.add.f32 [tilespmem:s20], [sflag:$0x3], $0x10, s22, s17, $0xb8;
	[tilespmem:$0x1D990] =	vst v63  }
0x6c: {  	_ = 	snop  }
0x6d: {  	[tilespmem:s18], [sflag:$0x2] =	stream.indirect.gather [spmem:s2], $0x10, s23, s17, $0xb8;
	[tilespmem:$0x1D990] =	vst v63  }
0x6e: {  	_ =	swait.ge [sflag:s19], $0x9E00  }
0x6f: {  	[sflag:s19] =	ssyncset.done $0x0  }
0x70: {  	[sflag:s19] =	ssyncadd.s32 $0xFFFF6200  }
0x71: {  	_ =	swait.ge [sflag:s21], $0x9E00  }
0x72: {  	[sflag:s21] =	ssyncset.done $0x0  }
0x73: {  	[sflag:s21] =	ssyncadd.s32 $0xFFFF6200  }
0x74: {  	[spmem:s1] =	stream.indirect.scatter.add.f32 [tilespmem:s18], [sflag:$0x3], $0x10, s24, s17, $0xb8;
	[tilespmem:$0x1D990] =	vst v63  }
0x75: {  	_ = 	snop  }
0x76: {  	[tilespmem:s20], [sflag:$0x2] =	stream.indirect.gather [spmem:s2], $0x10, s25, s17, $0xb8;
	[tilespmem:$0x1D990] =	vst v63  }
0x77: {  	_ =	swait.ge [sflag:s19], $0x9E00  }
0x78: {  	[sflag:s19] =	ssyncset.done $0x0  }
0x79: {  	[sflag:s19] =	ssyncadd.s32 $0xFFFF6200  }
0x7a: {  	_ =	swait.ge [sflag:s21], $0x9E00  }
0x7b: {  	[sflag:s21] =	ssyncset.done $0x0  }
0x7c: {  	[sflag:s21] =	ssyncadd.s32 $0xFFFF6200  }
0x7d: {  	[spmem:s1] =	stream.indirect.scatter.add.f32 [tilespmem:s20], [sflag:$0x3], $0x10, s26, s17, $0xb8;
	[tilespmem:$0x1D990] =	vst v63  }
0x7e: {  	_ =	swait.ge [sflag:s21], $0x9E00  }
0x7f: {  	[sflag:s21] =	ssyncset.done $0x0  }
.Ltmp1:
0x80: {  	[sflag:s21] =	ssyncadd.s32 $0xFFFF6200;
	(pc) =	sbr.rel @p1 .LBB2_1-.Ltmp1, $4  }
0x81: {  	[bflag:$0x0] =	sbarrier.arrive $0xFFFF  }
0x82: {  	[hbm:s28], [sflag:s7] =	dma.local [spmem:s10], $0x4F0  }
0x83: {  	_ =	swait.ge [sflag:s9], $0x4F0  }
0x84: {  	[sflag:s9] =	ssyncset.done $0x0  }
.LBB2_2:
0x85: {  	[sflag:s9] =	ssyncadd.s32 $0xFFFFFB10  }
0x86: {  	_ =	sfence.sel $0x180000  }
0x87: {  	[bflag:$0x0] =	sbarrier.arrive $0xFFFF  }
0x88: {  	_ =	strace $0x9000004A  }
0x89: {  	s0 =	sadd.s32 @!p0 $0x100000, s0;
	[bflag:$0x2] =	sbarrier.arrive $0xFFFF  }
0x8a: {  	[sflag:s0] =	ssyncadd.tile.s32 @!p0 $0x1;
	_ =	shalt  }
.Lfunc_end2:
_tile_overlayer_lowered:
.L_overlay_start_2:
0x8b: {  	(tag) =	ssettag $0x2  }
0x8c: {  	s0 =	rddreg [dreg:$0x0];
	s2 =	stileid.u32  }
0x8d: {  	s1 =	rddreg [dreg:$0x1];
	p0 =	sne.s32 s2, $0x0  }
0x8e: {  	s3 =	rddreg [dreg:$0x2];
	[bflag:$0x3] =	sbarrier.arrive $0xFFFF;
	s2 =	simm.s32 @!p0 $0x1C04  }
0x8f: {  	[timem:s3], [sflag:s2] =	dma.local @!p0 [hbm:s0], s1  }
0x90: {  	s0 =	simm.s32 @!p0 $0x4  }
0x91: {  	_ =	swait.ge @!p0 [sflag:s0], s1  }
0x92: {  	s1 =	ssub.s32 @!p0 $0x0, s1;
	[sflag:s0] =	ssyncset.done @!p0 $0x0  }
0x93: {  	[sflag:s0] =	ssyncadd.s32 @!p0 s1  }
0x94: {  	[bflag:$0x3] =	sbarrier.arrive $0xFFFF  }
0x95: {  	_ =	shalt  }

// kernel: kernel.17.cloned.1.call-start
scs
__scs_entry_jumppad:
0x0: {  	(pc) =	sbr.rel $0x88, $3  }
0x1: {  	(tag) =	ssettag $0x0;
	lr =	simm.s32 $0x1  }
0x2: {  	[smem:$0x3F99] =	sst lr;
	_ =	strace $0xD0000000  }
0x3: {  	_ = 	snop  }
0x4: {  	_ = 	snop  }
0x5: {  	_ = 	snop  }
0x6: {  	_ = 	snop  }
0x7: {  	_ = 	snop  }
__scs_overlays_trampoline_lowered:
0x8: {  	[smem:$0x3FA8] =	sst s0  }
0x9: {  	[smem:$0x3FA9] =	sst s1  }
0xa: {  	[smem:$0x3FAA] =	sst s2  }
0xb: {  	[smem:$0x3FAB] =	sst s3  }
0xc: {  	[smem:$0x3FAC] =	sst s4  }
0xd: {  	[smem:$0x3FAD] =	sst s5  }
0xe: {  	[smem:$0x3FAE] =	sst s6  }
0xf: {  	[smem:$0x3FAF] =	sst s7  }
0x10: {  	[smem:$0x3FB0] =	sst s8  }
0x11: {  	[smem:$0x3FB1] =	sst s9;
	s0 =	simm.s32 @!p0 $0x0  }
0x12: {  	s1 =	sld [smem:$0x3F97];
	s0 =	simm.s32 @p0 $0x1  }
0x13: {  	[smem:$0x3FB2] =	sst s0;
	s0 =	simm.s32 @!p1 $0x0  }
0x14: {  	s2 =	sld [smem:$0x3F96];
	s0 =	simm.s32 @p1 $0x1  }
0x15: {  	[smem:$0x3FB3] =	sst s0;
	s0 =	simm.s32 @!p2 $0x0  }
0x16: {  	s3 =	sld [smem:$0x3FDB];
	s0 =	simm.s32 @p2 $0x1  }
0x17: {  	s4 =	simm.s32 $0x1BF5;
	[smem:$0x3FB5] =	sst s0  }
0x18: {  	s0 =	sld [smem:$0x3F98];
	_ =	swait.ge [sflag:s4], $0x0  }
0x19: {  	s7 =	sld [smem:$0x3F99]  }
0x1a: {  	s8 =	sadd.s32 $0xFFFFE003, lr  }
0x1b: {  	s9 =	sadd.s32 $0xFFFFFEF7, lr;
	s5 =	simm.s32 $0xFFFFFFFF;
	p2 =	slt.u32 s8, $0xFFFFF086  }
0x1c: {  	p1 =	slt.u32 s9, $0xF7A;
	s5 =	simm.s32 @!p2 $0x0  }
0x1d: {  	s5 =	simm.s32 @p1 $0x1;
	p0 =	seq.s32 s7, s2  }
0x1e: {  	s7 =	smul.u32 @!p0 $0xF7A, s2;
	p2 =	seq.s32 @!p0 s5, $0x0  }
0x1f: {  	s9 =	smul.u32 $0xF7A, s1;
	s8 =	simm.s32 @!p0 $0x1BF5;
	p2 =	por !p2, p0  }
0x20: {  	[sflag:s8] =	ssyncset.s32 @!p0 $0xFFFFF086;
	s6 =	sadd.s32 @!p0 s3, s7;
	s7 =	simm.s32 @!p0 $0x108  }
0x21: {  	s3 =	sadd.s32 s3, s9;
	s6 =	sadd.s32 @!p0 $0x88, s6;
	s7 =	simm.s32 @p2 $0x1082  }
0x22: {  	[simem:s7], [sflag:s8] =	dma.local @!p0 [hbm:s6], $0xF7A  }
0x23: {  	s9 =	sor.u32 $0xD0000000, s2;
	s6 =	simm.s32 $0x108;
	_ =	swait.ge @!p0 [sflag:s8], $0x0  }
0x24: {  	s3 =	sadd.s32 $0x88, s3;
	s6 =	simm.s32 @!p1 $0x1082;
	[sflag:s4] =	ssyncset.s32 $0xFFFFF086  }
0x25: {  	[simem:s6], [sflag:s4] =	dma.local [hbm:s3], $0xF7A  }
0x26: {  	[smem:$0x3F99] =	sst s1;
	(tag) =	ssettag s2;
	_ =	strace s9  }
0x27: {  	s1 =	sld [smem:$0x3FA9]  }
0x28: {  	s2 =	sld [smem:$0x3FAA]  }
0x29: {  	s4 =	sld [smem:$0x3FAC]  }
0x2a: {  	p0 =	seq.s32 s5, $0x0;
	s5 =	sld [smem:$0x3FAD]  }
0x2b: {  	s6 =	sld [smem:$0x3FAE]  }
0x2c: {  	s7 =	sld [smem:$0x3FAF]  }
0x2d: {  	s3 =	simm.s32 $0x108;
	s8 =	sld [smem:$0x3FB0]  }
0x2e: {  	s3 =	simm.s32 @!p0 $0x1082;
	s9 =	sld [smem:$0x3FB1]  }
0x2f: {  	lr =	sadd.s32 s0, s3;
	s0 =	sld [smem:$0x3FA8]  }
0x30: {  	s3 =	sld [smem:$0x3FAB]  }
0x31: {  	[smem:$0x3FB4] =	sst s10  }
0x32: {  	s10 =	sld [smem:$0x3FB2];
	_ =	sdelay $0x3  }
0x33: {  	p0 =	seq.s32 s10, $0x1;
	s10 =	sld [smem:$0x3FB4];
	_ =	sdelay $0x3  }
0x34: {  	[smem:$0x3FB4] =	sst s10  }
0x35: {  	s10 =	sld [smem:$0x3FB3];
	_ =	sdelay $0x3  }
0x36: {  	p1 =	seq.s32 s10, $0x1;
	s10 =	sld [smem:$0x3FB4];
	_ =	sdelay $0x3  }
0x37: {  	[smem:$0x3FB4] =	sst s10  }
0x38: {  	s10 =	sld [smem:$0x3FB5]  }
0x39: {  	_ = 	snop;
	(pc) =	sbr.ind lr, $3  }
0x3a: {  	_ = 	snop  }
0x3b: {  	_ = 	snop  }
0x3c: {  	p2 =	seq.s32 s10, $0x1;
	s10 =	sld [smem:$0x3FB4]  }
0x3d: {  	_ =	shalt  }
0x3e: {  	_ =	shalt  }
0x3f: {  	_ =	shalt  }
0x40: {  	_ =	shalt  }
0x41: {  	_ =	shalt  }
0x42: {  	_ =	shalt  }
0x43: {  	_ =	shalt  }
0x44: {  	_ =	shalt  }
0x45: {  	_ =	shalt  }
0x46: {  	_ =	shalt  }
0x47: {  	_ =	shalt  }
0x48: {  	_ =	shalt  }
0x49: {  	_ =	shalt  }
0x4a: {  	_ =	shalt  }
0x4b: {  	_ =	shalt  }
0x4c: {  	_ =	shalt  }
0x4d: {  	_ =	shalt  }
0x4e: {  	_ =	shalt  }
0x4f: {  	_ =	shalt  }
0x50: {  	_ =	shalt  }
0x51: {  	_ =	shalt  }
0x52: {  	_ =	shalt  }
0x53: {  	_ =	shalt  }
0x54: {  	_ =	shalt  }
0x55: {  	_ =	shalt  }
0x56: {  	_ =	shalt  }
0x57: {  	_ =	shalt  }
0x58: {  	_ =	shalt  }
0x59: {  	_ =	shalt  }
0x5a: {  	_ =	shalt  }
0x5b: {  	_ =	shalt  }
0x5c: {  	_ =	shalt  }
0x5d: {  	_ =	shalt  }
0x5e: {  	_ =	shalt  }
0x5f: {  	_ =	shalt  }
0x60: {  	_ =	shalt  }
0x61: {  	_ =	shalt  }
0x62: {  	_ =	shalt  }
0x63: {  	_ =	shalt  }
0x64: {  	_ =	shalt  }
0x65: {  	_ =	shalt  }
0x66: {  	_ =	shalt  }
0x67: {  	_ =	shalt  }
0x68: {  	_ =	shalt  }
0x69: {  	_ =	shalt  }
0x6a: {  	_ =	shalt  }
0x6b: {  	_ =	shalt  }
0x6c: {  	_ =	shalt  }
0x6d: {  	_ =	shalt  }
0x6e: {  	_ =	shalt  }
0x6f: {  	_ =	shalt  }
0x70: {  	_ =	shalt  }
0x71: {  	_ =	shalt  }
0x72: {  	_ =	shalt  }
0x73: {  	_ =	shalt  }
0x74: {  	_ =	shalt  }
0x75: {  	_ =	shalt  }
0x76: {  	_ =	shalt  }
0x77: {  	_ =	shalt  }
0x78: {  	_ =	shalt  }
0x79: {  	_ =	shalt  }
0x7a: {  	_ =	shalt  }
0x7b: {  	_ =	shalt  }
0x7c: {  	_ =	shalt  }
0x7d: {  	_ =	shalt  }
0x7e: {  	_ =	shalt  }
0x7f: {  	_ =	shalt  }
0x80: {  	_ =	shalt  }
0x81: {  	_ =	shalt  }
0x82: {  	_ =	shalt  }
0x83: {  	_ =	shalt  }
0x84: {  	_ =	shalt  }
0x85: {  	_ =	shalt  }
0x86: {  	_ =	shalt  }
0x87: {  	_ =	shalt  }
.Lfunc_end0:
.L_simem_size_0:
called_computation.2_lowered:
.L_overlay_start_0:
0x88: {  	s2 =	sld [smem:$0x3FD9]  }
0x89: {  	s3 =	sld [smem:$0x3FFE];
	_ =	sdelay $0x1  }
0x8a: {  	s1 =	srdreg.scid  }
0x8b: {  	s0 =	sand.u32 $0x1, s1  }
0x8c: {  	s17 =	sshll.u32 s0, $0xA;
	s2 =	sadd.s32 s3, s2  }
0x8d: {  	s2 =	sadd.s32 s2, s17  }
0x8e: {  	[smem:$0x3FC0] =	sst s2  }
0x8f: {  	_ = 	snop  }
0x90: {  	s2 =	sld [smem:$0x3FD0];
	(tm) =	ssettm $0x1  }
0x91: {  	s18 =	sld [smem:$0x3FFB];
	_ =	sdelay $0x3  }
0x92: {  	_ =	strace s18  }
0x93: {  	s3 =	sld [smem:$0x3FFC];
	_ =	sdelay $0x3  }
0x94: {  	_ =	strace s3  }
0x95: {  	s3 =	sld [smem:$0x3FFD];
	_ =	sdelay $0x3  }
0x96: {  	_ =	strace s3  }
0x97: {  	_ =	strace $0x8FFFFFFF  }
0x98: {  	s19 =	sld [smem:$0x3FDB];
	_ =	sdelay $0x1  }
0x99: {  	s4 =	simm.s32 $_scs_section_size  }
0x9a: {  	s5 =	simm.s32 $_size__tile_overlayer_lowered;
	s6 =	simm.s32 $_tile_overlayer_lowered  }
0x9b: {  	s22 =	simm.s32 $0x1BFF;
	s21 =	sshll.u32 s6, $0x1;
	s3 =	sadd.s32 s4, s19  }
0x9c: {  	s7 =	simm.s32 $0x0;
	s20 =	sshll.u32 s5, $0x1;
	s5 =	sadd.s32 s21, s3  }
0x9d: {  	[timem:s7], [sflag:s22] =	dma.local [hbm:s5], s20  }
0x9e: {  	_ =	swait.ge [sflag:s22], s20  }
0x9f: {  	s4 =	ssub.s32 $0x0, s20;
	[sflag:s22] =	ssyncset.done $0x0  }
0xa0: {  	[sflag:s22] =	ssyncadd.s32 s4;
	_ =	sdelay $0x1  }
0xa1: {  	s23 =	simm.s32 $0x1B8B  }
0xa2: {  	_ =	swait.ge [sflag:s23], $0x1  }
0xa3: {  	[sflag:s23] =	ssyncset.done $0x0  }
0xa4: {  	s25 =	simm.s32 $0x1B8E;
	s24 =	sld [smem:$0x3FFE];
	[sflag:s23] =	ssyncadd.s32 $0xFFFFFFFF  }
0xa5: {  	s26 =	simm.s32 $execute0_lowered;
	[smem:$0x3FD2] =	sst s25  }
0xa6: {  	s5 =	sshll.u32 s26, $0x1;
	_ =	strace $0x8000004C;
	[dreg:$0x1] =	wrdreg $0xFFFFFFFF  }
0xa7: {  	s28 =	simm.s32 $_size_execute0_lowered;
	s3 =	sadd.s32 s3, s5;
	[dreg:$0x0] =	wrdreg $0x0  }
0xa8: {  	s5 =	sshll.u32 s28, $0x1;
	[dreg:$0x2] =	wrdreg s3  }
0xa9: {  	[dreg:$0x3] =	wrdreg s5  }
0xaa: {  	[dreg:$0x4] =	wrdreg $0xC0  }
0xab: {  	_ =	task [dreg:s7], $0x5FFFF  }
0xac: {  	[dreg:$0x1] =	wrdreg $0xFFFFFFFF  }
0xad: {  	[dreg:$0x0] =	wrdreg $0x60  }
0xae: {  	[dreg:$0x2] =	wrdreg s24  }
0xaf: {  	[dreg:$0x3] =	wrdreg s2  }
0xb0: {  	[dreg:$0x4] =	wrdreg $0x18B000  }
0xb1: {  	[dreg:$0x5] =	wrdreg $0x1B2800  }
0xb2: {  	[dreg:$0x6] =	wrdreg $0x9  }
0xb3: {  	_ =	task.clear_ibuf [dreg:s7], $0x7FFFF;
	_ =	strace $0x9000004C  }
0xb4: {  	s29 =	simm.s32 $0x9;
	_ =	strace $0x8000004E  }
0xb5: {  	_ =	swait.ge [sflag:s29], $0x1  }
0xb6: {  	[sflag:s29] =	ssyncadd.s32 $0xFFFFFFFF  }
0xb7: {  	_ =	strace $0x9000004E  }
0xb8: {  	_ =	sfence  }
0xb9: {  	s30 =	sld [smem:$0x0];
	_ =	sdelay $0x2  }
0xba: {  	s31 =	sshll.u32 s1, $0xD;
	s1 =	sshrl.u32 s1, $0x2  }
0xbb: {  	s3 =	sand.u32 $0x4000, s31;
	s1 =	sadd.s32 s1, s30  }
0xbc: {  	s0 =	sor.u32 s3, s0;
	s1 =	sshll.u32 s1, $0x11  }
0xbd: {  	s0 =	sor.u32 s1, s0  }
0xbe: {  	s0 =	sadd.s32 $0x8F2B, s0  }
0xbf: {  	[sflag:s0] =	ssyncadd.remote.s32 $0x1  }
0xc0: {  	_ =	sfence.sel $0xFFFF  }
0xc1: {  	[dreg:$0x0] =	wrdreg $0xFFFFFFFF;
	(pc) =	sbr.abs _section_cstart, $3  }
0xc2: {  	[dreg:$0x1] =	wrdreg $0xFFFFFFFF  }
0xc3: {  	_ =	task.clear_ibuf [dreg:s7], $0x2FFFF;
	_ =	strace $0x9FFFFFFF  }
0xc4: {  	(tm) =	ssettm $0x7FFFFFFF  }
0xc5: {  	_ =	shalt  }
tec
execute0_lowered:
.L_overlay_start_1:
0x0: {  	(tag) =	ssettag $0x1  }
0x1: {  	s0 =	srdreg.scid;
	s28 =	rddreg [dreg:$0x0]  }
0x2: {  	s14 =	stileid.u32;
	s6 =	rddreg [dreg:$0x1]  }
0x3: {  	s1 =	rddreg [dreg:$0x2];
	s3 =	simm.s32 $0x0;
	s26 =	sand.u32 $0x1, s0  }
0x4: {  	s31 =	sshll.u32 s14, $0x3;
	s29 =	smul.u32 $0x2780, s14;
	s2 =	sshll.u32 s26, $0x2  }
0x5: {  	[smem:$0x7FF] =	sst s3;
	s11 =	smul.u32 $0x2700, s14;
	s0 =	sor.u32 s2, s31  }
0x6: {  	s8 =	sshll.u32 s14, $0x6;
	s2 =	rddreg [dreg:$0x3];
	s4 =	smul.u32 $0x13C, s0  }
0x7: {  	s7 =	sshrl.u32 s29, $0x3;
	s9 =	sadd.s32 s29, s1;
	s0 =	rddreg [dreg:$0x4]  }
0x8: {  	_ =	strace $0x8000004D;
	s6 =	sadd.s32 s6, s7;
	s5 =	sadd.s32 s4, s28  }
0x9: {  	s7 =	sor.u32 $0x1C04, s8;
	s8 =	simm.s32 $0x2780;
	s4 =	sadd.s32 $0x3600, s5  }
0xa: {  	[tilespmem:s3], [sflag:$0x1] =	stream.linear.gather [hbm4b:s4+s3], $0x2780, $0x38;
	[tilespmem:$0x1D990] =	vst v63  }
0xb: {  	s10 =	sshrl.u32 s9, $0x3;
	s9 =	simm.s32 $0x4;
	s5 =	sadd.s32 $0xD400, s5  }
0xc: {  	[tilespmem:s8], [sflag:$0x1] =	stream.linear.gather [hbm4b:s5+s3], $0x2780, $0x38;
	[tilespmem:$0x1D990] =	vst v63  }
0xd: {  	[spmem:s10], [sflag:s7] =	dma.local [hbm:s6], $0x4F0  }
0xe: {  	s12 =	sshrl.u32 s11, $0x3;
	_ =	swait.ge [sflag:s9], $0x4F0  }
0xf: {  	s12 =	sadd.s32 s12, s28;
	s13 =	sadd.s32 s11, s2;
	[sflag:s9] =	ssyncset.done $0x0  }
0x10: {  	s11 =	sadd.s32 $0x3E400, s12;
	s12 =	sshrl.u32 s13, $0x3;
	[sflag:s9] =	ssyncadd.s32 $0xFFFFFB10  }
0x11: {  	[spmem:s12], [sflag:s7] =	dma.local [hbm:s11], $0x4E0  }
0x12: {  	p0 =	sne.s32 s14, $0x0;
	_ =	swait.ge [sflag:s9], $0x4E0  }
0x13: {  	s15 =	sadd.s32 $0x27000, s2;
	s13 =	sadd.s32 $0x43200, s28;
	[sflag:s9] =	ssyncset.done $0x0  }
0x14: {  	s14 =	sshrl.u32 @!p0 s15, $0x3;
	s15 =	simm.s32 @!p0 $0x4;
	[sflag:s9] =	ssyncadd.s32 $0xFFFFFB20  }
0x15: {  	[spmem:s14], [sflag:s7] =	dma.local @!p0 [hbm:s13], $0x20  }
0x16: {  	_ =	swait.ge @!p0 [sflag:s15], $0x20  }
0x17: {  	[sflag:s15] =	ssyncset.done @!p0 $0x0  }
0x18: {  	s16 =	simm.s32 $0x1;
	[sflag:s15] =	ssyncadd.s32 @!p0 $0xFFFFFFE0  }
0x19: {  	_ =	swait.ge [sflag:s16], $0x2780  }
0x1a: {  	[sflag:s16] =	ssyncset.done $0x0  }
0x1b: {  	[sflag:s16] =	ssyncadd.s32 $0xFFFFD880  }
0x1c: {  	_ =	swait.ge [sflag:s16], $0x2780  }
0x1d: {  	[sflag:s16] =	ssyncset.done $0x0  }
0x1e: {  	s17 =	simm.s32 $0x9E0;
	[sflag:s16] =	ssyncadd.s32 $0xFFFFD880  }
0x1f: {  	s18 =	simm.s32 $0x4F00;
	s19 =	simm.s32 $0x2;
	[bflag:$0x0] =	sbarrier.arrive $0xFFFF  }
0x20: {  	[tilespmem:s18], [sflag:$0x2] =	stream.indirect.gather [spmem:s2], $0x10, s3, s17, $0xb8;
	[tilespmem:$0x1D990] =	vst v63  }
0x21: {  	_ =	swait.ge [sflag:s19], $0x9E00  }
0x22: {  	[sflag:s19] =	ssyncset.done $0x0  }
0x23: {  	[sflag:s19] =	ssyncadd.s32 $0xFFFF6200  }
0x24: {  	[spmem:s1] =	stream.indirect.scatter.add.f32 [tilespmem:s18], [sflag:$0x3], $0x10, s8, s17, $0xb8;
	[tilespmem:$0x1D990] =	vst v63  }
0x25: {  	s20 =	simm.s32 $0xED00  }
0x26: {  	[tilespmem:s20], [sflag:$0x2] =	stream.indirect.gather [spmem:s2], $0x10, s17, s17, $0xb8;
	[tilespmem:$0x1D990] =	vst v63  }
0x27: {  	_ =	swait.ge [sflag:s19], $0x9E00  }
0x28: {  	[sflag:s19] =	ssyncset.done $0x0  }
0x29: {  	s21 =	simm.s32 $0x3;
	[sflag:s19] =	ssyncadd.s32 $0xFFFF6200  }
0x2a: {  	_ =	swait.ge [sflag:s21], $0x9E00  }
0x2b: {  	[sflag:s21] =	ssyncset.done $0x0  }
0x2c: {  	s22 =	simm.s32 $0x3160;
	[sflag:s21] =	ssyncadd.s32 $0xFFFF6200  }
0x2d: {  	[spmem:s1] =	stream.indirect.scatter.add.f32 [tilespmem:s20], [sflag:$0x3], $0x10, s22, s17, $0xb8;
	[tilespmem:$0x1D990] =	vst v63  }
0x2e: {  	s23 =	simm.s32 $0x13C0  }
0x2f: {  	[tilespmem:s18], [sflag:$0x2] =	stream.indirect.gather [spmem:s2], $0x10, s23, s17, $0xb8;
	[tilespmem:$0x1D990] =	vst v63  }
0x30: {  	_ =	swait.ge [sflag:s19], $0x9E00  }
0x31: {  	[sflag:s19] =	ssyncset.done $0x0  }
0x32: {  	[sflag:s19] =	ssyncadd.s32 $0xFFFF6200  }
0x33: {  	_ =	swait.ge [sflag:s21], $0x9E00  }
0x34: {  	[sflag:s21] =	ssyncset.done $0x0  }
0x35: {  	s24 =	simm.s32 $0x3B40;
	[sflag:s21] =	ssyncadd.s32 $0xFFFF6200  }
0x36: {  	[spmem:s1] =	stream.indirect.scatter.add.f32 [tilespmem:s18], [sflag:$0x3], $0x10, s24, s17, $0xb8;
	[tilespmem:$0x1D990] =	vst v63  }
0x37: {  	s25 =	simm.s32 $0x1DA0  }
0x38: {  	[tilespmem:s20], [sflag:$0x2] =	stream.indirect.gather [spmem:s2], $0x10, s25, s17, $0xb8;
	[tilespmem:$0x1D990] =	vst v63  }
0x39: {  	_ =	swait.ge [sflag:s19], $0x9E00  }
0x3a: {  	s30 =	smul.u32 $0x27800, s26;
	[sflag:s19] =	ssyncset.done $0x0  }
0x3b: {  	s31 =	ssub.s32 $0x2, s26;
	s26 =	simm.s32 $0x4520;
	[sflag:s19] =	ssyncadd.s32 $0xFFFF6200  }
0x3c: {  	s29 =	sadd.s32 s29, s30;
	s30 =	sshrl.u32 s31, $0x1;
	_ =	swait.ge [sflag:s21], $0x9E00  }
0x3d: {  	s30 =	ssub.s32 s31, s30;
	s29 =	sshrl.u32 s29, $0x3;
	[sflag:s21] =	ssyncset.done $0x0  }
0x3e: {  	s28 =	sadd.s32 s29, s28;
	s29 =	smax.u32 s30, $0x1;
	[sflag:s21] =	ssyncadd.s32 $0xFFFF6200  }
0x3f: {  	[spmem:s1] =	stream.indirect.scatter.add.f32 [tilespmem:s20], [sflag:$0x3], $0x10, s26, s17, $0xb8;
	[tilespmem:$0x1D990] =	vst v63  }
0x40: {  	s29 =	sadd.s32 $0xFFFFFFFF, s29;
	_ =	swait.ge [sflag:s21], $0x9E00  }
0x41: {  	p1 =	sne.s32 s29, $0x0;
	[sflag:s21] =	ssyncset.done $0x0  }
.Ltmp0:
0x42: {  	[sflag:s21] =	ssyncadd.s32 $0xFFFF6200;
	(pc) =	sbr.rel @!p1 .LBB2_2-.Ltmp0, $4  }
0x43: {  	s28 =	sadd.s32 $0x43400, s28;
	[bflag:$0x0] =	sbarrier.arrive $0xFFFF  }
0x44: {  	[hbm:s28], [sflag:s7] =	dma.local [spmem:s10], $0x4F0  }
0x45: {  	_ =	swait.ge [sflag:s9], $0x4F0  }
0x46: {  	[sflag:s9] =	ssyncset.done $0x0  }
.LBB2_1:
0x47: {  	s29 =	sadd.s32 $0xFFFFFFFF, s29;
	[sflag:s9] =	ssyncadd.s32 $0xFFFFFB10  }
0x48: {  	[tilespmem:s3], [sflag:$0x1] =	stream.linear.gather [hbm4b:s4+s3], $0x2780, $0x38;
	[tilespmem:$0x1D990] =	vst v63  }
0x49: {  	p1 =	sne.s32 s29, $0x0  }
0x4a: {  	[tilespmem:s8], [sflag:$0x1] =	stream.linear.gather [hbm4b:s5+s3], $0x2780, $0x38;
	[tilespmem:$0x1D990] =	vst v63  }
0x4b: {  	[spmem:s10], [sflag:s7] =	dma.local [hbm:s6], $0x4F0  }
0x4c: {  	_ =	swait.ge [sflag:s9], $0x4F0  }
0x4d: {  	[sflag:s9] =	ssyncset.done $0x0  }
0x4e: {  	[sflag:s9] =	ssyncadd.s32 $0xFFFFFB10  }
0x4f: {  	[spmem:s12], [sflag:s7] =	dma.local [hbm:s11], $0x4E0  }
0x50: {  	_ =	swait.ge [sflag:s9], $0x4E0  }
0x51: {  	[sflag:s9] =	ssyncset.done $0x0  }
0x52: {  	[sflag:s9] =	ssyncadd.s32 $0xFFFFFB20  }
0x53: {  	[spmem:s14], [sflag:s7] =	dma.local @!p0 [hbm:s13], $0x20  }
0x54: {  	_ =	swait.ge @!p0 [sflag:s15], $0x20  }
0x55: {  	[sflag:s15] =	ssyncset.done @!p0 $0x0  }
0x56: {  	[sflag:s15] =	ssyncadd.s32 @!p0 $0xFFFFFFE0  }
0x57: {  	_ =	swait.ge [sflag:s16], $0x2780  }
0x58: {  	[sflag:s16] =	ssyncset.done $0x0  }
0x59: {  	[sflag:s16] =	ssyncadd.s32 $0xFFFFD880  }
0x5a: {  	_ =	swait.ge [sflag:s16], $0x2780  }
0x5b: {  	[sflag:s16] =	ssyncset.done $0x0  }
0x5c: {  	[sflag:s16] =	ssyncadd.s32 $0xFFFFD880  }
0x5d: {  	[bflag:$0x0] =	sbarrier.arrive $0xFFFF  }
0x5e: {  	[tilespmem:s18], [sflag:$0x2] =	stream.indirect.gather [spmem:s2], $0x10, s3, s17, $0xb8;
	[tilespmem:$0x1D990] =	vst v63  }
0x5f: {  	_ =	swait.ge [sflag:s19], $0x9E00  }
0x60: {  	[sflag:s19] =	ssyncset.done $0x0  }
0x61: {  	[sflag:s19] =	ssyncadd.s32 $0xFFFF6200  }
0x62: {  	[spmem:s1] =	stream.indirect.scatter.add.f32 [tilespmem:s18], [sflag:$0x3], $0x10, s8, s17, $0xb8;
	[tilespmem:$0x1D990] =	vst v63  }
0x63: {  	_ = 	snop  }
0x64: {  	[tilespmem:s20], [sflag:$0x2] =	stream.indirect.gather [spmem:s2], $0x10, s17, s17, $0xb8;
	[tilespmem:$0x1D990] =	vst v63  }
0x65: {  	_ =	swait.ge [sflag:s19], $0x9E00  }
0x66: {  	[sflag:s19] =	ssyncset.done $0x0  }
0x67: {  	[sflag:s19] =	ssyncadd.s32 $0xFFFF6200  }
0x68: {  	_ =	swait.ge [sflag:s21], $0x9E00  }
0x69: {  	[sflag:s21] =	ssyncset.done $0x0  }
0x6a: {  	[sflag:s21] =	ssyncadd.s32 $0xFFFF6200  }
0x6b: {  	[spmem:s1] =	stream.indirect.scatter.add.f32 [tilespmem:s20], [sflag:$0x3], $0x10, s22, s17, $0xb8;
	[tilespmem:$0x1D990] =	vst v63  }
0x6c: {  	_ = 	snop  }
0x6d: {  	[tilespmem:s18], [sflag:$0x2] =	stream.indirect.gather [spmem:s2], $0x10, s23, s17, $0xb8;
	[tilespmem:$0x1D990] =	vst v63  }
0x6e: {  	_ =	swait.ge [sflag:s19], $0x9E00  }
0x6f: {  	[sflag:s19] =	ssyncset.done $0x0  }
0x70: {  	[sflag:s19] =	ssyncadd.s32 $0xFFFF6200  }
0x71: {  	_ =	swait.ge [sflag:s21], $0x9E00  }
0x72: {  	[sflag:s21] =	ssyncset.done $0x0  }
0x73: {  	[sflag:s21] =	ssyncadd.s32 $0xFFFF6200  }
0x74: {  	[spmem:s1] =	stream.indirect.scatter.add.f32 [tilespmem:s18], [sflag:$0x3], $0x10, s24, s17, $0xb8;
	[tilespmem:$0x1D990] =	vst v63  }
0x75: {  	_ = 	snop  }
0x76: {  	[tilespmem:s20], [sflag:$0x2] =	stream.indirect.gather [spmem:s2], $0x10, s25, s17, $0xb8;
	[tilespmem:$0x1D990] =	vst v63  }
0x77: {  	_ =	swait.ge [sflag:s19], $0x9E00  }
0x78: {  	[sflag:s19] =	ssyncset.done $0x0  }
0x79: {  	[sflag:s19] =	ssyncadd.s32 $0xFFFF6200  }
0x7a: {  	_ =	swait.ge [sflag:s21], $0x9E00  }
0x7b: {  	[sflag:s21] =	ssyncset.done $0x0  }
0x7c: {  	[sflag:s21] =	ssyncadd.s32 $0xFFFF6200  }
0x7d: {  	[spmem:s1] =	stream.indirect.scatter.add.f32 [tilespmem:s20], [sflag:$0x3], $0x10, s26, s17, $0xb8;
	[tilespmem:$0x1D990] =	vst v63  }
0x7e: {  	_ =	swait.ge [sflag:s21], $0x9E00  }
0x7f: {  	[sflag:s21] =	ssyncset.done $0x0  }
.Ltmp1:
0x80: {  	[sflag:s21] =	ssyncadd.s32 $0xFFFF6200;
	(pc) =	sbr.rel @p1 .LBB2_1-.Ltmp1, $4  }
0x81: {  	[bflag:$0x0] =	sbarrier.arrive $0xFFFF  }
0x82: {  	[hbm:s28], [sflag:s7] =	dma.local [spmem:s10], $0x4F0  }
0x83: {  	_ =	swait.ge [sflag:s9], $0x4F0  }
0x84: {  	[sflag:s9] =	ssyncset.done $0x0  }
.LBB2_2:
0x85: {  	[sflag:s9] =	ssyncadd.s32 $0xFFFFFB10  }
0x86: {  	_ =	sfence.sel $0x180000  }
0x87: {  	[bflag:$0x0] =	sbarrier.arrive $0xFFFF  }
0x88: {  	_ =	strace $0x9000004D  }
0x89: {  	s0 =	sadd.s32 @!p0 $0x100000, s0;
	[bflag:$0x2] =	sbarrier.arrive $0xFFFF  }
0x8a: {  	[sflag:s0] =	ssyncadd.tile.s32 @!p0 $0x1;
	_ =	shalt  }
.Lfunc_end2:
_tile_overlayer_lowered:
.L_overlay_start_2:
0x8b: {  	(tag) =	ssettag $0x2  }
0x8c: {  	s0 =	rddreg [dreg:$0x0];
	s2 =	stileid.u32  }
0x8d: {  	s1 =	rddreg [dreg:$0x1];
	p0 =	sne.s32 s2, $0x0  }
0x8e: {  	s3 =	rddreg [dreg:$0x2];
	[bflag:$0x3] =	sbarrier.arrive $0xFFFF;
	s2 =	simm.s32 @!p0 $0x1C04  }
0x8f: {  	[timem:s3], [sflag:s2] =	dma.local @!p0 [hbm:s0], s1  }
0x90: {  	s0 =	simm.s32 @!p0 $0x4  }
0x91: {  	_ =	swait.ge @!p0 [sflag:s0], s1  }
0x92: {  	s1 =	ssub.s32 @!p0 $0x0, s1;
	[sflag:s0] =	ssyncset.done @!p0 $0x0  }
0x93: {  	[sflag:s0] =	ssyncadd.s32 @!p0 s1  }
0x94: {  	[bflag:$0x3] =	sbarrier.arrive $0xFFFF  }
0x95: {  	_ =	shalt  }

// kernel: kernel.20.cloned.1.call-start
scs
__scs_entry_jumppad:
0x0: {  	(pc) =	sbr.rel $0x88, $3  }
0x1: {  	(tag) =	ssettag $0x0;
	lr =	simm.s32 $0x1  }
0x2: {  	[smem:$0x3F99] =	sst lr;
	_ =	strace $0xD0000000  }
0x3: {  	_ = 	snop  }
0x4: {  	_ = 	snop  }
0x5: {  	_ = 	snop  }
0x6: {  	_ = 	snop  }
0x7: {  	_ = 	snop  }
__scs_overlays_trampoline_lowered:
0x8: {  	[smem:$0x3FA8] =	sst s0  }
0x9: {  	[smem:$0x3FA9] =	sst s1  }
0xa: {  	[smem:$0x3FAA] =	sst s2  }
0xb: {  	[smem:$0x3FAB] =	sst s3  }
0xc: {  	[smem:$0x3FAC] =	sst s4  }
0xd: {  	[smem:$0x3FAD] =	sst s5  }
0xe: {  	[smem:$0x3FAE] =	sst s6  }
0xf: {  	[smem:$0x3FAF] =	sst s7  }
0x10: {  	[smem:$0x3FB0] =	sst s8  }
0x11: {  	[smem:$0x3FB1] =	sst s9;
	s0 =	simm.s32 @!p0 $0x0  }
0x12: {  	s1 =	sld [smem:$0x3F97];
	s0 =	simm.s32 @p0 $0x1  }
0x13: {  	[smem:$0x3FB2] =	sst s0;
	s0 =	simm.s32 @!p1 $0x0  }
0x14: {  	s2 =	sld [smem:$0x3F96];
	s0 =	simm.s32 @p1 $0x1  }
0x15: {  	[smem:$0x3FB3] =	sst s0;
	s0 =	simm.s32 @!p2 $0x0  }
0x16: {  	s3 =	sld [smem:$0x3FDB];
	s0 =	simm.s32 @p2 $0x1  }
0x17: {  	s4 =	simm.s32 $0x1BF5;
	[smem:$0x3FB5] =	sst s0  }
0x18: {  	s0 =	sld [smem:$0x3F98];
	_ =	swait.ge [sflag:s4], $0x0  }
0x19: {  	s7 =	sld [smem:$0x3F99]  }
0x1a: {  	s8 =	sadd.s32 $0xFFFFE003, lr  }
0x1b: {  	s9 =	sadd.s32 $0xFFFFFEF7, lr;
	s5 =	simm.s32 $0xFFFFFFFF;
	p2 =	slt.u32 s8, $0xFFFFF086  }
0x1c: {  	p1 =	slt.u32 s9, $0xF7A;
	s5 =	simm.s32 @!p2 $0x0  }
0x1d: {  	s5 =	simm.s32 @p1 $0x1;
	p0 =	seq.s32 s7, s2  }
0x1e: {  	s7 =	smul.u32 @!p0 $0xF7A, s2;
	p2 =	seq.s32 @!p0 s5, $0x0  }
0x1f: {  	s9 =	smul.u32 $0xF7A, s1;
	s8 =	simm.s32 @!p0 $0x1BF5;
	p2 =	por !p2, p0  }
0x20: {  	[sflag:s8] =	ssyncset.s32 @!p0 $0xFFFFF086;
	s6 =	sadd.s32 @!p0 s3, s7;
	s7 =	simm.s32 @!p0 $0x108  }
0x21: {  	s3 =	sadd.s32 s3, s9;
	s6 =	sadd.s32 @!p0 $0x88, s6;
	s7 =	simm.s32 @p2 $0x1082  }
0x22: {  	[simem:s7], [sflag:s8] =	dma.local @!p0 [hbm:s6], $0xF7A  }
0x23: {  	s9 =	sor.u32 $0xD0000000, s2;
	s6 =	simm.s32 $0x108;
	_ =	swait.ge @!p0 [sflag:s8], $0x0  }
0x24: {  	s3 =	sadd.s32 $0x88, s3;
	s6 =	simm.s32 @!p1 $0x1082;
	[sflag:s4] =	ssyncset.s32 $0xFFFFF086  }
0x25: {  	[simem:s6], [sflag:s4] =	dma.local [hbm:s3], $0xF7A  }
0x26: {  	[smem:$0x3F99] =	sst s1;
	(tag) =	ssettag s2;
	_ =	strace s9  }
0x27: {  	s1 =	sld [smem:$0x3FA9]  }
0x28: {  	s2 =	sld [smem:$0x3FAA]  }
0x29: {  	s4 =	sld [smem:$0x3FAC]  }
0x2a: {  	p0 =	seq.s32 s5, $0x0;
	s5 =	sld [smem:$0x3FAD]  }
0x2b: {  	s6 =	sld [smem:$0x3FAE]  }
0x2c: {  	s7 =	sld [smem:$0x3FAF]  }
0x2d: {  	s3 =	simm.s32 $0x108;
	s8 =	sld [smem:$0x3FB0]  }
0x2e: {  	s3 =	simm.s32 @!p0 $0x1082;
	s9 =	sld [smem:$0x3FB1]  }
0x2f: {  	lr =	sadd.s32 s0, s3;
	s0 =	sld [smem:$0x3FA8]  }
0x30: {  	s3 =	sld [smem:$0x3FAB]  }
0x31: {  	[smem:$0x3FB4] =	sst s10  }
0x32: {  	s10 =	sld [smem:$0x3FB2];
	_ =	sdelay $0x3  }
0x33: {  	p0 =	seq.s32 s10, $0x1;
	s10 =	sld [smem:$0x3FB4];
	_ =	sdelay $0x3  }
0x34: {  	[smem:$0x3FB4] =	sst s10  }
0x35: {  	s10 =	sld [smem:$0x3FB3];
	_ =	sdelay $0x3  }
0x36: {  	p1 =	seq.s32 s10, $0x1;
	s10 =	sld [smem:$0x3FB4];
	_ =	sdelay $0x3  }
0x37: {  	[smem:$0x3FB4] =	sst s10  }
0x38: {  	s10 =	sld [smem:$0x3FB5]  }
0x39: {  	_ = 	snop;
	(pc) =	sbr.ind lr, $3  }
0x3a: {  	_ = 	snop  }
0x3b: {  	_ = 	snop  }
0x3c: {  	p2 =	seq.s32 s10, $0x1;
	s10 =	sld [smem:$0x3FB4]  }
0x3d: {  	_ =	shalt  }
0x3e: {  	_ =	shalt  }
0x3f: {  	_ =	shalt  }
0x40: {  	_ =	shalt  }
0x41: {  	_ =	shalt  }
0x42: {  	_ =	shalt  }
0x43: {  	_ =	shalt  }
0x44: {  	_ =	shalt  }
0x45: {  	_ =	shalt  }
0x46: {  	_ =	shalt  }
0x47: {  	_ =	shalt  }
0x48: {  	_ =	shalt  }
0x49: {  	_ =	shalt  }
0x4a: {  	_ =	shalt  }
0x4b: {  	_ =	shalt  }
0x4c: {  	_ =	shalt  }
0x4d: {  	_ =	shalt  }
0x4e: {  	_ =	shalt  }
0x4f: {  	_ =	shalt  }
0x50: {  	_ =	shalt  }
0x51: {  	_ =	shalt  }
0x52: {  	_ =	shalt  }
0x53: {  	_ =	shalt  }
0x54: {  	_ =	shalt  }
0x55: {  	_ =	shalt  }
0x56: {  	_ =	shalt  }
0x57: {  	_ =	shalt  }
0x58: {  	_ =	shalt  }
0x59: {  	_ =	shalt  }
0x5a: {  	_ =	shalt  }
0x5b: {  	_ =	shalt  }
0x5c: {  	_ =	shalt  }
0x5d: {  	_ =	shalt  }
0x5e: {  	_ =	shalt  }
0x5f: {  	_ =	shalt  }
0x60: {  	_ =	shalt  }
0x61: {  	_ =	shalt  }
0x62: {  	_ =	shalt  }
0x63: {  	_ =	shalt  }
0x64: {  	_ =	shalt  }
0x65: {  	_ =	shalt  }
0x66: {  	_ =	shalt  }
0x67: {  	_ =	shalt  }
0x68: {  	_ =	shalt  }
0x69: {  	_ =	shalt  }
0x6a: {  	_ =	shalt  }
0x6b: {  	_ =	shalt  }
0x6c: {  	_ =	shalt  }
0x6d: {  	_ =	shalt  }
0x6e: {  	_ =	shalt  }
0x6f: {  	_ =	shalt  }
0x70: {  	_ =	shalt  }
0x71: {  	_ =	shalt  }
0x72: {  	_ =	shalt  }
0x73: {  	_ =	shalt  }
0x74: {  	_ =	shalt  }
0x75: {  	_ =	shalt  }
0x76: {  	_ =	shalt  }
0x77: {  	_ =	shalt  }
0x78: {  	_ =	shalt  }
0x79: {  	_ =	shalt  }
0x7a: {  	_ =	shalt  }
0x7b: {  	_ =	shalt  }
0x7c: {  	_ =	shalt  }
0x7d: {  	_ =	shalt  }
0x7e: {  	_ =	shalt  }
0x7f: {  	_ =	shalt  }
0x80: {  	_ =	shalt  }
0x81: {  	_ =	shalt  }
0x82: {  	_ =	shalt  }
0x83: {  	_ =	shalt  }
0x84: {  	_ =	shalt  }
0x85: {  	_ =	shalt  }
0x86: {  	_ =	shalt  }
0x87: {  	_ =	shalt  }
.Lfunc_end0:
.L_simem_size_0:
called_computation.3_lowered:
.L_overlay_start_0:
0x88: {  	s2 =	sld [smem:$0x3FD9]  }
0x89: {  	s3 =	sld [smem:$0x3FFE];
	_ =	sdelay $0x1  }
0x8a: {  	s1 =	srdreg.scid  }
0x8b: {  	s0 =	sand.u32 $0x1, s1  }
0x8c: {  	s17 =	sshll.u32 s0, $0xA;
	s2 =	sadd.s32 s3, s2  }
0x8d: {  	s2 =	sadd.s32 s2, s17  }
0x8e: {  	[smem:$0x3FC0] =	sst s2  }
0x8f: {  	_ = 	snop  }
0x90: {  	s2 =	sld [smem:$0x3FD0];
	(tm) =	ssettm $0x1  }
0x91: {  	s18 =	sld [smem:$0x3FFB];
	_ =	sdelay $0x3  }
0x92: {  	_ =	strace s18  }
0x93: {  	s3 =	sld [smem:$0x3FFC];
	_ =	sdelay $0x3  }
0x94: {  	_ =	strace s3  }
0x95: {  	s3 =	sld [smem:$0x3FFD];
	_ =	sdelay $0x3  }
0x96: {  	_ =	strace s3  }
0x97: {  	_ =	strace $0x8FFFFFFF  }
0x98: {  	s19 =	sld [smem:$0x3FDB];
	_ =	sdelay $0x1  }
0x99: {  	s4 =	simm.s32 $_scs_section_size  }
0x9a: {  	s5 =	simm.s32 $_size__tile_overlayer_lowered;
	s6 =	simm.s32 $_tile_overlayer_lowered  }
0x9b: {  	s22 =	simm.s32 $0x1BFF;
	s21 =	sshll.u32 s6, $0x1;
	s3 =	sadd.s32 s4, s19  }
0x9c: {  	s7 =	simm.s32 $0x0;
	s20 =	sshll.u32 s5, $0x1;
	s5 =	sadd.s32 s21, s3  }
0x9d: {  	[timem:s7], [sflag:s22] =	dma.local [hbm:s5], s20  }
0x9e: {  	_ =	swait.ge [sflag:s22], s20  }
0x9f: {  	s4 =	ssub.s32 $0x0, s20;
	[sflag:s22] =	ssyncset.done $0x0  }
0xa0: {  	[sflag:s22] =	ssyncadd.s32 s4;
	_ =	sdelay $0x1  }
0xa1: {  	s23 =	simm.s32 $0x1B8B  }
0xa2: {  	_ =	swait.ge [sflag:s23], $0x1  }
0xa3: {  	[sflag:s23] =	ssyncset.done $0x0  }
0xa4: {  	s25 =	simm.s32 $0x1B8E;
	s24 =	sld [smem:$0x3FFE];
	[sflag:s23] =	ssyncadd.s32 $0xFFFFFFFF  }
0xa5: {  	s26 =	simm.s32 $execute0_lowered;
	[smem:$0x3FD2] =	sst s25  }
0xa6: {  	s5 =	sshll.u32 s26, $0x1;
	_ =	strace $0x8000004F;
	[dreg:$0x1] =	wrdreg $0xFFFFFFFF  }
0xa7: {  	s28 =	simm.s32 $_size_execute0_lowered;
	s3 =	sadd.s32 s3, s5;
	[dreg:$0x0] =	wrdreg $0x0  }
0xa8: {  	s5 =	sshll.u32 s28, $0x1;
	[dreg:$0x2] =	wrdreg s3  }
0xa9: {  	[dreg:$0x3] =	wrdreg s5  }
0xaa: {  	[dreg:$0x4] =	wrdreg $0xC0  }
0xab: {  	_ =	task [dreg:s7], $0x5FFFF  }
0xac: {  	[dreg:$0x1] =	wrdreg $0xFFFFFFFF  }
0xad: {  	[dreg:$0x0] =	wrdreg $0x60  }
0xae: {  	[dreg:$0x2] =	wrdreg s24  }
0xaf: {  	[dreg:$0x3] =	wrdreg s2  }
0xb0: {  	[dreg:$0x4] =	wrdreg $0x18B000  }
0xb1: {  	[dreg:$0x5] =	wrdreg $0x1B2800  }
0xb2: {  	[dreg:$0x6] =	wrdreg $0x9  }
0xb3: {  	_ =	task.clear_ibuf [dreg:s7], $0x7FFFF;
	_ =	strace $0x9000004F  }
0xb4: {  	s29 =	simm.s32 $0x9;
	_ =	strace $0x80000051  }
0xb5: {  	_ =	swait.ge [sflag:s29], $0x1  }
0xb6: {  	[sflag:s29] =	ssyncadd.s32 $0xFFFFFFFF  }
0xb7: {  	_ =	strace $0x90000051  }
0xb8: {  	_ =	sfence  }
0xb9: {  	s30 =	sld [smem:$0x0];
	_ =	sdelay $0x2  }
0xba: {  	s31 =	sshll.u32 s1, $0xD;
	s1 =	sshrl.u32 s1, $0x2  }
0xbb: {  	s3 =	sand.u32 $0x4000, s31;
	s1 =	sadd.s32 s1, s30  }
0xbc: {  	s0 =	sor.u32 s3, s0;
	s1 =	sshll.u32 s1, $0x11  }
0xbd: {  	s0 =	sor.u32 s1, s0  }
0xbe: {  	s0 =	sadd.s32 $0x8F2B, s0  }
0xbf: {  	[sflag:s0] =	ssyncadd.remote.s32 $0x1  }
0xc0: {  	_ =	sfence.sel $0xFFFF  }
0xc1: {  	[dreg:$0x0] =	wrdreg $0xFFFFFFFF;
	(pc) =	sbr.abs _section_cstart, $3  }
0xc2: {  	[dreg:$0x1] =	wrdreg $0xFFFFFFFF  }
0xc3: {  	_ =	task.clear_ibuf [dreg:s7], $0x2FFFF;
	_ =	strace $0x9FFFFFFF  }
0xc4: {  	(tm) =	ssettm $0x7FFFFFFF  }
0xc5: {  	_ =	shalt  }
tec
execute0_lowered:
.L_overlay_start_1:
0x0: {  	(tag) =	ssettag $0x1  }
0x1: {  	s0 =	srdreg.scid;
	s28 =	rddreg [dreg:$0x0]  }
0x2: {  	s14 =	stileid.u32;
	s6 =	rddreg [dreg:$0x1]  }
0x3: {  	s1 =	rddreg [dreg:$0x2];
	s3 =	simm.s32 $0x0;
	s26 =	sand.u32 $0x1, s0  }
0x4: {  	s31 =	sshll.u32 s14, $0x3;
	s29 =	smul.u32 $0x2780, s14;
	s2 =	sshll.u32 s26, $0x2  }
0x5: {  	[smem:$0x7FF] =	sst s3;
	s11 =	smul.u32 $0x2700, s14;
	s0 =	sor.u32 s2, s31  }
0x6: {  	s8 =	sshll.u32 s14, $0x6;
	s2 =	rddreg [dreg:$0x3];
	s4 =	smul.u32 $0x13C, s0  }
0x7: {  	s7 =	sshrl.u32 s29, $0x3;
	s9 =	sadd.s32 s29, s1;
	s0 =	rddreg [dreg:$0x4]  }
0x8: {  	_ =	strace $0x80000050;
	s6 =	sadd.s32 s6, s7;
	s5 =	sadd.s32 s4, s28  }
0x9: {  	s7 =	sor.u32 $0x1C04, s8;
	s8 =	simm.s32 $0x2780;
	s4 =	sadd.s32 $0x3600, s5  }
0xa: {  	[tilespmem:s3], [sflag:$0x1] =	stream.linear.gather [hbm4b:s4+s3], $0x2780, $0x38;
	[tilespmem:$0x1D990] =	vst v63  }
0xb: {  	s10 =	sshrl.u32 s9, $0x3;
	s9 =	simm.s32 $0x4;
	s5 =	sadd.s32 $0xD400, s5  }
0xc: {  	[tilespmem:s8], [sflag:$0x1] =	stream.linear.gather [hbm4b:s5+s3], $0x2780, $0x38;
	[tilespmem:$0x1D990] =	vst v63  }
0xd: {  	[spmem:s10], [sflag:s7] =	dma.local [hbm:s6], $0x4F0  }
0xe: {  	s12 =	sshrl.u32 s11, $0x3;
	_ =	swait.ge [sflag:s9], $0x4F0  }
0xf: {  	s12 =	sadd.s32 s12, s28;
	s13 =	sadd.s32 s11, s2;
	[sflag:s9] =	ssyncset.done $0x0  }
0x10: {  	s11 =	sadd.s32 $0x17200, s12;
	s12 =	sshrl.u32 s13, $0x3;
	[sflag:s9] =	ssyncadd.s32 $0xFFFFFB10  }
0x11: {  	[spmem:s12], [sflag:s7] =	dma.local [hbm:s11], $0x4E0  }
0x12: {  	p0 =	sne.s32 s14, $0x0;
	_ =	swait.ge [sflag:s9], $0x4E0  }
0x13: {  	s15 =	sadd.s32 $0x27000, s2;
	s13 =	sadd.s32 $0x1C000, s28;
	[sflag:s9] =	ssyncset.done $0x0  }
0x14: {  	s14 =	sshrl.u32 @!p0 s15, $0x3;
	s15 =	simm.s32 @!p0 $0x4;
	[sflag:s9] =	ssyncadd.s32 $0xFFFFFB20  }
0x15: {  	[spmem:s14], [sflag:s7] =	dma.local @!p0 [hbm:s13], $0x20  }
0x16: {  	_ =	swait.ge @!p0 [sflag:s15], $0x20  }
0x17: {  	[sflag:s15] =	ssyncset.done @!p0 $0x0  }
0x18: {  	s16 =	simm.s32 $0x1;
	[sflag:s15] =	ssyncadd.s32 @!p0 $0xFFFFFFE0  }
0x19: {  	_ =	swait.ge [sflag:s16], $0x2780  }
0x1a: {  	[sflag:s16] =	ssyncset.done $0x0  }
0x1b: {  	[sflag:s16] =	ssyncadd.s32 $0xFFFFD880  }
0x1c: {  	_ =	swait.ge [sflag:s16], $0x2780  }
0x1d: {  	[sflag:s16] =	ssyncset.done $0x0  }
0x1e: {  	s17 =	simm.s32 $0x9E0;
	[sflag:s16] =	ssyncadd.s32 $0xFFFFD880  }
0x1f: {  	s18 =	simm.s32 $0x4F00;
	s19 =	simm.s32 $0x2;
	[bflag:$0x0] =	sbarrier.arrive $0xFFFF  }
0x20: {  	[tilespmem:s18], [sflag:$0x2] =	stream.indirect.gather [spmem:s2], $0x10, s3, s17, $0xb8;
	[tilespmem:$0x1D990] =	vst v63  }
0x21: {  	_ =	swait.ge [sflag:s19], $0x9E00  }
0x22: {  	[sflag:s19] =	ssyncset.done $0x0  }
0x23: {  	[sflag:s19] =	ssyncadd.s32 $0xFFFF6200  }
0x24: {  	[spmem:s1] =	stream.indirect.scatter.add.f32 [tilespmem:s18], [sflag:$0x3], $0x10, s8, s17, $0xb8;
	[tilespmem:$0x1D990] =	vst v63  }
0x25: {  	s20 =	simm.s32 $0xED00  }
0x26: {  	[tilespmem:s20], [sflag:$0x2] =	stream.indirect.gather [spmem:s2], $0x10, s17, s17, $0xb8;
	[tilespmem:$0x1D990] =	vst v63  }
0x27: {  	_ =	swait.ge [sflag:s19], $0x9E00  }
0x28: {  	[sflag:s19] =	ssyncset.done $0x0  }
0x29: {  	s21 =	simm.s32 $0x3;
	[sflag:s19] =	ssyncadd.s32 $0xFFFF6200  }
0x2a: {  	_ =	swait.ge [sflag:s21], $0x9E00  }
0x2b: {  	[sflag:s21] =	ssyncset.done $0x0  }
0x2c: {  	s22 =	simm.s32 $0x3160;
	[sflag:s21] =	ssyncadd.s32 $0xFFFF6200  }
0x2d: {  	[spmem:s1] =	stream.indirect.scatter.add.f32 [tilespmem:s20], [sflag:$0x3], $0x10, s22, s17, $0xb8;
	[tilespmem:$0x1D990] =	vst v63  }
0x2e: {  	s23 =	simm.s32 $0x13C0  }
0x2f: {  	[tilespmem:s18], [sflag:$0x2] =	stream.indirect.gather [spmem:s2], $0x10, s23, s17, $0xb8;
	[tilespmem:$0x1D990] =	vst v63  }
0x30: {  	_ =	swait.ge [sflag:s19], $0x9E00  }
0x31: {  	[sflag:s19] =	ssyncset.done $0x0  }
0x32: {  	[sflag:s19] =	ssyncadd.s32 $0xFFFF6200  }
0x33: {  	_ =	swait.ge [sflag:s21], $0x9E00  }
0x34: {  	[sflag:s21] =	ssyncset.done $0x0  }
0x35: {  	s24 =	simm.s32 $0x3B40;
	[sflag:s21] =	ssyncadd.s32 $0xFFFF6200  }
0x36: {  	[spmem:s1] =	stream.indirect.scatter.add.f32 [tilespmem:s18], [sflag:$0x3], $0x10, s24, s17, $0xb8;
	[tilespmem:$0x1D990] =	vst v63  }
0x37: {  	s25 =	simm.s32 $0x1DA0  }
0x38: {  	[tilespmem:s20], [sflag:$0x2] =	stream.indirect.gather [spmem:s2], $0x10, s25, s17, $0xb8;
	[tilespmem:$0x1D990] =	vst v63  }
0x39: {  	_ =	swait.ge [sflag:s19], $0x9E00  }
0x3a: {  	s30 =	smul.u32 $0x27800, s26;
	[sflag:s19] =	ssyncset.done $0x0  }
0x3b: {  	s31 =	ssub.s32 $0x2, s26;
	s26 =	simm.s32 $0x4520;
	[sflag:s19] =	ssyncadd.s32 $0xFFFF6200  }
0x3c: {  	s29 =	sadd.s32 s29, s30;
	s30 =	sshrl.u32 s31, $0x1;
	_ =	swait.ge [sflag:s21], $0x9E00  }
0x3d: {  	s30 =	ssub.s32 s31, s30;
	s29 =	sshrl.u32 s29, $0x3;
	[sflag:s21] =	ssyncset.done $0x0  }
0x3e: {  	s28 =	sadd.s32 s29, s28;
	s29 =	smax.u32 s30, $0x1;
	[sflag:s21] =	ssyncadd.s32 $0xFFFF6200  }
0x3f: {  	[spmem:s1] =	stream.indirect.scatter.add.f32 [tilespmem:s20], [sflag:$0x3], $0x10, s26, s17, $0xb8;
	[tilespmem:$0x1D990] =	vst v63  }
0x40: {  	s29 =	sadd.s32 $0xFFFFFFFF, s29;
	_ =	swait.ge [sflag:s21], $0x9E00  }
0x41: {  	p1 =	sne.s32 s29, $0x0;
	[sflag:s21] =	ssyncset.done $0x0  }
.Ltmp0:
0x42: {  	[sflag:s21] =	ssyncadd.s32 $0xFFFF6200;
	(pc) =	sbr.rel @!p1 .LBB2_2-.Ltmp0, $4  }
0x43: {  	s28 =	sadd.s32 $0x1C200, s28;
	[bflag:$0x0] =	sbarrier.arrive $0xFFFF  }
0x44: {  	[hbm:s28], [sflag:s7] =	dma.local [spmem:s10], $0x4F0  }
0x45: {  	_ =	swait.ge [sflag:s9], $0x4F0  }
0x46: {  	[sflag:s9] =	ssyncset.done $0x0  }
.LBB2_1:
0x47: {  	s29 =	sadd.s32 $0xFFFFFFFF, s29;
	[sflag:s9] =	ssyncadd.s32 $0xFFFFFB10  }
0x48: {  	[tilespmem:s3], [sflag:$0x1] =	stream.linear.gather [hbm4b:s4+s3], $0x2780, $0x38;
	[tilespmem:$0x1D990] =	vst v63  }
0x49: {  	p1 =	sne.s32 s29, $0x0  }
0x4a: {  	[tilespmem:s8], [sflag:$0x1] =	stream.linear.gather [hbm4b:s5+s3], $0x2780, $0x38;
	[tilespmem:$0x1D990] =	vst v63  }
0x4b: {  	[spmem:s10], [sflag:s7] =	dma.local [hbm:s6], $0x4F0  }
0x4c: {  	_ =	swait.ge [sflag:s9], $0x4F0  }
0x4d: {  	[sflag:s9] =	ssyncset.done $0x0  }
0x4e: {  	[sflag:s9] =	ssyncadd.s32 $0xFFFFFB10  }
0x4f: {  	[spmem:s12], [sflag:s7] =	dma.local [hbm:s11], $0x4E0  }
0x50: {  	_ =	swait.ge [sflag:s9], $0x4E0  }
0x51: {  	[sflag:s9] =	ssyncset.done $0x0  }
0x52: {  	[sflag:s9] =	ssyncadd.s32 $0xFFFFFB20  }
0x53: {  	[spmem:s14], [sflag:s7] =	dma.local @!p0 [hbm:s13], $0x20  }
0x54: {  	_ =	swait.ge @!p0 [sflag:s15], $0x20  }
0x55: {  	[sflag:s15] =	ssyncset.done @!p0 $0x0  }
0x56: {  	[sflag:s15] =	ssyncadd.s32 @!p0 $0xFFFFFFE0  }
0x57: {  	_ =	swait.ge [sflag:s16], $0x2780  }
0x58: {  	[sflag:s16] =	ssyncset.done $0x0  }
0x59: {  	[sflag:s16] =	ssyncadd.s32 $0xFFFFD880  }
0x5a: {  	_ =	swait.ge [sflag:s16], $0x2780  }
0x5b: {  	[sflag:s16] =	ssyncset.done $0x0  }
0x5c: {  	[sflag:s16] =	ssyncadd.s32 $0xFFFFD880  }
0x5d: {  	[bflag:$0x0] =	sbarrier.arrive $0xFFFF  }
0x5e: {  	[tilespmem:s18], [sflag:$0x2] =	stream.indirect.gather [spmem:s2], $0x10, s3, s17, $0xb8;
	[tilespmem:$0x1D990] =	vst v63  }
0x5f: {  	_ =	swait.ge [sflag:s19], $0x9E00  }
0x60: {  	[sflag:s19] =	ssyncset.done $0x0  }
0x61: {  	[sflag:s19] =	ssyncadd.s32 $0xFFFF6200  }
0x62: {  	[spmem:s1] =	stream.indirect.scatter.add.f32 [tilespmem:s18], [sflag:$0x3], $0x10, s8, s17, $0xb8;
	[tilespmem:$0x1D990] =	vst v63  }
0x63: {  	_ = 	snop  }
0x64: {  	[tilespmem:s20], [sflag:$0x2] =	stream.indirect.gather [spmem:s2], $0x10, s17, s17, $0xb8;
	[tilespmem:$0x1D990] =	vst v63  }
0x65: {  	_ =	swait.ge [sflag:s19], $0x9E00  }
0x66: {  	[sflag:s19] =	ssyncset.done $0x0  }
0x67: {  	[sflag:s19] =	ssyncadd.s32 $0xFFFF6200  }
0x68: {  	_ =	swait.ge [sflag:s21], $0x9E00  }
0x69: {  	[sflag:s21] =	ssyncset.done $0x0  }
0x6a: {  	[sflag:s21] =	ssyncadd.s32 $0xFFFF6200  }
0x6b: {  	[spmem:s1] =	stream.indirect.scatter.add.f32 [tilespmem:s20], [sflag:$0x3], $0x10, s22, s17, $0xb8;
	[tilespmem:$0x1D990] =	vst v63  }
0x6c: {  	_ = 	snop  }
0x6d: {  	[tilespmem:s18], [sflag:$0x2] =	stream.indirect.gather [spmem:s2], $0x10, s23, s17, $0xb8;
	[tilespmem:$0x1D990] =	vst v63  }
0x6e: {  	_ =	swait.ge [sflag:s19], $0x9E00  }
0x6f: {  	[sflag:s19] =	ssyncset.done $0x0  }
0x70: {  	[sflag:s19] =	ssyncadd.s32 $0xFFFF6200  }
0x71: {  	_ =	swait.ge [sflag:s21], $0x9E00  }
0x72: {  	[sflag:s21] =	ssyncset.done $0x0  }
0x73: {  	[sflag:s21] =	ssyncadd.s32 $0xFFFF6200  }
0x74: {  	[spmem:s1] =	stream.indirect.scatter.add.f32 [tilespmem:s18], [sflag:$0x3], $0x10, s24, s17, $0xb8;
	[tilespmem:$0x1D990] =	vst v63  }
0x75: {  	_ = 	snop  }
0x76: {  	[tilespmem:s20], [sflag:$0x2] =	stream.indirect.gather [spmem:s2], $0x10, s25, s17, $0xb8;
	[tilespmem:$0x1D990] =	vst v63  }
0x77: {  	_ =	swait.ge [sflag:s19], $0x9E00  }
0x78: {  	[sflag:s19] =	ssyncset.done $0x0  }
0x79: {  	[sflag:s19] =	ssyncadd.s32 $0xFFFF6200  }
0x7a: {  	_ =	swait.ge [sflag:s21], $0x9E00  }
0x7b: {  	[sflag:s21] =	ssyncset.done $0x0  }
0x7c: {  	[sflag:s21] =	ssyncadd.s32 $0xFFFF6200  }
0x7d: {  	[spmem:s1] =	stream.indirect.scatter.add.f32 [tilespmem:s20], [sflag:$0x3], $0x10, s26, s17, $0xb8;
	[tilespmem:$0x1D990] =	vst v63  }
0x7e: {  	_ =	swait.ge [sflag:s21], $0x9E00  }
0x7f: {  	[sflag:s21] =	ssyncset.done $0x0  }
.Ltmp1:
0x80: {  	[sflag:s21] =	ssyncadd.s32 $0xFFFF6200;
	(pc) =	sbr.rel @p1 .LBB2_1-.Ltmp1, $4  }
0x81: {  	[bflag:$0x0] =	sbarrier.arrive $0xFFFF  }
0x82: {  	[hbm:s28], [sflag:s7] =	dma.local [spmem:s10], $0x4F0  }
0x83: {  	_ =	swait.ge [sflag:s9], $0x4F0  }
0x84: {  	[sflag:s9] =	ssyncset.done $0x0  }
.LBB2_2:
0x85: {  	[sflag:s9] =	ssyncadd.s32 $0xFFFFFB10  }
0x86: {  	_ =	sfence.sel $0x180000  }
0x87: {  	[bflag:$0x0] =	sbarrier.arrive $0xFFFF  }
0x88: {  	_ =	strace $0x90000050  }
0x89: {  	s0 =	sadd.s32 @!p0 $0x100000, s0;
	[bflag:$0x2] =	sbarrier.arrive $0xFFFF  }
0x8a: {  	[sflag:s0] =	ssyncadd.tile.s32 @!p0 $0x1;
	_ =	shalt  }
.Lfunc_end2:
_tile_overlayer_lowered:
.L_overlay_start_2:
0x8b: {  	(tag) =	ssettag $0x2  }
0x8c: {  	s0 =	rddreg [dreg:$0x0];
	s2 =	stileid.u32  }
0x8d: {  	s1 =	rddreg [dreg:$0x1];
	p0 =	sne.s32 s2, $0x0  }
0x8e: {  	s3 =	rddreg [dreg:$0x2];
	[bflag:$0x3] =	sbarrier.arrive $0xFFFF;
	s2 =	simm.s32 @!p0 $0x1C04  }
0x8f: {  	[timem:s3], [sflag:s2] =	dma.local @!p0 [hbm:s0], s1  }
0x90: {  	s0 =	simm.s32 @!p0 $0x4  }
0x91: {  	_ =	swait.ge @!p0 [sflag:s0], s1  }
0x92: {  	s1 =	ssub.s32 @!p0 $0x0, s1;
	[sflag:s0] =	ssyncset.done @!p0 $0x0  }
0x93: {  	[sflag:s0] =	ssyncadd.s32 @!p0 s1  }
0x94: {  	[bflag:$0x3] =	sbarrier.arrive $0xFFFF  }
0x95: {  	_ =	shalt  }

</sc_bundles>
